<compile_context>
chip_gen: v7x
topology: tpu7x:2x2x1
jax: 0.10.2.dev20260603
libtpu: 0.0.44.dev20260713+nightly
codegen_flags: <defaults>
</compile_context>

<pallas_src>
import jax
import jax.numpy as jnp
from jax import lax
from jax.experimental import pallas as pl
from jax.experimental.pallas import tpu as pltpu
from jax.experimental.pallas import tpu_sc as plsc

N_NODES = 10000
N_EDGES = 320000
D = 128
H = 64
L = 16
NC = 2
NS = 16
NP = 10112
JUNK = N_NODES
CHUNK = 128
EP = 327680
NCH = EP // (NS * CHUNK)
B = 16
NB = NCH // B
K = 4
RPT = NP // NS
_SEG = (CHUNK, CHUNK, CHUNK, CHUNK, RPT - 4 * CHUNK)


def _body(tbl, srcb, dstr, out, tblS, acc,
          sv0, sv1, dv0, dv1, g0, g1, g2, g3,
          is0, is1, gs0, gs1, gs2, gs3, ss0, ss1, ss2, ss3):
    svs = (sv0, sv1)
    dvs = (dv0, dv1)
    isems = (is0, is1)
    gbufs = (g0, g1, g2, g3)
    gsems = (gs0, gs1, gs2, gs3)
    ssems = (ss0, ss1, ss2, ss3)
    c = lax.axis_index("c")
    s = lax.axis_index("s")
    base = s * RPT
    cb = s * NCH

    pltpu.sync_copy(tbl.at[pl.ds(c * NP + base, RPT)], tblS.at[pl.ds(base, RPT)])
    pltpu.sync_copy(tbl.at[pl.ds(c * NP + base, RPT)], acc.at[pl.ds(base, RPT)])
    plsc.subcore_barrier()

    def idx_load(blk, par):
        pltpu.async_copy(srcb.at[c, pl.ds(cb + blk * B, B)], svs[par], isems[par])
        pltpu.async_copy(dstr.at[pl.ds(cb + blk * B, B)], dvs[par], isems[par])

    def idx_wait(par):
        pltpu.make_async_copy(srcb.at[c, pl.ds(cb, B)], svs[par], isems[par]).wait()
        pltpu.make_async_copy(dstr.at[pl.ds(cb, B)], dvs[par], isems[par]).wait()

    def edge_pass():
        idx_load(0, 0)
        idx_load(1, 1)

        @pl.loop(0, NB // 2)
        def _blk(bb):
            for par in range(2):
                b = bb * 2 + par
                idx_wait(par)

                @pl.loop(0, B // K)
                def _grp(g):
                    j0 = g * K
                    cps = [
                        pltpu.async_copy(
                            tblS.at[svs[par].at[j0 + k]], gbufs[k], gsems[k]
                        )
                        for k in range(K)
                    ]
                    scs = []
                    for k in range(K):
                        cps[k].wait()
                        scs.append(
                            pltpu.async_copy(
                                gbufs[k], acc.at[dvs[par].at[j0 + k]],
                                ssems[k], add=True,
                            )
                        )
                    for k in range(K):
                        scs[k].wait()

                @pl.when(b + 2 < NB)
                def _pf():
                    idx_load(b + 2, par)

    edge_pass()
    plsc.subcore_barrier()

    r0 = base
    for nr in _SEG:
        pltpu.sync_copy(acc.at[pl.ds(r0, nr)], g0.at[pl.ds(0, nr)])
        pltpu.sync_copy(tblS.at[pl.ds(r0, nr)], g1.at[pl.ds(0, nr)])

        @pl.loop(0, nr)
        def _subrow(i):
            for j in range(H // L):
                sl = pl.ds(j * L, L)
                g0[i, sl] = g0[i, sl] - g1[i, sl]

        pltpu.sync_copy(g0.at[pl.ds(0, nr)], tblS.at[pl.ds(r0, nr)])
        r0 += nr
    plsc.subcore_barrier()

    edge_pass()
    plsc.subcore_barrier()

    r0 = base
    for nr in _SEG:
        pltpu.sync_copy(acc.at[pl.ds(r0, nr)], g0.at[pl.ds(0, nr)])

        @pl.loop(0, nr)
        def _srow(i):
            for j in range(H // L):
                sl = pl.ds(j * L, L)
                g0[i, sl] = g0[i, sl] * jnp.float32(1.0 / 3.0)

        pltpu.sync_copy(g0.at[pl.ds(0, nr)], out.at[pl.ds(c * NP + r0, nr)])
        r0 += nr


_conv = pl.kernel(
    _body,
    out_type=(jax.ShapeDtypeStruct((NC * NP, H), jnp.float32),),
    mesh=plsc.VectorSubcoreMesh(
        core_axis_name="c", subcore_axis_name="s", num_cores=NC, num_subcores=NS
    ),
    scratch_types=[
        pltpu.VMEM_SHARED((NP, H), jnp.float32),
        pltpu.VMEM_SHARED((NP, H), jnp.float32),
    ]
    + [pltpu.VMEM((B, CHUNK), jnp.int32)] * 4
    + [pltpu.VMEM((CHUNK, H), jnp.float32)] * K
    + [pltpu.SemaphoreType.DMA] * (2 + 2 * K),
    compiler_params=pltpu.CompilerParams(use_tc_tiling_on_sc=False),
)


def kernel(features, edge_index):
    src = edge_index[0].astype(jnp.int32)
    dst = edge_index[1].astype(jnp.int32)
    pad_e = EP - N_EDGES
    src_p = jnp.concatenate([src, jnp.full((pad_e,), JUNK, jnp.int32)])
    dst_p = jnp.concatenate([dst, jnp.full((pad_e,), JUNK, jnp.int32)])
    srcb = jnp.stack([src_p, src_p]).reshape(NC, EP // CHUNK, CHUNK)
    dstr = dst_p.reshape(EP // CHUNK, CHUNK)
    xp = jnp.pad(features, ((0, NP - N_NODES), (0, 0)))
    tbl = xp.reshape(NP, NC, H).transpose(1, 0, 2).reshape(NC * NP, H)
    (out2,) = _conv(tbl, srcb, dstr)
    out = out2.reshape(NC, NP, H).transpose(1, 0, 2).reshape(NP, D)
    return out[:N_NODES]

# --- scband reference (transcript-rebuilt; emitter-appended) ---
"""Pipeline reference for scband-hyper-conv-77996606095425 (READ-ONLY COPY).

The authoritative reference and input builder live on the scoring server;
editing this copy changes nothing except your own understanding.
"""

import jax, jax.numpy as jnp
import numpy as np

N_NODES = 10000
N_EDGES = 320000
D_FEAT = 128
NUM_LAYERS = 2


def setup_inputs(seed: int = 0) -> dict:
    key = jax.random.key(seed)
    k1, k2 = jax.random.split(key, 2)
    features = jax.random.normal(k1, (N_NODES, D_FEAT), dtype=jnp.float32)
    # edge_index row 0 = src, row 1 = dst (values in [0, N_NODES))
    edge_index = jax.random.randint(k2, (2, N_EDGES), 0, N_NODES, dtype=jnp.int32)
    return {"features": features, "edge_index": edge_index}


def reference(features, edge_index):
    # HyperConv.forward: running average of LGConv(normalize=False) propagations.
    # LGConv with normalize=False and no edge weights is a plain neighbor-sum:
    #   out[i] = sum_{(j -> i) in edges} x[j]
    src = edge_index[0]
    dst = edge_index[1]

    def prop(x):
        msgs = jnp.take(x, src, axis=0)          # gather source node features per edge
        return jax.ops.segment_sum(msgs, dst, num_segments=N_NODES)  # scatter-add to dst

    denom = float(NUM_LAYERS + 1)
    avg_feats = features / denom
    feats = features
    for _ in range(NUM_LAYERS):
        feats = prop(feats)
        avg_feats = avg_feats + feats / denom
    return avg_feats

if __name__ == "__main__":
    import jax
    _d = setup_inputs()
    print(jax.jit(kernel)(*tuple(_d.values())))

</pallas_src>

<mosaic_0001>
#map = affine_map<(d0, d1) -> (0, 0)>
#map1 = affine_map<(d0, d1) -> (0, 0, 0)>
module attributes {stable_mosaic.version = 14 : i64} {
  func.func @_body(%arg0: i32, %arg1: i32, %arg2: memref<20224x64xf32, #tpu.memory_space<hbm>>, %arg3: memref<2x2560x128xi32, #tpu.memory_space<hbm>>, %arg4: memref<2560x128xi32, #tpu.memory_space<hbm>>, %arg5: memref<20224x64xf32, #tpu.memory_space<hbm>>, %arg6: memref<10112x64xf32, #tpu.memory_space<vmem_shared>>, %arg7: memref<10112x64xf32, #tpu.memory_space<vmem_shared>>, %arg8: memref<16x128xi32, #tpu.memory_space<vmem>>, %arg9: memref<16x128xi32, #tpu.memory_space<vmem>>, %arg10: memref<16x128xi32, #tpu.memory_space<vmem>>, %arg11: memref<16x128xi32, #tpu.memory_space<vmem>>, %arg12: memref<128x64xf32, #tpu.memory_space<vmem>>, %arg13: memref<128x64xf32, #tpu.memory_space<vmem>>, %arg14: memref<128x64xf32, #tpu.memory_space<vmem>>, %arg15: memref<128x64xf32, #tpu.memory_space<vmem>>, %arg16: memref<!tpu.dma_semaphore, #tpu.memory_space<semaphore_mem>>, %arg17: memref<!tpu.dma_semaphore, #tpu.memory_space<semaphore_mem>>, %arg18: memref<!tpu.dma_semaphore, #tpu.memory_space<semaphore_mem>>, %arg19: memref<!tpu.dma_semaphore, #tpu.memory_space<semaphore_mem>>, %arg20: memref<!tpu.dma_semaphore, #tpu.memory_space<semaphore_mem>>, %arg21: memref<!tpu.dma_semaphore, #tpu.memory_space<semaphore_mem>>, %arg22: memref<!tpu.dma_semaphore, #tpu.memory_space<semaphore_mem>>, %arg23: memref<!tpu.dma_semaphore, #tpu.memory_space<semaphore_mem>>, %arg24: memref<!tpu.dma_semaphore, #tpu.memory_space<semaphore_mem>>, %arg25: memref<!tpu.dma_semaphore, #tpu.memory_space<semaphore_mem>>) attributes {dimension_semantics = [#tpu.dimension_semantics<core_parallel>, #tpu.dimension_semantics<subcore_parallel>], iteration_bounds = array<i64: 2, 16>, scalar_prefetch = 0 : i64, scratch_operands = 20 : i64, tpu.core_type = #tpu.core_type<sc_vector_subcore>, window_params = [{transform_indices = #map}, {transform_indices = #map1}, {transform_indices = #map}, {transform_indices = #map}]} {
    %mul3A = arith.constant 632 : i32
    %mul3A_0 = arith.muli %arg1, %mul3A : i32
    %mul3A_1 = arith.constant 160 : i32
    %mul3A_2 = arith.muli %arg1, %mul3A_1 : i32
    %mul3A_3 = arith.constant 10112 : i32
    %mul3A_4 = arith.muli %arg0, %mul3A_3 : i32
    %add3A = arith.addi %mul3A_4, %mul3A_0 : i32
    "tpu.region"() ({
      %run_scoped3A = tpu.sem_alloc : memref<!tpu.dma_semaphore, #tpu.memory_space<semaphore_mem>>
      %dma_start3A_160 = arith.constant 0 : i32
      %dma_start3A_161 = tpu.memref_slice %arg6[%mul3A_0, %dma_start3A_160] : memref<10112x64xf32, #tpu.memory_space<vmem_shared>> -> memref<632x64xf32, #tpu.memory_space<vmem_shared>>
      %dma_start3A_162 = arith.constant 0 : i32
      %dma_start3A_163 = tpu.memref_slice %arg2[%add3A, %dma_start3A_162] : memref<20224x64xf32, #tpu.memory_space<hbm>> -> memref<632x64xf32, #tpu.memory_space<hbm>>
      tpu.enqueue_dma source(%dma_start3A_163 : memref<632x64xf32, #tpu.memory_space<hbm>>) target(%dma_start3A_161 : memref<632x64xf32, #tpu.memory_space<vmem_shared>>) target_semaphore(%run_scoped3A : memref<!tpu.dma_semaphore, #tpu.memory_space<semaphore_mem>>)
      %dma_wait3A = arith.constant 0 : i32
      %dma_wait3A_164 = tpu.memref_slice %arg6[%mul3A_0, %dma_wait3A] : memref<10112x64xf32, #tpu.memory_space<vmem_shared>> -> memref<632x64xf32, #tpu.memory_space<vmem_shared>>
      %dma_wait3A_165 = arith.constant 0 : i32
      %dma_wait3A_166 = tpu.memref_slice %arg2[%add3A, %dma_wait3A_165] : memref<20224x64xf32, #tpu.memory_space<hbm>> -> memref<632x64xf32, #tpu.memory_space<hbm>>
      tpu.wait_dma2 semaphore(%run_scoped3A : memref<!tpu.dma_semaphore, #tpu.memory_space<semaphore_mem>>) src(%dma_wait3A_166 : memref<632x64xf32, #tpu.memory_space<hbm>>) dst(%dma_wait3A_164 : memref<632x64xf32, #tpu.memory_space<vmem_shared>>)
      tpu.yield
    }) : () -> ()
    %mul3A_5 = arith.constant 10112 : i32
    %mul3A_6 = arith.muli %arg0, %mul3A_5 : i32
    %add3A_7 = arith.addi %mul3A_6, %mul3A_0 : i32
    "tpu.region"() ({
      %run_scoped3A = tpu.sem_alloc : memref<!tpu.dma_semaphore, #tpu.memory_space<semaphore_mem>>
      %dma_start3A_160 = arith.constant 0 : i32
      %dma_start3A_161 = tpu.memref_slice %arg7[%mul3A_0, %dma_start3A_160] : memref<10112x64xf32, #tpu.memory_space<vmem_shared>> -> memref<632x64xf32, #tpu.memory_space<vmem_shared>>
      %dma_start3A_162 = arith.constant 0 : i32
      %dma_start3A_163 = tpu.memref_slice %arg2[%add3A_7, %dma_start3A_162] : memref<20224x64xf32, #tpu.memory_space<hbm>> -> memref<632x64xf32, #tpu.memory_space<hbm>>
      tpu.enqueue_dma source(%dma_start3A_163 : memref<632x64xf32, #tpu.memory_space<hbm>>) target(%dma_start3A_161 : memref<632x64xf32, #tpu.memory_space<vmem_shared>>) target_semaphore(%run_scoped3A : memref<!tpu.dma_semaphore, #tpu.memory_space<semaphore_mem>>)
      %dma_wait3A = arith.constant 0 : i32
      %dma_wait3A_164 = tpu.memref_slice %arg7[%mul3A_0, %dma_wait3A] : memref<10112x64xf32, #tpu.memory_space<vmem_shared>> -> memref<632x64xf32, #tpu.memory_space<vmem_shared>>
      %dma_wait3A_165 = arith.constant 0 : i32
      %dma_wait3A_166 = tpu.memref_slice %arg2[%add3A_7, %dma_wait3A_165] : memref<20224x64xf32, #tpu.memory_space<hbm>> -> memref<632x64xf32, #tpu.memory_space<hbm>>
      tpu.wait_dma2 semaphore(%run_scoped3A : memref<!tpu.dma_semaphore, #tpu.memory_space<semaphore_mem>>) src(%dma_wait3A_166 : memref<632x64xf32, #tpu.memory_space<hbm>>) dst(%dma_wait3A_164 : memref<632x64xf32, #tpu.memory_space<vmem_shared>>)
      tpu.yield
    }) : () -> ()
    %barrier3A = arith.constant 0 : index
    tpu.barrier barrier_id(%barrier3A)
    %add3A_8 = arith.constant 0 : i32
    %add3A_9 = arith.addi %mul3A_2, %add3A_8 : i32
    %dma_start3A = arith.constant 0 : i32
    %dma_start3A_10 = tpu.memref_slice %arg3[%arg0, %add3A_9, %dma_start3A] : memref<2x2560x128xi32, #tpu.memory_space<hbm>> -> memref<1x16x128xi32, #tpu.memory_space<hbm>>
    %dma_start3A_11 = tpu.memref_squeeze %dma_start3A_10 : memref<1x16x128xi32, #tpu.memory_space<hbm>> -> memref<16x128xi32, #tpu.memory_space<hbm>>
    %dma_start3A_12 = arith.constant 0 : i32
    %dma_start3A_13 = tpu.memref_slice %arg3[%arg0, %add3A_9, %dma_start3A_12] : memref<2x2560x128xi32, #tpu.memory_space<hbm>> -> memref<1x16x128xi32, #tpu.memory_space<hbm>>
    %dma_start3A_14 = tpu.memref_squeeze %dma_start3A_13 : memref<1x16x128xi32, #tpu.memory_space<hbm>> -> memref<16x128xi32, #tpu.memory_space<hbm>>
    tpu.enqueue_dma source(%dma_start3A_14 : memref<16x128xi32, #tpu.memory_space<hbm>>) target(%arg8 : memref<16x128xi32, #tpu.memory_space<vmem>>) target_semaphore(%arg16 : memref<!tpu.dma_semaphore, #tpu.memory_space<semaphore_mem>>)
    %add3A_15 = arith.constant 0 : i32
    %add3A_16 = arith.addi %mul3A_2, %add3A_15 : i32
    %dma_start3A_17 = arith.constant 0 : i32
    %dma_start3A_18 = tpu.memref_slice %arg4[%add3A_16, %dma_start3A_17] : memref<2560x128xi32, #tpu.memory_space<hbm>> -> memref<16x128xi32, #tpu.memory_space<hbm>>
    %dma_start3A_19 = arith.constant 0 : i32
    %dma_start3A_20 = tpu.memref_slice %arg4[%add3A_16, %dma_start3A_19] : memref<2560x128xi32, #tpu.memory_space<hbm>> -> memref<16x128xi32, #tpu.memory_space<hbm>>
    tpu.enqueue_dma source(%dma_start3A_20 : memref<16x128xi32, #tpu.memory_space<hbm>>) target(%arg10 : memref<16x128xi32, #tpu.memory_space<vmem>>) target_semaphore(%arg16 : memref<!tpu.dma_semaphore, #tpu.memory_space<semaphore_mem>>)
    %add3A_21 = arith.constant 16 : i32
    %add3A_22 = arith.addi %mul3A_2, %add3A_21 : i32
    %dma_start3A_23 = arith.constant 0 : i32
    %dma_start3A_24 = tpu.memref_slice %arg3[%arg0, %add3A_22, %dma_start3A_23] : memref<2x2560x128xi32, #tpu.memory_space<hbm>> -> memref<1x16x128xi32, #tpu.memory_space<hbm>>
    %dma_start3A_25 = tpu.memref_squeeze %dma_start3A_24 : memref<1x16x128xi32, #tpu.memory_space<hbm>> -> memref<16x128xi32, #tpu.memory_space<hbm>>
    %dma_start3A_26 = arith.constant 0 : i32
    %dma_start3A_27 = tpu.memref_slice %arg3[%arg0, %add3A_22, %dma_start3A_26] : memref<2x2560x128xi32, #tpu.memory_space<hbm>> -> memref<1x16x128xi32, #tpu.memory_space<hbm>>
    %dma_start3A_28 = tpu.memref_squeeze %dma_start3A_27 : memref<1x16x128xi32, #tpu.memory_space<hbm>> -> memref<16x128xi32, #tpu.memory_space<hbm>>
    tpu.enqueue_dma source(%dma_start3A_28 : memref<16x128xi32, #tpu.memory_space<hbm>>) target(%arg9 : memref<16x128xi32, #tpu.memory_space<vmem>>) target_semaphore(%arg17 : memref<!tpu.dma_semaphore, #tpu.memory_space<semaphore_mem>>)
    %add3A_29 = arith.constant 16 : i32
    %add3A_30 = arith.addi %mul3A_2, %add3A_29 : i32
    %dma_start3A_31 = arith.constant 0 : i32
    %dma_start3A_32 = tpu.memref_slice %arg4[%add3A_30, %dma_start3A_31] : memref<2560x128xi32, #tpu.memory_space<hbm>> -> memref<16x128xi32, #tpu.memory_space<hbm>>
    %dma_start3A_33 = arith.constant 0 : i32
    %dma_start3A_34 = tpu.memref_slice %arg4[%add3A_30, %dma_start3A_33] : memref<2560x128xi32, #tpu.memory_space<hbm>> -> memref<16x128xi32, #tpu.memory_space<hbm>>
    tpu.enqueue_dma source(%dma_start3A_34 : memref<16x128xi32, #tpu.memory_space<hbm>>) target(%arg11 : memref<16x128xi32, #tpu.memory_space<vmem>>) target_semaphore(%arg17 : memref<!tpu.dma_semaphore, #tpu.memory_space<semaphore_mem>>)
    %scan3A = arith.constant 0 : i32
    %scan3A_35 = arith.constant 5 : i32
    %scan3A_36 = arith.addi %scan3A, %scan3A_35 : i32
    %scan3A_37 = arith.constant 1 : i32
    scf.for %scan3A_160 = %scan3A to %scan3A_36 step %scan3A_37  : i32 {
      %mul3A_161 = arith.constant 1 : i32
      %mul3A_162 = arith.muli %scan3A_160, %mul3A_161 : i32
      %add3A_163 = arith.constant 0 : i32
      %add3A_164 = arith.addi %add3A_163, %mul3A_162 : i32
      %mul3A_165 = arith.constant 2 : i32
      %mul3A_166 = arith.muli %add3A_164, %mul3A_165 : i32
      %add3A_167 = arith.constant 0 : i32
      %add3A_168 = arith.addi %mul3A_166, %add3A_167 : i32
      %dma_wait3A = arith.constant 0 : i32
      %dma_wait3A_169 = tpu.memref_slice %arg3[%arg0, %mul3A_2, %dma_wait3A] : memref<2x2560x128xi32, #tpu.memory_space<hbm>> -> memref<1x16x128xi32, #tpu.memory_space<hbm>>
      %dma_wait3A_170 = tpu.memref_squeeze %dma_wait3A_169 : memref<1x16x128xi32, #tpu.memory_space<hbm>> -> memref<16x128xi32, #tpu.memory_space<hbm>>
      %dma_wait3A_171 = arith.constant 0 : i32
      %dma_wait3A_172 = tpu.memref_slice %arg3[%arg0, %mul3A_2, %dma_wait3A_171] : memref<2x2560x128xi32, #tpu.memory_space<hbm>> -> memref<1x16x128xi32, #tpu.memory_space<hbm>>
      %dma_wait3A_173 = tpu.memref_squeeze %dma_wait3A_172 : memref<1x16x128xi32, #tpu.memory_space<hbm>> -> memref<16x128xi32, #tpu.memory_space<hbm>>
      tpu.wait_dma2 semaphore(%arg16 : memref<!tpu.dma_semaphore, #tpu.memory_space<semaphore_mem>>) src(%dma_wait3A_173 : memref<16x128xi32, #tpu.memory_space<hbm>>) dst(%arg8 : memref<16x128xi32, #tpu.memory_space<vmem>>)
      %dma_wait3A_174 = arith.constant 0 : i32
      %dma_wait3A_175 = tpu.memref_slice %arg4[%mul3A_2, %dma_wait3A_174] : memref<2560x128xi32, #tpu.memory_space<hbm>> -> memref<16x128xi32, #tpu.memory_space<hbm>>
      %dma_wait3A_176 = arith.constant 0 : i32
      %dma_wait3A_177 = tpu.memref_slice %arg4[%mul3A_2, %dma_wait3A_176] : memref<2560x128xi32, #tpu.memory_space<hbm>> -> memref<16x128xi32, #tpu.memory_space<hbm>>
      tpu.wait_dma2 semaphore(%arg16 : memref<!tpu.dma_semaphore, #tpu.memory_space<semaphore_mem>>) src(%dma_wait3A_177 : memref<16x128xi32, #tpu.memory_space<hbm>>) dst(%arg10 : memref<16x128xi32, #tpu.memory_space<vmem>>)
      %scan3A_178 = arith.constant 0 : i32
      %scan3A_179 = arith.constant 4 : i32
      %scan3A_180 = arith.addi %scan3A_178, %scan3A_179 : i32
      %scan3A_181 = arith.constant 1 : i32
      scf.for %scan3A_213 = %scan3A_178 to %scan3A_180 step %scan3A_181  : i32 {
        %mul3A_214 = arith.constant 1 : i32
        %mul3A_215 = arith.muli %scan3A_213, %mul3A_214 : i32
        %add3A_216 = arith.constant 0 : i32
        %add3A_217 = arith.addi %add3A_216, %mul3A_215 : i32
        %mul3A_218 = arith.constant 4 : i32
        %mul3A_219 = arith.muli %add3A_217, %mul3A_218 : i32
        %add3A_220 = arith.constant 0 : i32
        %add3A_221 = arith.addi %mul3A_219, %add3A_220 : i32
        %dma_start3A_222 = arith.constant 0 : i32
        %dma_start3A_223 = tpu.memref_slice %arg8[%add3A_221, %dma_start3A_222] : memref<16x128xi32, #tpu.memory_space<vmem>> -> memref<1x128xi32, #tpu.memory_space<vmem>>
        %dma_start3A_224 = tpu.memref_squeeze %dma_start3A_223 : memref<1x128xi32, #tpu.memory_space<vmem>> -> memref<128xi32, #tpu.memory_space<vmem>>
        %dma_start3A_225 = arith.constant 0 : i32
        %dma_start3A_226 = arith.constant 0 : i32
        %dma_start3A_227 = tpu.memref_slice %arg6[%dma_start3A_225, %dma_start3A_226] : memref<10112x64xf32, #tpu.memory_space<vmem_shared>> -> memref<10112x64xf32, #tpu.memory_space<vmem_shared>>
        tpu.enqueue_indirect_dma source(%dma_start3A_227 : memref<10112x64xf32, #tpu.memory_space<vmem_shared>>) target(%arg12 : memref<128x64xf32, #tpu.memory_space<vmem>>) offsets(%dma_start3A_224 : memref<128xi32, #tpu.memory_space<vmem>>) semaphore(%arg18 : memref<!tpu.dma_semaphore, #tpu.memory_space<semaphore_mem>>)
        %add3A_228 = arith.constant 1 : i32
        %add3A_229 = arith.addi %mul3A_219, %add3A_228 : i32
        %dma_start3A_230 = arith.constant 0 : i32
        %dma_start3A_231 = tpu.memref_slice %arg8[%add3A_229, %dma_start3A_230] : memref<16x128xi32, #tpu.memory_space<vmem>> -> memref<1x128xi32, #tpu.memory_space<vmem>>
        %dma_start3A_232 = tpu.memref_squeeze %dma_start3A_231 : memref<1x128xi32, #tpu.memory_space<vmem>> -> memref<128xi32, #tpu.memory_space<vmem>>
        %dma_start3A_233 = arith.constant 0 : i32
        %dma_start3A_234 = arith.constant 0 : i32
        %dma_start3A_235 = tpu.memref_slice %arg6[%dma_start3A_233, %dma_start3A_234] : memref<10112x64xf32, #tpu.memory_space<vmem_shared>> -> memref<10112x64xf32, #tpu.memory_space<vmem_shared>>
        tpu.enqueue_indirect_dma source(%dma_start3A_235 : memref<10112x64xf32, #tpu.memory_space<vmem_shared>>) target(%arg13 : memref<128x64xf32, #tpu.memory_space<vmem>>) offsets(%dma_start3A_232 : memref<128xi32, #tpu.memory_space<vmem>>) semaphore(%arg19 : memref<!tpu.dma_semaphore, #tpu.memory_space<semaphore_mem>>)
        %add3A_236 = arith.constant 2 : i32
        %add3A_237 = arith.addi %mul3A_219, %add3A_236 : i32
        %dma_start3A_238 = arith.constant 0 : i32
        %dma_start3A_239 = tpu.memref_slice %arg8[%add3A_237, %dma_start3A_238] : memref<16x128xi32, #tpu.memory_space<vmem>> -> memref<1x128xi32, #tpu.memory_space<vmem>>
        %dma_start3A_240 = tpu.memref_squeeze %dma_start3A_239 : memref<1x128xi32, #tpu.memory_space<vmem>> -> memref<128xi32, #tpu.memory_space<vmem>>
        %dma_start3A_241 = arith.constant 0 : i32
        %dma_start3A_242 = arith.constant 0 : i32
        %dma_start3A_243 = tpu.memref_slice %arg6[%dma_start3A_241, %dma_start3A_242] : memref<10112x64xf32, #tpu.memory_space<vmem_shared>> -> memref<10112x64xf32, #tpu.memory_space<vmem_shared>>
        tpu.enqueue_indirect_dma source(%dma_start3A_243 : memref<10112x64xf32, #tpu.memory_space<vmem_shared>>) target(%arg14 : memref<128x64xf32, #tpu.memory_space<vmem>>) offsets(%dma_start3A_240 : memref<128xi32, #tpu.memory_space<vmem>>) semaphore(%arg20 : memref<!tpu.dma_semaphore, #tpu.memory_space<semaphore_mem>>)
        %add3A_244 = arith.constant 3 : i32
        %add3A_245 = arith.addi %mul3A_219, %add3A_244 : i32
        %dma_start3A_246 = arith.constant 0 : i32
        %dma_start3A_247 = tpu.memref_slice %arg8[%add3A_245, %dma_start3A_246] : memref<16x128xi32, #tpu.memory_space<vmem>> -> memref<1x128xi32, #tpu.memory_space<vmem>>
        %dma_start3A_248 = tpu.memref_squeeze %dma_start3A_247 : memref<1x128xi32, #tpu.memory_space<vmem>> -> memref<128xi32, #tpu.memory_space<vmem>>
        %dma_start3A_249 = arith.constant 0 : i32
        %dma_start3A_250 = arith.constant 0 : i32
        %dma_start3A_251 = tpu.memref_slice %arg6[%dma_start3A_249, %dma_start3A_250] : memref<10112x64xf32, #tpu.memory_space<vmem_shared>> -> memref<10112x64xf32, #tpu.memory_space<vmem_shared>>
        tpu.enqueue_indirect_dma source(%dma_start3A_251 : memref<10112x64xf32, #tpu.memory_space<vmem_shared>>) target(%arg15 : memref<128x64xf32, #tpu.memory_space<vmem>>) offsets(%dma_start3A_248 : memref<128xi32, #tpu.memory_space<vmem>>) semaphore(%arg21 : memref<!tpu.dma_semaphore, #tpu.memory_space<semaphore_mem>>)
        %dma_wait3A_252 = arith.constant 0 : i32
        %dma_wait3A_253 = tpu.memref_slice %arg8[%add3A_221, %dma_wait3A_252] : memref<16x128xi32, #tpu.memory_space<vmem>> -> memref<1x128xi32, #tpu.memory_space<vmem>>
        %dma_wait3A_254 = tpu.memref_squeeze %dma_wait3A_253 : memref<1x128xi32, #tpu.memory_space<vmem>> -> memref<128xi32, #tpu.memory_space<vmem>>
        %dma_wait3A_255 = arith.constant 0 : i32
        %dma_wait3A_256 = arith.constant 0 : i32
        %dma_wait3A_257 = tpu.memref_slice %arg6[%dma_wait3A_255, %dma_wait3A_256] : memref<10112x64xf32, #tpu.memory_space<vmem_shared>> -> memref<10112x64xf32, #tpu.memory_space<vmem_shared>>
        tpu.wait_indirect_dma semaphore(%arg18 : memref<!tpu.dma_semaphore, #tpu.memory_space<semaphore_mem>>) src(%dma_wait3A_257 : memref<10112x64xf32, #tpu.memory_space<vmem_shared>>) dst(%arg12 : memref<128x64xf32, #tpu.memory_space<vmem>>)
        %add3A_258 = arith.constant 0 : i32
        %add3A_259 = arith.addi %mul3A_219, %add3A_258 : i32
        %dma_start3A_260 = arith.constant 0 : i32
        %dma_start3A_261 = tpu.memref_slice %arg10[%add3A_259, %dma_start3A_260] : memref<16x128xi32, #tpu.memory_space<vmem>> -> memref<1x128xi32, #tpu.memory_space<vmem>>
        %dma_start3A_262 = tpu.memref_squeeze %dma_start3A_261 : memref<1x128xi32, #tpu.memory_space<vmem>> -> memref<128xi32, #tpu.memory_space<vmem>>
        %dma_start3A_263 = arith.constant 0 : i32
        %dma_start3A_264 = arith.constant 0 : i32
        %dma_start3A_265 = tpu.memref_slice %arg7[%dma_start3A_263, %dma_start3A_264] : memref<10112x64xf32, #tpu.memory_space<vmem_shared>> -> memref<10112x64xf32, #tpu.memory_space<vmem_shared>>
        tpu.enqueue_indirect_dma source(%arg12 : memref<128x64xf32, #tpu.memory_space<vmem>>) target(%dma_start3A_265 : memref<10112x64xf32, #tpu.memory_space<vmem_shared>>) offsets(%dma_start3A_262 : memref<128xi32, #tpu.memory_space<vmem>>) semaphore(%arg22 : memref<!tpu.dma_semaphore, #tpu.memory_space<semaphore_mem>>) {add = true}
        %dma_wait3A_266 = arith.constant 0 : i32
        %dma_wait3A_267 = tpu.memref_slice %arg8[%add3A_229, %dma_wait3A_266] : memref<16x128xi32, #tpu.memory_space<vmem>> -> memref<1x128xi32, #tpu.memory_space<vmem>>
        %dma_wait3A_268 = tpu.memref_squeeze %dma_wait3A_267 : memref<1x128xi32, #tpu.memory_space<vmem>> -> memref<128xi32, #tpu.memory_space<vmem>>
        %dma_wait3A_269 = arith.constant 0 : i32
        %dma_wait3A_270 = arith.constant 0 : i32
        %dma_wait3A_271 = tpu.memref_slice %arg6[%dma_wait3A_269, %dma_wait3A_270] : memref<10112x64xf32, #tpu.memory_space<vmem_shared>> -> memref<10112x64xf32, #tpu.memory_space<vmem_shared>>
        tpu.wait_indirect_dma semaphore(%arg19 : memref<!tpu.dma_semaphore, #tpu.memory_space<semaphore_mem>>) src(%dma_wait3A_271 : memref<10112x64xf32, #tpu.memory_space<vmem_shared>>) dst(%arg13 : memref<128x64xf32, #tpu.memory_space<vmem>>)
        %add3A_272 = arith.constant 1 : i32
        %add3A_273 = arith.addi %mul3A_219, %add3A_272 : i32
        %dma_start3A_274 = arith.constant 0 : i32
        %dma_start3A_275 = tpu.memref_slice %arg10[%add3A_273, %dma_start3A_274] : memref<16x128xi32, #tpu.memory_space<vmem>> -> memref<1x128xi32, #tpu.memory_space<vmem>>
        %dma_start3A_276 = tpu.memref_squeeze %dma_start3A_275 : memref<1x128xi32, #tpu.memory_space<vmem>> -> memref<128xi32, #tpu.memory_space<vmem>>
        %dma_start3A_277 = arith.constant 0 : i32
        %dma_start3A_278 = arith.constant 0 : i32
        %dma_start3A_279 = tpu.memref_slice %arg7[%dma_start3A_277, %dma_start3A_278] : memref<10112x64xf32, #tpu.memory_space<vmem_shared>> -> memref<10112x64xf32, #tpu.memory_space<vmem_shared>>
        tpu.enqueue_indirect_dma source(%arg13 : memref<128x64xf32, #tpu.memory_space<vmem>>) target(%dma_start3A_279 : memref<10112x64xf32, #tpu.memory_space<vmem_shared>>) offsets(%dma_start3A_276 : memref<128xi32, #tpu.memory_space<vmem>>) semaphore(%arg23 : memref<!tpu.dma_semaphore, #tpu.memory_space<semaphore_mem>>) {add = true}
        %dma_wait3A_280 = arith.constant 0 : i32
        %dma_wait3A_281 = tpu.memref_slice %arg8[%add3A_237, %dma_wait3A_280] : memref<16x128xi32, #tpu.memory_space<vmem>> -> memref<1x128xi32, #tpu.memory_space<vmem>>
        %dma_wait3A_282 = tpu.memref_squeeze %dma_wait3A_281 : memref<1x128xi32, #tpu.memory_space<vmem>> -> memref<128xi32, #tpu.memory_space<vmem>>
        %dma_wait3A_283 = arith.constant 0 : i32
        %dma_wait3A_284 = arith.constant 0 : i32
        %dma_wait3A_285 = tpu.memref_slice %arg6[%dma_wait3A_283, %dma_wait3A_284] : memref<10112x64xf32, #tpu.memory_space<vmem_shared>> -> memref<10112x64xf32, #tpu.memory_space<vmem_shared>>
        tpu.wait_indirect_dma semaphore(%arg20 : memref<!tpu.dma_semaphore, #tpu.memory_space<semaphore_mem>>) src(%dma_wait3A_285 : memref<10112x64xf32, #tpu.memory_space<vmem_shared>>) dst(%arg14 : memref<128x64xf32, #tpu.memory_space<vmem>>)
        %add3A_286 = arith.constant 2 : i32
        %add3A_287 = arith.addi %mul3A_219, %add3A_286 : i32
        %dma_start3A_288 = arith.constant 0 : i32
        %dma_start3A_289 = tpu.memref_slice %arg10[%add3A_287, %dma_start3A_288] : memref<16x128xi32, #tpu.memory_space<vmem>> -> memref<1x128xi32, #tpu.memory_space<vmem>>
        %dma_start3A_290 = tpu.memref_squeeze %dma_start3A_289 : memref<1x128xi32, #tpu.memory_space<vmem>> -> memref<128xi32, #tpu.memory_space<vmem>>
        %dma_start3A_291 = arith.constant 0 : i32
        %dma_start3A_292 = arith.constant 0 : i32
        %dma_start3A_293 = tpu.memref_slice %arg7[%dma_start3A_291, %dma_start3A_292] : memref<10112x64xf32, #tpu.memory_space<vmem_shared>> -> memref<10112x64xf32, #tpu.memory_space<vmem_shared>>
        tpu.enqueue_indirect_dma source(%arg14 : memref<128x64xf32, #tpu.memory_space<vmem>>) target(%dma_start3A_293 : memref<10112x64xf32, #tpu.memory_space<vmem_shared>>) offsets(%dma_start3A_290 : memref<128xi32, #tpu.memory_space<vmem>>) semaphore(%arg24 : memref<!tpu.dma_semaphore, #tpu.memory_space<semaphore_mem>>) {add = true}
        %dma_wait3A_294 = arith.constant 0 : i32
        %dma_wait3A_295 = tpu.memref_slice %arg8[%add3A_245, %dma_wait3A_294] : memref<16x128xi32, #tpu.memory_space<vmem>> -> memref<1x128xi32, #tpu.memory_space<vmem>>
        %dma_wait3A_296 = tpu.memref_squeeze %dma_wait3A_295 : memref<1x128xi32, #tpu.memory_space<vmem>> -> memref<128xi32, #tpu.memory_space<vmem>>
        %dma_wait3A_297 = arith.constant 0 : i32
        %dma_wait3A_298 = arith.constant 0 : i32
        %dma_wait3A_299 = tpu.memref_slice %arg6[%dma_wait3A_297, %dma_wait3A_298] : memref<10112x64xf32, #tpu.memory_space<vmem_shared>> -> memref<10112x64xf32, #tpu.memory_space<vmem_shared>>
        tpu.wait_indirect_dma semaphore(%arg21 : memref<!tpu.dma_semaphore, #tpu.memory_space<semaphore_mem>>) src(%dma_wait3A_299 : memref<10112x64xf32, #tpu.memory_space<vmem_shared>>) dst(%arg15 : memref<128x64xf32, #tpu.memory_space<vmem>>)
        %add3A_300 = arith.constant 3 : i32
        %add3A_301 = arith.addi %mul3A_219, %add3A_300 : i32
        %dma_start3A_302 = arith.constant 0 : i32
        %dma_start3A_303 = tpu.memref_slice %arg10[%add3A_301, %dma_start3A_302] : memref<16x128xi32, #tpu.memory_space<vmem>> -> memref<1x128xi32, #tpu.memory_space<vmem>>
        %dma_start3A_304 = tpu.memref_squeeze %dma_start3A_303 : memref<1x128xi32, #tpu.memory_space<vmem>> -> memref<128xi32, #tpu.memory_space<vmem>>
        %dma_start3A_305 = arith.constant 0 : i32
        %dma_start3A_306 = arith.constant 0 : i32
        %dma_start3A_307 = tpu.memref_slice %arg7[%dma_start3A_305, %dma_start3A_306] : memref<10112x64xf32, #tpu.memory_space<vmem_shared>> -> memref<10112x64xf32, #tpu.memory_space<vmem_shared>>
        tpu.enqueue_indirect_dma source(%arg15 : memref<128x64xf32, #tpu.memory_space<vmem>>) target(%dma_start3A_307 : memref<10112x64xf32, #tpu.memory_space<vmem_shared>>) offsets(%dma_start3A_304 : memref<128xi32, #tpu.memory_space<vmem>>) semaphore(%arg25 : memref<!tpu.dma_semaphore, #tpu.memory_space<semaphore_mem>>) {add = true}
        %dma_wait3A_308 = arith.constant 0 : i32
        %dma_wait3A_309 = tpu.memref_slice %arg10[%add3A_259, %dma_wait3A_308] : memref<16x128xi32, #tpu.memory_space<vmem>> -> memref<1x128xi32, #tpu.memory_space<vmem>>
        %dma_wait3A_310 = tpu.memref_squeeze %dma_wait3A_309 : memref<1x128xi32, #tpu.memory_space<vmem>> -> memref<128xi32, #tpu.memory_space<vmem>>
        %dma_wait3A_311 = arith.constant 0 : i32
        %dma_wait3A_312 = arith.constant 0 : i32
        %dma_wait3A_313 = tpu.memref_slice %arg7[%dma_wait3A_311, %dma_wait3A_312] : memref<10112x64xf32, #tpu.memory_space<vmem_shared>> -> memref<10112x64xf32, #tpu.memory_space<vmem_shared>>
        tpu.wait_indirect_dma semaphore(%arg22 : memref<!tpu.dma_semaphore, #tpu.memory_space<semaphore_mem>>) src(%arg12 : memref<128x64xf32, #tpu.memory_space<vmem>>) dst(%dma_wait3A_313 : memref<10112x64xf32, #tpu.memory_space<vmem_shared>>)
        %dma_wait3A_314 = arith.constant 0 : i32
        %dma_wait3A_315 = tpu.memref_slice %arg10[%add3A_273, %dma_wait3A_314] : memref<16x128xi32, #tpu.memory_space<vmem>> -> memref<1x128xi32, #tpu.memory_space<vmem>>
        %dma_wait3A_316 = tpu.memref_squeeze %dma_wait3A_315 : memref<1x128xi32, #tpu.memory_space<vmem>> -> memref<128xi32, #tpu.memory_space<vmem>>
        %dma_wait3A_317 = arith.constant 0 : i32
        %dma_wait3A_318 = arith.constant 0 : i32
        %dma_wait3A_319 = tpu.memref_slice %arg7[%dma_wait3A_317, %dma_wait3A_318] : memref<10112x64xf32, #tpu.memory_space<vmem_shared>> -> memref<10112x64xf32, #tpu.memory_space<vmem_shared>>
        tpu.wait_indirect_dma semaphore(%arg23 : memref<!tpu.dma_semaphore, #tpu.memory_space<semaphore_mem>>) src(%arg13 : memref<128x64xf32, #tpu.memory_space<vmem>>) dst(%dma_wait3A_319 : memref<10112x64xf32, #tpu.memory_space<vmem_shared>>)
        %dma_wait3A_320 = arith.constant 0 : i32
        %dma_wait3A_321 = tpu.memref_slice %arg10[%add3A_287, %dma_wait3A_320] : memref<16x128xi32, #tpu.memory_space<vmem>> -> memref<1x128xi32, #tpu.memory_space<vmem>>
        %dma_wait3A_322 = tpu.memref_squeeze %dma_wait3A_321 : memref<1x128xi32, #tpu.memory_space<vmem>> -> memref<128xi32, #tpu.memory_space<vmem>>
        %dma_wait3A_323 = arith.constant 0 : i32
        %dma_wait3A_324 = arith.constant 0 : i32
        %dma_wait3A_325 = tpu.memref_slice %arg7[%dma_wait3A_323, %dma_wait3A_324] : memref<10112x64xf32, #tpu.memory_space<vmem_shared>> -> memref<10112x64xf32, #tpu.memory_space<vmem_shared>>
        tpu.wait_indirect_dma semaphore(%arg24 : memref<!tpu.dma_semaphore, #tpu.memory_space<semaphore_mem>>) src(%arg14 : memref<128x64xf32, #tpu.memory_space<vmem>>) dst(%dma_wait3A_325 : memref<10112x64xf32, #tpu.memory_space<vmem_shared>>)
        %dma_wait3A_326 = arith.constant 0 : i32
        %dma_wait3A_327 = tpu.memref_slice %arg10[%add3A_301, %dma_wait3A_326] : memref<16x128xi32, #tpu.memory_space<vmem>> -> memref<1x128xi32, #tpu.memory_space<vmem>>
        %dma_wait3A_328 = tpu.memref_squeeze %dma_wait3A_327 : memref<1x128xi32, #tpu.memory_space<vmem>> -> memref<128xi32, #tpu.memory_space<vmem>>
        %dma_wait3A_329 = arith.constant 0 : i32
        %dma_wait3A_330 = arith.constant 0 : i32
        %dma_wait3A_331 = tpu.memref_slice %arg7[%dma_wait3A_329, %dma_wait3A_330] : memref<10112x64xf32, #tpu.memory_space<vmem_shared>> -> memref<10112x64xf32, #tpu.memory_space<vmem_shared>>
        tpu.wait_indirect_dma semaphore(%arg25 : memref<!tpu.dma_semaphore, #tpu.memory_space<semaphore_mem>>) src(%arg15 : memref<128x64xf32, #tpu.memory_space<vmem>>) dst(%dma_wait3A_331 : memref<10112x64xf32, #tpu.memory_space<vmem_shared>>)
      }
      %scan3A_182 = arith.constant 4 : i32
      %add3A_183 = arith.constant 2 : i32
      %add3A_184 = arith.addi %add3A_168, %add3A_183 : i32
      %lt3A = arith.constant 10 : i32
      %lt3A_185 = arith.cmpi slt, %add3A_184, %lt3A : i32
      %convert_element_type3A = arith.extui %lt3A_185 : i1 to i32
      %cond3A = arith.constant 0 : i32
      %cond3A_186 = arith.cmpi ne, %convert_element_type3A, %cond3A : i32
      scf.if %cond3A_186 {
        %add3A_213 = arith.constant 2 : i32
        %add3A_214 = arith.addi %add3A_168, %add3A_213 : i32
        %mul3A_215 = arith.constant 16 : i32
        %mul3A_216 = arith.muli %add3A_214, %mul3A_215 : i32
        %add3A_217 = arith.addi %mul3A_2, %mul3A_216 : i32
        %dma_start3A_218 = arith.constant 0 : i32
        %dma_start3A_219 = tpu.memref_slice %arg3[%arg0, %add3A_217, %dma_start3A_218] : memref<2x2560x128xi32, #tpu.memory_space<hbm>> -> memref<1x16x128xi32, #tpu.memory_space<hbm>>
        %dma_start3A_220 = tpu.memref_squeeze %dma_start3A_219 : memref<1x16x128xi32, #tpu.memory_space<hbm>> -> memref<16x128xi32, #tpu.memory_space<hbm>>
        %dma_start3A_221 = arith.constant 0 : i32
        %dma_start3A_222 = tpu.memref_slice %arg3[%arg0, %add3A_217, %dma_start3A_221] : memref<2x2560x128xi32, #tpu.memory_space<hbm>> -> memref<1x16x128xi32, #tpu.memory_space<hbm>>
        %dma_start3A_223 = tpu.memref_squeeze %dma_start3A_222 : memref<1x16x128xi32, #tpu.memory_space<hbm>> -> memref<16x128xi32, #tpu.memory_space<hbm>>
        tpu.enqueue_dma source(%dma_start3A_223 : memref<16x128xi32, #tpu.memory_space<hbm>>) target(%arg8 : memref<16x128xi32, #tpu.memory_space<vmem>>) target_semaphore(%arg16 : memref<!tpu.dma_semaphore, #tpu.memory_space<semaphore_mem>>)
        %mul3A_224 = arith.constant 16 : i32
        %mul3A_225 = arith.muli %add3A_214, %mul3A_224 : i32
        %add3A_226 = arith.addi %mul3A_2, %mul3A_225 : i32
        %dma_start3A_227 = arith.constant 0 : i32
        %dma_start3A_228 = tpu.memref_slice %arg4[%add3A_226, %dma_start3A_227] : memref<2560x128xi32, #tpu.memory_space<hbm>> -> memref<16x128xi32, #tpu.memory_space<hbm>>
        %dma_start3A_229 = arith.constant 0 : i32
        %dma_start3A_230 = tpu.memref_slice %arg4[%add3A_226, %dma_start3A_229] : memref<2560x128xi32, #tpu.memory_space<hbm>> -> memref<16x128xi32, #tpu.memory_space<hbm>>
        tpu.enqueue_dma source(%dma_start3A_230 : memref<16x128xi32, #tpu.memory_space<hbm>>) target(%arg10 : memref<16x128xi32, #tpu.memory_space<vmem>>) target_semaphore(%arg16 : memref<!tpu.dma_semaphore, #tpu.memory_space<semaphore_mem>>)
      } else {
      }
      %mul3A_187 = arith.constant 2 : i32
      %mul3A_188 = arith.muli %add3A_164, %mul3A_187 : i32
      %add3A_189 = arith.constant 1 : i32
      %add3A_190 = arith.addi %mul3A_188, %add3A_189 : i32
      %dma_wait3A_191 = arith.constant 0 : i32
      %dma_wait3A_192 = tpu.memref_slice %arg3[%arg0, %mul3A_2, %dma_wait3A_191] : memref<2x2560x128xi32, #tpu.memory_space<hbm>> -> memref<1x16x128xi32, #tpu.memory_space<hbm>>
      %dma_wait3A_193 = tpu.memref_squeeze %dma_wait3A_192 : memref<1x16x128xi32, #tpu.memory_space<hbm>> -> memref<16x128xi32, #tpu.memory_space<hbm>>
      %dma_wait3A_194 = arith.constant 0 : i32
      %dma_wait3A_195 = tpu.memref_slice %arg3[%arg0, %mul3A_2, %dma_wait3A_194] : memref<2x2560x128xi32, #tpu.memory_space<hbm>> -> memref<1x16x128xi32, #tpu.memory_space<hbm>>
      %dma_wait3A_196 = tpu.memref_squeeze %dma_wait3A_195 : memref<1x16x128xi32, #tpu.memory_space<hbm>> -> memref<16x128xi32, #tpu.memory_space<hbm>>
      tpu.wait_dma2 semaphore(%arg17 : memref<!tpu.dma_semaphore, #tpu.memory_space<semaphore_mem>>) src(%dma_wait3A_196 : memref<16x128xi32, #tpu.memory_space<hbm>>) dst(%arg9 : memref<16x128xi32, #tpu.memory_space<vmem>>)
      %dma_wait3A_197 = arith.constant 0 : i32
      %dma_wait3A_198 = tpu.memref_slice %arg4[%mul3A_2, %dma_wait3A_197] : memref<2560x128xi32, #tpu.memory_space<hbm>> -> memref<16x128xi32, #tpu.memory_space<hbm>>
      %dma_wait3A_199 = arith.constant 0 : i32
      %dma_wait3A_200 = tpu.memref_slice %arg4[%mul3A_2, %dma_wait3A_199] : memref<2560x128xi32, #tpu.memory_space<hbm>> -> memref<16x128xi32, #tpu.memory_space<hbm>>
      tpu.wait_dma2 semaphore(%arg17 : memref<!tpu.dma_semaphore, #tpu.memory_space<semaphore_mem>>) src(%dma_wait3A_200 : memref<16x128xi32, #tpu.memory_space<hbm>>) dst(%arg11 : memref<16x128xi32, #tpu.memory_space<vmem>>)
      %scan3A_201 = arith.constant 0 : i32
      %scan3A_202 = arith.constant 4 : i32
      %scan3A_203 = arith.addi %scan3A_201, %scan3A_202 : i32
      %scan3A_204 = arith.constant 1 : i32
      scf.for %scan3A_213 = %scan3A_201 to %scan3A_203 step %scan3A_204  : i32 {
        %mul3A_214 = arith.constant 1 : i32
        %mul3A_215 = arith.muli %scan3A_213, %mul3A_214 : i32
        %add3A_216 = arith.constant 0 : i32
        %add3A_217 = arith.addi %add3A_216, %mul3A_215 : i32
        %mul3A_218 = arith.constant 4 : i32
        %mul3A_219 = arith.muli %add3A_217, %mul3A_218 : i32
        %add3A_220 = arith.constant 0 : i32
        %add3A_221 = arith.addi %mul3A_219, %add3A_220 : i32
        %dma_start3A_222 = arith.constant 0 : i32
        %dma_start3A_223 = tpu.memref_slice %arg9[%add3A_221, %dma_start3A_222] : memref<16x128xi32, #tpu.memory_space<vmem>> -> memref<1x128xi32, #tpu.memory_space<vmem>>
        %dma_start3A_224 = tpu.memref_squeeze %dma_start3A_223 : memref<1x128xi32, #tpu.memory_space<vmem>> -> memref<128xi32, #tpu.memory_space<vmem>>
        %dma_start3A_225 = arith.constant 0 : i32
        %dma_start3A_226 = arith.constant 0 : i32
        %dma_start3A_227 = tpu.memref_slice %arg6[%dma_start3A_225, %dma_start3A_226] : memref<10112x64xf32, #tpu.memory_space<vmem_shared>> -> memref<10112x64xf32, #tpu.memory_space<vmem_shared>>
        tpu.enqueue_indirect_dma source(%dma_start3A_227 : memref<10112x64xf32, #tpu.memory_space<vmem_shared>>) target(%arg12 : memref<128x64xf32, #tpu.memory_space<vmem>>) offsets(%dma_start3A_224 : memref<128xi32, #tpu.memory_space<vmem>>) semaphore(%arg18 : memref<!tpu.dma_semaphore, #tpu.memory_space<semaphore_mem>>)
        %add3A_228 = arith.constant 1 : i32
        %add3A_229 = arith.addi %mul3A_219, %add3A_228 : i32
        %dma_start3A_230 = arith.constant 0 : i32
        %dma_start3A_231 = tpu.memref_slice %arg9[%add3A_229, %dma_start3A_230] : memref<16x128xi32, #tpu.memory_space<vmem>> -> memref<1x128xi32, #tpu.memory_space<vmem>>
        %dma_start3A_232 = tpu.memref_squeeze %dma_start3A_231 : memref<1x128xi32, #tpu.memory_space<vmem>> -> memref<128xi32, #tpu.memory_space<vmem>>
        %dma_start3A_233 = arith.constant 0 : i32
        %dma_start3A_234 = arith.constant 0 : i32
        %dma_start3A_235 = tpu.memref_slice %arg6[%dma_start3A_233, %dma_start3A_234] : memref<10112x64xf32, #tpu.memory_space<vmem_shared>> -> memref<10112x64xf32, #tpu.memory_space<vmem_shared>>
        tpu.enqueue_indirect_dma source(%dma_start3A_235 : memref<10112x64xf32, #tpu.memory_space<vmem_shared>>) target(%arg13 : memref<128x64xf32, #tpu.memory_space<vmem>>) offsets(%dma_start3A_232 : memref<128xi32, #tpu.memory_space<vmem>>) semaphore(%arg19 : memref<!tpu.dma_semaphore, #tpu.memory_space<semaphore_mem>>)
        %add3A_236 = arith.constant 2 : i32
        %add3A_237 = arith.addi %mul3A_219, %add3A_236 : i32
        %dma_start3A_238 = arith.constant 0 : i32
        %dma_start3A_239 = tpu.memref_slice %arg9[%add3A_237, %dma_start3A_238] : memref<16x128xi32, #tpu.memory_space<vmem>> -> memref<1x128xi32, #tpu.memory_space<vmem>>
        %dma_start3A_240 = tpu.memref_squeeze %dma_start3A_239 : memref<1x128xi32, #tpu.memory_space<vmem>> -> memref<128xi32, #tpu.memory_space<vmem>>
        %dma_start3A_241 = arith.constant 0 : i32
        %dma_start3A_242 = arith.constant 0 : i32
        %dma_start3A_243 = tpu.memref_slice %arg6[%dma_start3A_241, %dma_start3A_242] : memref<10112x64xf32, #tpu.memory_space<vmem_shared>> -> memref<10112x64xf32, #tpu.memory_space<vmem_shared>>
        tpu.enqueue_indirect_dma source(%dma_start3A_243 : memref<10112x64xf32, #tpu.memory_space<vmem_shared>>) target(%arg14 : memref<128x64xf32, #tpu.memory_space<vmem>>) offsets(%dma_start3A_240 : memref<128xi32, #tpu.memory_space<vmem>>) semaphore(%arg20 : memref<!tpu.dma_semaphore, #tpu.memory_space<semaphore_mem>>)
        %add3A_244 = arith.constant 3 : i32
        %add3A_245 = arith.addi %mul3A_219, %add3A_244 : i32
        %dma_start3A_246 = arith.constant 0 : i32
        %dma_start3A_247 = tpu.memref_slice %arg9[%add3A_245, %dma_start3A_246] : memref<16x128xi32, #tpu.memory_space<vmem>> -> memref<1x128xi32, #tpu.memory_space<vmem>>
        %dma_start3A_248 = tpu.memref_squeeze %dma_start3A_247 : memref<1x128xi32, #tpu.memory_space<vmem>> -> memref<128xi32, #tpu.memory_space<vmem>>
        %dma_start3A_249 = arith.constant 0 : i32
        %dma_start3A_250 = arith.constant 0 : i32
        %dma_start3A_251 = tpu.memref_slice %arg6[%dma_start3A_249, %dma_start3A_250] : memref<10112x64xf32, #tpu.memory_space<vmem_shared>> -> memref<10112x64xf32, #tpu.memory_space<vmem_shared>>
        tpu.enqueue_indirect_dma source(%dma_start3A_251 : memref<10112x64xf32, #tpu.memory_space<vmem_shared>>) target(%arg15 : memref<128x64xf32, #tpu.memory_space<vmem>>) offsets(%dma_start3A_248 : memref<128xi32, #tpu.memory_space<vmem>>) semaphore(%arg21 : memref<!tpu.dma_semaphore, #tpu.memory_space<semaphore_mem>>)
        %dma_wait3A_252 = arith.constant 0 : i32
        %dma_wait3A_253 = tpu.memref_slice %arg9[%add3A_221, %dma_wait3A_252] : memref<16x128xi32, #tpu.memory_space<vmem>> -> memref<1x128xi32, #tpu.memory_space<vmem>>
        %dma_wait3A_254 = tpu.memref_squeeze %dma_wait3A_253 : memref<1x128xi32, #tpu.memory_space<vmem>> -> memref<128xi32, #tpu.memory_space<vmem>>
        %dma_wait3A_255 = arith.constant 0 : i32
        %dma_wait3A_256 = arith.constant 0 : i32
        %dma_wait3A_257 = tpu.memref_slice %arg6[%dma_wait3A_255, %dma_wait3A_256] : memref<10112x64xf32, #tpu.memory_space<vmem_shared>> -> memref<10112x64xf32, #tpu.memory_space<vmem_shared>>
        tpu.wait_indirect_dma semaphore(%arg18 : memref<!tpu.dma_semaphore, #tpu.memory_space<semaphore_mem>>) src(%dma_wait3A_257 : memref<10112x64xf32, #tpu.memory_space<vmem_shared>>) dst(%arg12 : memref<128x64xf32, #tpu.memory_space<vmem>>)
        %add3A_258 = arith.constant 0 : i32
        %add3A_259 = arith.addi %mul3A_219, %add3A_258 : i32
        %dma_start3A_260 = arith.constant 0 : i32
        %dma_start3A_261 = tpu.memref_slice %arg11[%add3A_259, %dma_start3A_260] : memref<16x128xi32, #tpu.memory_space<vmem>> -> memref<1x128xi32, #tpu.memory_space<vmem>>
        %dma_start3A_262 = tpu.memref_squeeze %dma_start3A_261 : memref<1x128xi32, #tpu.memory_space<vmem>> -> memref<128xi32, #tpu.memory_space<vmem>>
        %dma_start3A_263 = arith.constant 0 : i32
        %dma_start3A_264 = arith.constant 0 : i32
        %dma_start3A_265 = tpu.memref_slice %arg7[%dma_start3A_263, %dma_start3A_264] : memref<10112x64xf32, #tpu.memory_space<vmem_shared>> -> memref<10112x64xf32, #tpu.memory_space<vmem_shared>>
        tpu.enqueue_indirect_dma source(%arg12 : memref<128x64xf32, #tpu.memory_space<vmem>>) target(%dma_start3A_265 : memref<10112x64xf32, #tpu.memory_space<vmem_shared>>) offsets(%dma_start3A_262 : memref<128xi32, #tpu.memory_space<vmem>>) semaphore(%arg22 : memref<!tpu.dma_semaphore, #tpu.memory_space<semaphore_mem>>) {add = true}
        %dma_wait3A_266 = arith.constant 0 : i32
        %dma_wait3A_267 = tpu.memref_slice %arg9[%add3A_229, %dma_wait3A_266] : memref<16x128xi32, #tpu.memory_space<vmem>> -> memref<1x128xi32, #tpu.memory_space<vmem>>
        %dma_wait3A_268 = tpu.memref_squeeze %dma_wait3A_267 : memref<1x128xi32, #tpu.memory_space<vmem>> -> memref<128xi32, #tpu.memory_space<vmem>>
        %dma_wait3A_269 = arith.constant 0 : i32
        %dma_wait3A_270 = arith.constant 0 : i32
        %dma_wait3A_271 = tpu.memref_slice %arg6[%dma_wait3A_269, %dma_wait3A_270] : memref<10112x64xf32, #tpu.memory_space<vmem_shared>> -> memref<10112x64xf32, #tpu.memory_space<vmem_shared>>
        tpu.wait_indirect_dma semaphore(%arg19 : memref<!tpu.dma_semaphore, #tpu.memory_space<semaphore_mem>>) src(%dma_wait3A_271 : memref<10112x64xf32, #tpu.memory_space<vmem_shared>>) dst(%arg13 : memref<128x64xf32, #tpu.memory_space<vmem>>)
        %add3A_272 = arith.constant 1 : i32
        %add3A_273 = arith.addi %mul3A_219, %add3A_272 : i32
        %dma_start3A_274 = arith.constant 0 : i32
        %dma_start3A_275 = tpu.memref_slice %arg11[%add3A_273, %dma_start3A_274] : memref<16x128xi32, #tpu.memory_space<vmem>> -> memref<1x128xi32, #tpu.memory_space<vmem>>
        %dma_start3A_276 = tpu.memref_squeeze %dma_start3A_275 : memref<1x128xi32, #tpu.memory_space<vmem>> -> memref<128xi32, #tpu.memory_space<vmem>>
        %dma_start3A_277 = arith.constant 0 : i32
        %dma_start3A_278 = arith.constant 0 : i32
        %dma_start3A_279 = tpu.memref_slice %arg7[%dma_start3A_277, %dma_start3A_278] : memref<10112x64xf32, #tpu.memory_space<vmem_shared>> -> memref<10112x64xf32, #tpu.memory_space<vmem_shared>>
        tpu.enqueue_indirect_dma source(%arg13 : memref<128x64xf32, #tpu.memory_space<vmem>>) target(%dma_start3A_279 : memref<10112x64xf32, #tpu.memory_space<vmem_shared>>) offsets(%dma_start3A_276 : memref<128xi32, #tpu.memory_space<vmem>>) semaphore(%arg23 : memref<!tpu.dma_semaphore, #tpu.memory_space<semaphore_mem>>) {add = true}
        %dma_wait3A_280 = arith.constant 0 : i32
        %dma_wait3A_281 = tpu.memref_slice %arg9[%add3A_237, %dma_wait3A_280] : memref<16x128xi32, #tpu.memory_space<vmem>> -> memref<1x128xi32, #tpu.memory_space<vmem>>
        %dma_wait3A_282 = tpu.memref_squeeze %dma_wait3A_281 : memref<1x128xi32, #tpu.memory_space<vmem>> -> memref<128xi32, #tpu.memory_space<vmem>>
        %dma_wait3A_283 = arith.constant 0 : i32
        %dma_wait3A_284 = arith.constant 0 : i32
        %dma_wait3A_285 = tpu.memref_slice %arg6[%dma_wait3A_283, %dma_wait3A_284] : memref<10112x64xf32, #tpu.memory_space<vmem_shared>> -> memref<10112x64xf32, #tpu.memory_space<vmem_shared>>
        tpu.wait_indirect_dma semaphore(%arg20 : memref<!tpu.dma_semaphore, #tpu.memory_space<semaphore_mem>>) src(%dma_wait3A_285 : memref<10112x64xf32, #tpu.memory_space<vmem_shared>>) dst(%arg14 : memref<128x64xf32, #tpu.memory_space<vmem>>)
        %add3A_286 = arith.constant 2 : i32
        %add3A_287 = arith.addi %mul3A_219, %add3A_286 : i32
        %dma_start3A_288 = arith.constant 0 : i32
        %dma_start3A_289 = tpu.memref_slice %arg11[%add3A_287, %dma_start3A_288] : memref<16x128xi32, #tpu.memory_space<vmem>> -> memref<1x128xi32, #tpu.memory_space<vmem>>
        %dma_start3A_290 = tpu.memref_squeeze %dma_start3A_289 : memref<1x128xi32, #tpu.memory_space<vmem>> -> memref<128xi32, #tpu.memory_space<vmem>>
        %dma_start3A_291 = arith.constant 0 : i32
        %dma_start3A_292 = arith.constant 0 : i32
        %dma_start3A_293 = tpu.memref_slice %arg7[%dma_start3A_291, %dma_start3A_292] : memref<10112x64xf32, #tpu.memory_space<vmem_shared>> -> memref<10112x64xf32, #tpu.memory_space<vmem_shared>>
        tpu.enqueue_indirect_dma source(%arg14 : memref<128x64xf32, #tpu.memory_space<vmem>>) target(%dma_start3A_293 : memref<10112x64xf32, #tpu.memory_space<vmem_shared>>) offsets(%dma_start3A_290 : memref<128xi32, #tpu.memory_space<vmem>>) semaphore(%arg24 : memref<!tpu.dma_semaphore, #tpu.memory_space<semaphore_mem>>) {add = true}
        %dma_wait3A_294 = arith.constant 0 : i32
        %dma_wait3A_295 = tpu.memref_slice %arg9[%add3A_245, %dma_wait3A_294] : memref<16x128xi32, #tpu.memory_space<vmem>> -> memref<1x128xi32, #tpu.memory_space<vmem>>
        %dma_wait3A_296 = tpu.memref_squeeze %dma_wait3A_295 : memref<1x128xi32, #tpu.memory_space<vmem>> -> memref<128xi32, #tpu.memory_space<vmem>>
        %dma_wait3A_297 = arith.constant 0 : i32
        %dma_wait3A_298 = arith.constant 0 : i32
        %dma_wait3A_299 = tpu.memref_slice %arg6[%dma_wait3A_297, %dma_wait3A_298] : memref<10112x64xf32, #tpu.memory_space<vmem_shared>> -> memref<10112x64xf32, #tpu.memory_space<vmem_shared>>
        tpu.wait_indirect_dma semaphore(%arg21 : memref<!tpu.dma_semaphore, #tpu.memory_space<semaphore_mem>>) src(%dma_wait3A_299 : memref<10112x64xf32, #tpu.memory_space<vmem_shared>>) dst(%arg15 : memref<128x64xf32, #tpu.memory_space<vmem>>)
        %add3A_300 = arith.constant 3 : i32
        %add3A_301 = arith.addi %mul3A_219, %add3A_300 : i32
        %dma_start3A_302 = arith.constant 0 : i32
        %dma_start3A_303 = tpu.memref_slice %arg11[%add3A_301, %dma_start3A_302] : memref<16x128xi32, #tpu.memory_space<vmem>> -> memref<1x128xi32, #tpu.memory_space<vmem>>
        %dma_start3A_304 = tpu.memref_squeeze %dma_start3A_303 : memref<1x128xi32, #tpu.memory_space<vmem>> -> memref<128xi32, #tpu.memory_space<vmem>>
        %dma_start3A_305 = arith.constant 0 : i32
        %dma_start3A_306 = arith.constant 0 : i32
        %dma_start3A_307 = tpu.memref_slice %arg7[%dma_start3A_305, %dma_start3A_306] : memref<10112x64xf32, #tpu.memory_space<vmem_shared>> -> memref<10112x64xf32, #tpu.memory_space<vmem_shared>>
        tpu.enqueue_indirect_dma source(%arg15 : memref<128x64xf32, #tpu.memory_space<vmem>>) target(%dma_start3A_307 : memref<10112x64xf32, #tpu.memory_space<vmem_shared>>) offsets(%dma_start3A_304 : memref<128xi32, #tpu.memory_space<vmem>>) semaphore(%arg25 : memref<!tpu.dma_semaphore, #tpu.memory_space<semaphore_mem>>) {add = true}
        %dma_wait3A_308 = arith.constant 0 : i32
        %dma_wait3A_309 = tpu.memref_slice %arg11[%add3A_259, %dma_wait3A_308] : memref<16x128xi32, #tpu.memory_space<vmem>> -> memref<1x128xi32, #tpu.memory_space<vmem>>
        %dma_wait3A_310 = tpu.memref_squeeze %dma_wait3A_309 : memref<1x128xi32, #tpu.memory_space<vmem>> -> memref<128xi32, #tpu.memory_space<vmem>>
        %dma_wait3A_311 = arith.constant 0 : i32
        %dma_wait3A_312 = arith.constant 0 : i32
        %dma_wait3A_313 = tpu.memref_slice %arg7[%dma_wait3A_311, %dma_wait3A_312] : memref<10112x64xf32, #tpu.memory_space<vmem_shared>> -> memref<10112x64xf32, #tpu.memory_space<vmem_shared>>
        tpu.wait_indirect_dma semaphore(%arg22 : memref<!tpu.dma_semaphore, #tpu.memory_space<semaphore_mem>>) src(%arg12 : memref<128x64xf32, #tpu.memory_space<vmem>>) dst(%dma_wait3A_313 : memref<10112x64xf32, #tpu.memory_space<vmem_shared>>)
        %dma_wait3A_314 = arith.constant 0 : i32
        %dma_wait3A_315 = tpu.memref_slice %arg11[%add3A_273, %dma_wait3A_314] : memref<16x128xi32, #tpu.memory_space<vmem>> -> memref<1x128xi32, #tpu.memory_space<vmem>>
        %dma_wait3A_316 = tpu.memref_squeeze %dma_wait3A_315 : memref<1x128xi32, #tpu.memory_space<vmem>> -> memref<128xi32, #tpu.memory_space<vmem>>
        %dma_wait3A_317 = arith.constant 0 : i32
        %dma_wait3A_318 = arith.constant 0 : i32
        %dma_wait3A_319 = tpu.memref_slice %arg7[%dma_wait3A_317, %dma_wait3A_318] : memref<10112x64xf32, #tpu.memory_space<vmem_shared>> -> memref<10112x64xf32, #tpu.memory_space<vmem_shared>>
        tpu.wait_indirect_dma semaphore(%arg23 : memref<!tpu.dma_semaphore, #tpu.memory_space<semaphore_mem>>) src(%arg13 : memref<128x64xf32, #tpu.memory_space<vmem>>) dst(%dma_wait3A_319 : memref<10112x64xf32, #tpu.memory_space<vmem_shared>>)
        %dma_wait3A_320 = arith.constant 0 : i32
        %dma_wait3A_321 = tpu.memref_slice %arg11[%add3A_287, %dma_wait3A_320] : memref<16x128xi32, #tpu.memory_space<vmem>> -> memref<1x128xi32, #tpu.memory_space<vmem>>
        %dma_wait3A_322 = tpu.memref_squeeze %dma_wait3A_321 : memref<1x128xi32, #tpu.memory_space<vmem>> -> memref<128xi32, #tpu.memory_space<vmem>>
        %dma_wait3A_323 = arith.constant 0 : i32
        %dma_wait3A_324 = arith.constant 0 : i32
        %dma_wait3A_325 = tpu.memref_slice %arg7[%dma_wait3A_323, %dma_wait3A_324] : memref<10112x64xf32, #tpu.memory_space<vmem_shared>> -> memref<10112x64xf32, #tpu.memory_space<vmem_shared>>
        tpu.wait_indirect_dma semaphore(%arg24 : memref<!tpu.dma_semaphore, #tpu.memory_space<semaphore_mem>>) src(%arg14 : memref<128x64xf32, #tpu.memory_space<vmem>>) dst(%dma_wait3A_325 : memref<10112x64xf32, #tpu.memory_space<vmem_shared>>)
        %dma_wait3A_326 = arith.constant 0 : i32
        %dma_wait3A_327 = tpu.memref_slice %arg11[%add3A_301, %dma_wait3A_326] : memref<16x128xi32, #tpu.memory_space<vmem>> -> memref<1x128xi32, #tpu.memory_space<vmem>>
        %dma_wait3A_328 = tpu.memref_squeeze %dma_wait3A_327 : memref<1x128xi32, #tpu.memory_space<vmem>> -> memref<128xi32, #tpu.memory_space<vmem>>
        %dma_wait3A_329 = arith.constant 0 : i32
        %dma_wait3A_330 = arith.constant 0 : i32
        %dma_wait3A_331 = tpu.memref_slice %arg7[%dma_wait3A_329, %dma_wait3A_330] : memref<10112x64xf32, #tpu.memory_space<vmem_shared>> -> memref<10112x64xf32, #tpu.memory_space<vmem_shared>>
        tpu.wait_indirect_dma semaphore(%arg25 : memref<!tpu.dma_semaphore, #tpu.memory_space<semaphore_mem>>) src(%arg15 : memref<128x64xf32, #tpu.memory_space<vmem>>) dst(%dma_wait3A_331 : memref<10112x64xf32, #tpu.memory_space<vmem_shared>>)
      }
      %scan3A_205 = arith.constant 4 : i32
      %add3A_206 = arith.constant 2 : i32
      %add3A_207 = arith.addi %add3A_190, %add3A_206 : i32
      %lt3A_208 = arith.constant 10 : i32
      %lt3A_209 = arith.cmpi slt, %add3A_207, %lt3A_208 : i32
      %convert_element_type3A_210 = arith.extui %lt3A_209 : i1 to i32
      %cond3A_211 = arith.constant 0 : i32
      %cond3A_212 = arith.cmpi ne, %convert_element_type3A_210, %cond3A_211 : i32
      scf.if %cond3A_212 {
        %add3A_213 = arith.constant 2 : i32
        %add3A_214 = arith.addi %add3A_190, %add3A_213 : i32
        %mul3A_215 = arith.constant 16 : i32
        %mul3A_216 = arith.muli %add3A_214, %mul3A_215 : i32
        %add3A_217 = arith.addi %mul3A_2, %mul3A_216 : i32
        %dma_start3A_218 = arith.constant 0 : i32
        %dma_start3A_219 = tpu.memref_slice %arg3[%arg0, %add3A_217, %dma_start3A_218] : memref<2x2560x128xi32, #tpu.memory_space<hbm>> -> memref<1x16x128xi32, #tpu.memory_space<hbm>>
        %dma_start3A_220 = tpu.memref_squeeze %dma_start3A_219 : memref<1x16x128xi32, #tpu.memory_space<hbm>> -> memref<16x128xi32, #tpu.memory_space<hbm>>
        %dma_start3A_221 = arith.constant 0 : i32
        %dma_start3A_222 = tpu.memref_slice %arg3[%arg0, %add3A_217, %dma_start3A_221] : memref<2x2560x128xi32, #tpu.memory_space<hbm>> -> memref<1x16x128xi32, #tpu.memory_space<hbm>>
        %dma_start3A_223 = tpu.memref_squeeze %dma_start3A_222 : memref<1x16x128xi32, #tpu.memory_space<hbm>> -> memref<16x128xi32, #tpu.memory_space<hbm>>
        tpu.enqueue_dma source(%dma_start3A_223 : memref<16x128xi32, #tpu.memory_space<hbm>>) target(%arg9 : memref<16x128xi32, #tpu.memory_space<vmem>>) target_semaphore(%arg17 : memref<!tpu.dma_semaphore, #tpu.memory_space<semaphore_mem>>)
        %mul3A_224 = arith.constant 16 : i32
        %mul3A_225 = arith.muli %add3A_214, %mul3A_224 : i32
        %add3A_226 = arith.addi %mul3A_2, %mul3A_225 : i32
        %dma_start3A_227 = arith.constant 0 : i32
        %dma_start3A_228 = tpu.memref_slice %arg4[%add3A_226, %dma_start3A_227] : memref<2560x128xi32, #tpu.memory_space<hbm>> -> memref<16x128xi32, #tpu.memory_space<hbm>>
        %dma_start3A_229 = arith.constant 0 : i32
        %dma_start3A_230 = tpu.memref_slice %arg4[%add3A_226, %dma_start3A_229] : memref<2560x128xi32, #tpu.memory_space<hbm>> -> memref<16x128xi32, #tpu.memory_space<hbm>>
        tpu.enqueue_dma source(%dma_start3A_230 : memref<16x128xi32, #tpu.memory_space<hbm>>) target(%arg11 : memref<16x128xi32, #tpu.memory_space<vmem>>) target_semaphore(%arg17 : memref<!tpu.dma_semaphore, #tpu.memory_space<semaphore_mem>>)
      } else {
      }
    }
    %scan3A_38 = arith.constant 5 : i32
    %barrier3A_39 = arith.constant 0 : index
    tpu.barrier barrier_id(%barrier3A_39)
    "tpu.region"() ({
      %run_scoped3A = tpu.sem_alloc : memref<!tpu.dma_semaphore, #tpu.memory_space<semaphore_mem>>
      %dma_start3A_160 = arith.constant 0 : i32
      %dma_start3A_161 = arith.constant 0 : i32
      %dma_start3A_162 = tpu.memref_slice %arg12[%dma_start3A_160, %dma_start3A_161] : memref<128x64xf32, #tpu.memory_space<vmem>> -> memref<128x64xf32, #tpu.memory_space<vmem>>
      %dma_start3A_163 = arith.constant 0 : i32
      %dma_start3A_164 = tpu.memref_slice %arg7[%mul3A_0, %dma_start3A_163] : memref<10112x64xf32, #tpu.memory_space<vmem_shared>> -> memref<128x64xf32, #tpu.memory_space<vmem_shared>>
      %dma_start3A_165 = arith.constant 0 : i32
      %dma_start3A_166 = arith.constant 0 : i32
      %dma_start3A_167 = tpu.memref_slice %arg12[%dma_start3A_165, %dma_start3A_166] : memref<128x64xf32, #tpu.memory_space<vmem>> -> memref<128x64xf32, #tpu.memory_space<vmem>>
      %dma_start3A_168 = arith.constant 0 : i32
      %dma_start3A_169 = tpu.memref_slice %arg7[%mul3A_0, %dma_start3A_168] : memref<10112x64xf32, #tpu.memory_space<vmem_shared>> -> memref<128x64xf32, #tpu.memory_space<vmem_shared>>
      tpu.enqueue_dma source(%dma_start3A_169 : memref<128x64xf32, #tpu.memory_space<vmem_shared>>) target(%dma_start3A_167 : memref<128x64xf32, #tpu.memory_space<vmem>>) target_semaphore(%run_scoped3A : memref<!tpu.dma_semaphore, #tpu.memory_space<semaphore_mem>>)
      %dma_wait3A = arith.constant 0 : i32
      %dma_wait3A_170 = arith.constant 0 : i32
      %dma_wait3A_171 = tpu.memref_slice %arg12[%dma_wait3A, %dma_wait3A_170] : memref<128x64xf32, #tpu.memory_space<vmem>> -> memref<128x64xf32, #tpu.memory_space<vmem>>
      %dma_wait3A_172 = arith.constant 0 : i32
      %dma_wait3A_173 = tpu.memref_slice %arg7[%mul3A_0, %dma_wait3A_172] : memref<10112x64xf32, #tpu.memory_space<vmem_shared>> -> memref<128x64xf32, #tpu.memory_space<vmem_shared>>
      %dma_wait3A_174 = arith.constant 0 : i32
      %dma_wait3A_175 = arith.constant 0 : i32
      %dma_wait3A_176 = tpu.memref_slice %arg12[%dma_wait3A_174, %dma_wait3A_175] : memref<128x64xf32, #tpu.memory_space<vmem>> -> memref<128x64xf32, #tpu.memory_space<vmem>>
      %dma_wait3A_177 = arith.constant 0 : i32
      %dma_wait3A_178 = tpu.memref_slice %arg7[%mul3A_0, %dma_wait3A_177] : memref<10112x64xf32, #tpu.memory_space<vmem_shared>> -> memref<128x64xf32, #tpu.memory_space<vmem_shared>>
      tpu.wait_dma2 semaphore(%run_scoped3A : memref<!tpu.dma_semaphore, #tpu.memory_space<semaphore_mem>>) src(%dma_wait3A_178 : memref<128x64xf32, #tpu.memory_space<vmem_shared>>) dst(%dma_wait3A_176 : memref<128x64xf32, #tpu.memory_space<vmem>>)
      tpu.yield
    }) : () -> ()
    "tpu.region"() ({
      %run_scoped3A = tpu.sem_alloc : memref<!tpu.dma_semaphore, #tpu.memory_space<semaphore_mem>>
      %dma_start3A_160 = arith.constant 0 : i32
      %dma_start3A_161 = arith.constant 0 : i32
      %dma_start3A_162 = tpu.memref_slice %arg13[%dma_start3A_160, %dma_start3A_161] : memref<128x64xf32, #tpu.memory_space<vmem>> -> memref<128x64xf32, #tpu.memory_space<vmem>>
      %dma_start3A_163 = arith.constant 0 : i32
      %dma_start3A_164 = tpu.memref_slice %arg6[%mul3A_0, %dma_start3A_163] : memref<10112x64xf32, #tpu.memory_space<vmem_shared>> -> memref<128x64xf32, #tpu.memory_space<vmem_shared>>
      %dma_start3A_165 = arith.constant 0 : i32
      %dma_start3A_166 = arith.constant 0 : i32
      %dma_start3A_167 = tpu.memref_slice %arg13[%dma_start3A_165, %dma_start3A_166] : memref<128x64xf32, #tpu.memory_space<vmem>> -> memref<128x64xf32, #tpu.memory_space<vmem>>
      %dma_start3A_168 = arith.constant 0 : i32
      %dma_start3A_169 = tpu.memref_slice %arg6[%mul3A_0, %dma_start3A_168] : memref<10112x64xf32, #tpu.memory_space<vmem_shared>> -> memref<128x64xf32, #tpu.memory_space<vmem_shared>>
      tpu.enqueue_dma source(%dma_start3A_169 : memref<128x64xf32, #tpu.memory_space<vmem_shared>>) target(%dma_start3A_167 : memref<128x64xf32, #tpu.memory_space<vmem>>) target_semaphore(%run_scoped3A : memref<!tpu.dma_semaphore, #tpu.memory_space<semaphore_mem>>)
      %dma_wait3A = arith.constant 0 : i32
      %dma_wait3A_170 = arith.constant 0 : i32
      %dma_wait3A_171 = tpu.memref_slice %arg13[%dma_wait3A, %dma_wait3A_170] : memref<128x64xf32, #tpu.memory_space<vmem>> -> memref<128x64xf32, #tpu.memory_space<vmem>>
      %dma_wait3A_172 = arith.constant 0 : i32
      %dma_wait3A_173 = tpu.memref_slice %arg6[%mul3A_0, %dma_wait3A_172] : memref<10112x64xf32, #tpu.memory_space<vmem_shared>> -> memref<128x64xf32, #tpu.memory_space<vmem_shared>>
      %dma_wait3A_174 = arith.constant 0 : i32
      %dma_wait3A_175 = arith.constant 0 : i32
      %dma_wait3A_176 = tpu.memref_slice %arg13[%dma_wait3A_174, %dma_wait3A_175] : memref<128x64xf32, #tpu.memory_space<vmem>> -> memref<128x64xf32, #tpu.memory_space<vmem>>
      %dma_wait3A_177 = arith.constant 0 : i32
      %dma_wait3A_178 = tpu.memref_slice %arg6[%mul3A_0, %dma_wait3A_177] : memref<10112x64xf32, #tpu.memory_space<vmem_shared>> -> memref<128x64xf32, #tpu.memory_space<vmem_shared>>
      tpu.wait_dma2 semaphore(%run_scoped3A : memref<!tpu.dma_semaphore, #tpu.memory_space<semaphore_mem>>) src(%dma_wait3A_178 : memref<128x64xf32, #tpu.memory_space<vmem_shared>>) dst(%dma_wait3A_176 : memref<128x64xf32, #tpu.memory_space<vmem>>)
      tpu.yield
    }) : () -> ()
    %scan3A_40 = arith.constant 0 : i32
    %scan3A_41 = arith.constant 128 : i32
    %scan3A_42 = arith.addi %scan3A_40, %scan3A_41 : i32
    %scan3A_43 = arith.constant 1 : i32
    scf.for %scan3A_160 = %scan3A_40 to %scan3A_42 step %scan3A_43  : i32 {
      %mul3A_161 = arith.constant 1 : i32
      %mul3A_162 = arith.muli %scan3A_160, %mul3A_161 : i32
      %add3A_163 = arith.constant 0 : i32
      %add3A_164 = arith.addi %add3A_163, %mul3A_162 : i32
      %get3A = arith.index_cast %add3A_164 : i32 to index
      %get3A_165 = arith.constant 0 : index
      %get3A_166 = tpu.vector_load %arg12[%get3A, %get3A_165] {strides = array<i32>} : memref<128x64xf32, #tpu.memory_space<vmem>>, vector<1x16xf32>,
      %get3A_167 = vector.shape_cast %get3A_166 : vector<1x16xf32> to vector<16xf32>
      %get3A_168 = arith.index_cast %add3A_164 : i32 to index
      %get3A_169 = arith.constant 0 : index
      %get3A_170 = tpu.vector_load %arg13[%get3A_168, %get3A_169] {strides = array<i32>} : memref<128x64xf32, #tpu.memory_space<vmem>>, vector<1x16xf32>,
      %get3A_171 = vector.shape_cast %get3A_170 : vector<1x16xf32> to vector<16xf32>
      %sub3A = arith.subf %get3A_167, %get3A_171 : vector<16xf32>
      %swap3A = arith.index_cast %add3A_164 : i32 to index
      %swap3A_172 = arith.constant 0 : index
      %swap3A_173 = tpu.vector_load %arg12[%swap3A, %swap3A_172] {strides = array<i32>} : memref<128x64xf32, #tpu.memory_space<vmem>>, vector<1x16xf32>,
      %swap3A_174 = vector.shape_cast %swap3A_173 : vector<1x16xf32> to vector<16xf32>
      %swap3A_175 = vector.shape_cast %sub3A : vector<16xf32> to vector<1x16xf32>
      tpu.vector_store %arg12[%swap3A, %swap3A_172], %swap3A_175 {strides = array<i32>} : memref<128x64xf32, #tpu.memory_space<vmem>>, vector<1x16xf32>,
      %get3A_176 = arith.index_cast %add3A_164 : i32 to index
      %get3A_177 = arith.constant 16 : index
      %get3A_178 = tpu.vector_load %arg12[%get3A_176, %get3A_177] {strides = array<i32>} : memref<128x64xf32, #tpu.memory_space<vmem>>, vector<1x16xf32>,
      %get3A_179 = vector.shape_cast %get3A_178 : vector<1x16xf32> to vector<16xf32>
      %get3A_180 = arith.index_cast %add3A_164 : i32 to index
      %get3A_181 = arith.constant 16 : index
      %get3A_182 = tpu.vector_load %arg13[%get3A_180, %get3A_181] {strides = array<i32>} : memref<128x64xf32, #tpu.memory_space<vmem>>, vector<1x16xf32>,
      %get3A_183 = vector.shape_cast %get3A_182 : vector<1x16xf32> to vector<16xf32>
      %sub3A_184 = arith.subf %get3A_179, %get3A_183 : vector<16xf32>
      %swap3A_185 = arith.index_cast %add3A_164 : i32 to index
      %swap3A_186 = arith.constant 16 : index
      %swap3A_187 = tpu.vector_load %arg12[%swap3A_185, %swap3A_186] {strides = array<i32>} : memref<128x64xf32, #tpu.memory_space<vmem>>, vector<1x16xf32>,
      %swap3A_188 = vector.shape_cast %swap3A_187 : vector<1x16xf32> to vector<16xf32>
      %swap3A_189 = vector.shape_cast %sub3A_184 : vector<16xf32> to vector<1x16xf32>
      tpu.vector_store %arg12[%swap3A_185, %swap3A_186], %swap3A_189 {strides = array<i32>} : memref<128x64xf32, #tpu.memory_space<vmem>>, vector<1x16xf32>,
      %get3A_190 = arith.index_cast %add3A_164 : i32 to index
      %get3A_191 = arith.constant 32 : index
      %get3A_192 = tpu.vector_load %arg12[%get3A_190, %get3A_191] {strides = array<i32>} : memref<128x64xf32, #tpu.memory_space<vmem>>, vector<1x16xf32>,
      %get3A_193 = vector.shape_cast %get3A_192 : vector<1x16xf32> to vector<16xf32>
      %get3A_194 = arith.index_cast %add3A_164 : i32 to index
      %get3A_195 = arith.constant 32 : index
      %get3A_196 = tpu.vector_load %arg13[%get3A_194, %get3A_195] {strides = array<i32>} : memref<128x64xf32, #tpu.memory_space<vmem>>, vector<1x16xf32>,
      %get3A_197 = vector.shape_cast %get3A_196 : vector<1x16xf32> to vector<16xf32>
      %sub3A_198 = arith.subf %get3A_193, %get3A_197 : vector<16xf32>
      %swap3A_199 = arith.index_cast %add3A_164 : i32 to index
      %swap3A_200 = arith.constant 32 : index
      %swap3A_201 = tpu.vector_load %arg12[%swap3A_199, %swap3A_200] {strides = array<i32>} : memref<128x64xf32, #tpu.memory_space<vmem>>, vector<1x16xf32>,
      %swap3A_202 = vector.shape_cast %swap3A_201 : vector<1x16xf32> to vector<16xf32>
      %swap3A_203 = vector.shape_cast %sub3A_198 : vector<16xf32> to vector<1x16xf32>
      tpu.vector_store %arg12[%swap3A_199, %swap3A_200], %swap3A_203 {strides = array<i32>} : memref<128x64xf32, #tpu.memory_space<vmem>>, vector<1x16xf32>,
      %get3A_204 = arith.index_cast %add3A_164 : i32 to index
      %get3A_205 = arith.constant 48 : index
      %get3A_206 = tpu.vector_load %arg12[%get3A_204, %get3A_205] {strides = array<i32>} : memref<128x64xf32, #tpu.memory_space<vmem>>, vector<1x16xf32>,
      %get3A_207 = vector.shape_cast %get3A_206 : vector<1x16xf32> to vector<16xf32>
      %get3A_208 = arith.index_cast %add3A_164 : i32 to index
      %get3A_209 = arith.constant 48 : index
      %get3A_210 = tpu.vector_load %arg13[%get3A_208, %get3A_209] {strides = array<i32>} : memref<128x64xf32, #tpu.memory_space<vmem>>, vector<1x16xf32>,
      %get3A_211 = vector.shape_cast %get3A_210 : vector<1x16xf32> to vector<16xf32>
      %sub3A_212 = arith.subf %get3A_207, %get3A_211 : vector<16xf32>
      %swap3A_213 = arith.index_cast %add3A_164 : i32 to index
      %swap3A_214 = arith.constant 48 : index
      %swap3A_215 = tpu.vector_load %arg12[%swap3A_213, %swap3A_214] {strides = array<i32>} : memref<128x64xf32, #tpu.memory_space<vmem>>, vector<1x16xf32>,
      %swap3A_216 = vector.shape_cast %swap3A_215 : vector<1x16xf32> to vector<16xf32>
      %swap3A_217 = vector.shape_cast %sub3A_212 : vector<16xf32> to vector<1x16xf32>
      tpu.vector_store %arg12[%swap3A_213, %swap3A_214], %swap3A_217 {strides = array<i32>} : memref<128x64xf32, #tpu.memory_space<vmem>>, vector<1x16xf32>,
    }
    %scan3A_44 = arith.constant 128 : i32
    "tpu.region"() ({
      %run_scoped3A = tpu.sem_alloc : memref<!tpu.dma_semaphore, #tpu.memory_space<semaphore_mem>>
      %dma_start3A_160 = arith.constant 0 : i32
      %dma_start3A_161 = arith.constant 0 : i32
      %dma_start3A_162 = tpu.memref_slice %arg12[%dma_start3A_160, %dma_start3A_161] : memref<128x64xf32, #tpu.memory_space<vmem>> -> memref<128x64xf32, #tpu.memory_space<vmem>>
      %dma_start3A_163 = arith.constant 0 : i32
      %dma_start3A_164 = tpu.memref_slice %arg6[%mul3A_0, %dma_start3A_163] : memref<10112x64xf32, #tpu.memory_space<vmem_shared>> -> memref<128x64xf32, #tpu.memory_space<vmem_shared>>
      %dma_start3A_165 = arith.constant 0 : i32
      %dma_start3A_166 = tpu.memref_slice %arg6[%mul3A_0, %dma_start3A_165] : memref<10112x64xf32, #tpu.memory_space<vmem_shared>> -> memref<128x64xf32, #tpu.memory_space<vmem_shared>>
      %dma_start3A_167 = arith.constant 0 : i32
      %dma_start3A_168 = arith.constant 0 : i32
      %dma_start3A_169 = tpu.memref_slice %arg12[%dma_start3A_167, %dma_start3A_168] : memref<128x64xf32, #tpu.memory_space<vmem>> -> memref<128x64xf32, #tpu.memory_space<vmem>>
      tpu.enqueue_dma source(%dma_start3A_169 : memref<128x64xf32, #tpu.memory_space<vmem>>) target(%dma_start3A_166 : memref<128x64xf32, #tpu.memory_space<vmem_shared>>) target_semaphore(%run_scoped3A : memref<!tpu.dma_semaphore, #tpu.memory_space<semaphore_mem>>)
      %dma_wait3A = arith.constant 0 : i32
      %dma_wait3A_170 = arith.constant 0 : i32
      %dma_wait3A_171 = tpu.memref_slice %arg12[%dma_wait3A, %dma_wait3A_170] : memref<128x64xf32, #tpu.memory_space<vmem>> -> memref<128x64xf32, #tpu.memory_space<vmem>>
      %dma_wait3A_172 = arith.constant 0 : i32
      %dma_wait3A_173 = tpu.memref_slice %arg6[%mul3A_0, %dma_wait3A_172] : memref<10112x64xf32, #tpu.memory_space<vmem_shared>> -> memref<128x64xf32, #tpu.memory_space<vmem_shared>>
      %dma_wait3A_174 = arith.constant 0 : i32
      %dma_wait3A_175 = tpu.memref_slice %arg6[%mul3A_0, %dma_wait3A_174] : memref<10112x64xf32, #tpu.memory_space<vmem_shared>> -> memref<128x64xf32, #tpu.memory_space<vmem_shared>>
      %dma_wait3A_176 = arith.constant 0 : i32
      %dma_wait3A_177 = arith.constant 0 : i32
      %dma_wait3A_178 = tpu.memref_slice %arg12[%dma_wait3A_176, %dma_wait3A_177] : memref<128x64xf32, #tpu.memory_space<vmem>> -> memref<128x64xf32, #tpu.memory_space<vmem>>
      tpu.wait_dma2 semaphore(%run_scoped3A : memref<!tpu.dma_semaphore, #tpu.memory_space<semaphore_mem>>) src(%dma_wait3A_178 : memref<128x64xf32, #tpu.memory_space<vmem>>) dst(%dma_wait3A_175 : memref<128x64xf32, #tpu.memory_space<vmem_shared>>)
      tpu.yield
    }) : () -> ()
    %add3A_45 = arith.constant 128 : i32
    %add3A_46 = arith.addi %mul3A_0, %add3A_45 : i32
    "tpu.region"() ({
      %run_scoped3A = tpu.sem_alloc : memref<!tpu.dma_semaphore, #tpu.memory_space<semaphore_mem>>
      %dma_start3A_160 = arith.constant 0 : i32
      %dma_start3A_161 = arith.constant 0 : i32
      %dma_start3A_162 = tpu.memref_slice %arg12[%dma_start3A_160, %dma_start3A_161] : memref<128x64xf32, #tpu.memory_space<vmem>> -> memref<128x64xf32, #tpu.memory_space<vmem>>
      %dma_start3A_163 = arith.constant 0 : i32
      %dma_start3A_164 = tpu.memref_slice %arg7[%add3A_46, %dma_start3A_163] : memref<10112x64xf32, #tpu.memory_space<vmem_shared>> -> memref<128x64xf32, #tpu.memory_space<vmem_shared>>
      %dma_start3A_165 = arith.constant 0 : i32
      %dma_start3A_166 = arith.constant 0 : i32
      %dma_start3A_167 = tpu.memref_slice %arg12[%dma_start3A_165, %dma_start3A_166] : memref<128x64xf32, #tpu.memory_space<vmem>> -> memref<128x64xf32, #tpu.memory_space<vmem>>
      %dma_start3A_168 = arith.constant 0 : i32
      %dma_start3A_169 = tpu.memref_slice %arg7[%add3A_46, %dma_start3A_168] : memref<10112x64xf32, #tpu.memory_space<vmem_shared>> -> memref<128x64xf32, #tpu.memory_space<vmem_shared>>
      tpu.enqueue_dma source(%dma_start3A_169 : memref<128x64xf32, #tpu.memory_space<vmem_shared>>) target(%dma_start3A_167 : memref<128x64xf32, #tpu.memory_space<vmem>>) target_semaphore(%run_scoped3A : memref<!tpu.dma_semaphore, #tpu.memory_space<semaphore_mem>>)
      %dma_wait3A = arith.constant 0 : i32
      %dma_wait3A_170 = arith.constant 0 : i32
      %dma_wait3A_171 = tpu.memref_slice %arg12[%dma_wait3A, %dma_wait3A_170] : memref<128x64xf32, #tpu.memory_space<vmem>> -> memref<128x64xf32, #tpu.memory_space<vmem>>
      %dma_wait3A_172 = arith.constant 0 : i32
      %dma_wait3A_173 = tpu.memref_slice %arg7[%add3A_46, %dma_wait3A_172] : memref<10112x64xf32, #tpu.memory_space<vmem_shared>> -> memref<128x64xf32, #tpu.memory_space<vmem_shared>>
      %dma_wait3A_174 = arith.constant 0 : i32
      %dma_wait3A_175 = arith.constant 0 : i32
      %dma_wait3A_176 = tpu.memref_slice %arg12[%dma_wait3A_174, %dma_wait3A_175] : memref<128x64xf32, #tpu.memory_space<vmem>> -> memref<128x64xf32, #tpu.memory_space<vmem>>
      %dma_wait3A_177 = arith.constant 0 : i32
      %dma_wait3A_178 = tpu.memref_slice %arg7[%add3A_46, %dma_wait3A_177] : memref<10112x64xf32, #tpu.memory_space<vmem_shared>> -> memref<128x64xf32, #tpu.memory_space<vmem_shared>>
      tpu.wait_dma2 semaphore(%run_scoped3A : memref<!tpu.dma_semaphore, #tpu.memory_space<semaphore_mem>>) src(%dma_wait3A_178 : memref<128x64xf32, #tpu.memory_space<vmem_shared>>) dst(%dma_wait3A_176 : memref<128x64xf32, #tpu.memory_space<vmem>>)
      tpu.yield
    }) : () -> ()
    "tpu.region"() ({
      %run_scoped3A = tpu.sem_alloc : memref<!tpu.dma_semaphore, #tpu.memory_space<semaphore_mem>>
      %dma_start3A_160 = arith.constant 0 : i32
      %dma_start3A_161 = arith.constant 0 : i32
      %dma_start3A_162 = tpu.memref_slice %arg13[%dma_start3A_160, %dma_start3A_161] : memref<128x64xf32, #tpu.memory_space<vmem>> -> memref<128x64xf32, #tpu.memory_space<vmem>>
      %dma_start3A_163 = arith.constant 0 : i32
      %dma_start3A_164 = tpu.memref_slice %arg6[%add3A_46, %dma_start3A_163] : memref<10112x64xf32, #tpu.memory_space<vmem_shared>> -> memref<128x64xf32, #tpu.memory_space<vmem_shared>>
      %dma_start3A_165 = arith.constant 0 : i32
      %dma_start3A_166 = arith.constant 0 : i32
      %dma_start3A_167 = tpu.memref_slice %arg13[%dma_start3A_165, %dma_start3A_166] : memref<128x64xf32, #tpu.memory_space<vmem>> -> memref<128x64xf32, #tpu.memory_space<vmem>>
      %dma_start3A_168 = arith.constant 0 : i32
      %dma_start3A_169 = tpu.memref_slice %arg6[%add3A_46, %dma_start3A_168] : memref<10112x64xf32, #tpu.memory_space<vmem_shared>> -> memref<128x64xf32, #tpu.memory_space<vmem_shared>>
      tpu.enqueue_dma source(%dma_start3A_169 : memref<128x64xf32, #tpu.memory_space<vmem_shared>>) target(%dma_start3A_167 : memref<128x64xf32, #tpu.memory_space<vmem>>) target_semaphore(%run_scoped3A : memref<!tpu.dma_semaphore, #tpu.memory_space<semaphore_mem>>)
      %dma_wait3A = arith.constant 0 : i32
      %dma_wait3A_170 = arith.constant 0 : i32
      %dma_wait3A_171 = tpu.memref_slice %arg13[%dma_wait3A, %dma_wait3A_170] : memref<128x64xf32, #tpu.memory_space<vmem>> -> memref<128x64xf32, #tpu.memory_space<vmem>>
      %dma_wait3A_172 = arith.constant 0 : i32
      %dma_wait3A_173 = tpu.memref_slice %arg6[%add3A_46, %dma_wait3A_172] : memref<10112x64xf32, #tpu.memory_space<vmem_shared>> -> memref<128x64xf32, #tpu.memory_space<vmem_shared>>
      %dma_wait3A_174 = arith.constant 0 : i32
      %dma_wait3A_175 = arith.constant 0 : i32
      %dma_wait3A_176 = tpu.memref_slice %arg13[%dma_wait3A_174, %dma_wait3A_175] : memref<128x64xf32, #tpu.memory_space<vmem>> -> memref<128x64xf32, #tpu.memory_space<vmem>>
      %dma_wait3A_177 = arith.constant 0 : i32
      %dma_wait3A_178 = tpu.memref_slice %arg6[%add3A_46, %dma_wait3A_177] : memref<10112x64xf32, #tpu.memory_space<vmem_shared>> -> memref<128x64xf32, #tpu.memory_space<vmem_shared>>
      tpu.wait_dma2 semaphore(%run_scoped3A : memref<!tpu.dma_semaphore, #tpu.memory_space<semaphore_mem>>) src(%dma_wait3A_178 : memref<128x64xf32, #tpu.memory_space<vmem_shared>>) dst(%dma_wait3A_176 : memref<128x64xf32, #tpu.memory_space<vmem>>)
      tpu.yield
    }) : () -> ()
    %scan3A_47 = arith.constant 0 : i32
    %scan3A_48 = arith.constant 128 : i32
    %scan3A_49 = arith.addi %scan3A_47, %scan3A_48 : i32
    %scan3A_50 = arith.constant 1 : i32
    scf.for %scan3A_160 = %scan3A_47 to %scan3A_49 step %scan3A_50  : i32 {
      %mul3A_161 = arith.constant 1 : i32
      %mul3A_162 = arith.muli %scan3A_160, %mul3A_161 : i32
      %add3A_163 = arith.constant 0 : i32
      %add3A_164 = arith.addi %add3A_163, %mul3A_162 : i32
      %get3A = arith.index_cast %add3A_164 : i32 to index
      %get3A_165 = arith.constant 0 : index
      %get3A_166 = tpu.vector_load %arg12[%get3A, %get3A_165] {strides = array<i32>} : memref<128x64xf32, #tpu.memory_space<vmem>>, vector<1x16xf32>,
      %get3A_167 = vector.shape_cast %get3A_166 : vector<1x16xf32> to vector<16xf32>
      %get3A_168 = arith.index_cast %add3A_164 : i32 to index
      %get3A_169 = arith.constant 0 : index
      %get3A_170 = tpu.vector_load %arg13[%get3A_168, %get3A_169] {strides = array<i32>} : memref<128x64xf32, #tpu.memory_space<vmem>>, vector<1x16xf32>,
      %get3A_171 = vector.shape_cast %get3A_170 : vector<1x16xf32> to vector<16xf32>
      %sub3A = arith.subf %get3A_167, %get3A_171 : vector<16xf32>
      %swap3A = arith.index_cast %add3A_164 : i32 to index
      %swap3A_172 = arith.constant 0 : index
      %swap3A_173 = tpu.vector_load %arg12[%swap3A, %swap3A_172] {strides = array<i32>} : memref<128x64xf32, #tpu.memory_space<vmem>>, vector<1x16xf32>,
      %swap3A_174 = vector.shape_cast %swap3A_173 : vector<1x16xf32> to vector<16xf32>
      %swap3A_175 = vector.shape_cast %sub3A : vector<16xf32> to vector<1x16xf32>
      tpu.vector_store %arg12[%swap3A, %swap3A_172], %swap3A_175 {strides = array<i32>} : memref<128x64xf32, #tpu.memory_space<vmem>>, vector<1x16xf32>,
      %get3A_176 = arith.index_cast %add3A_164 : i32 to index
      %get3A_177 = arith.constant 16 : index
      %get3A_178 = tpu.vector_load %arg12[%get3A_176, %get3A_177] {strides = array<i32>} : memref<128x64xf32, #tpu.memory_space<vmem>>, vector<1x16xf32>,
      %get3A_179 = vector.shape_cast %get3A_178 : vector<1x16xf32> to vector<16xf32>
      %get3A_180 = arith.index_cast %add3A_164 : i32 to index
      %get3A_181 = arith.constant 16 : index
      %get3A_182 = tpu.vector_load %arg13[%get3A_180, %get3A_181] {strides = array<i32>} : memref<128x64xf32, #tpu.memory_space<vmem>>, vector<1x16xf32>,
      %get3A_183 = vector.shape_cast %get3A_182 : vector<1x16xf32> to vector<16xf32>
      %sub3A_184 = arith.subf %get3A_179, %get3A_183 : vector<16xf32>
      %swap3A_185 = arith.index_cast %add3A_164 : i32 to index
      %swap3A_186 = arith.constant 16 : index
      %swap3A_187 = tpu.vector_load %arg12[%swap3A_185, %swap3A_186] {strides = array<i32>} : memref<128x64xf32, #tpu.memory_space<vmem>>, vector<1x16xf32>,
      %swap3A_188 = vector.shape_cast %swap3A_187 : vector<1x16xf32> to vector<16xf32>
      %swap3A_189 = vector.shape_cast %sub3A_184 : vector<16xf32> to vector<1x16xf32>
      tpu.vector_store %arg12[%swap3A_185, %swap3A_186], %swap3A_189 {strides = array<i32>} : memref<128x64xf32, #tpu.memory_space<vmem>>, vector<1x16xf32>,
      %get3A_190 = arith.index_cast %add3A_164 : i32 to index
      %get3A_191 = arith.constant 32 : index
      %get3A_192 = tpu.vector_load %arg12[%get3A_190, %get3A_191] {strides = array<i32>} : memref<128x64xf32, #tpu.memory_space<vmem>>, vector<1x16xf32>,
      %get3A_193 = vector.shape_cast %get3A_192 : vector<1x16xf32> to vector<16xf32>
      %get3A_194 = arith.index_cast %add3A_164 : i32 to index
      %get3A_195 = arith.constant 32 : index
      %get3A_196 = tpu.vector_load %arg13[%get3A_194, %get3A_195] {strides = array<i32>} : memref<128x64xf32, #tpu.memory_space<vmem>>, vector<1x16xf32>,
      %get3A_197 = vector.shape_cast %get3A_196 : vector<1x16xf32> to vector<16xf32>
      %sub3A_198 = arith.subf %get3A_193, %get3A_197 : vector<16xf32>
      %swap3A_199 = arith.index_cast %add3A_164 : i32 to index
      %swap3A_200 = arith.constant 32 : index
      %swap3A_201 = tpu.vector_load %arg12[%swap3A_199, %swap3A_200] {strides = array<i32>} : memref<128x64xf32, #tpu.memory_space<vmem>>, vector<1x16xf32>,
      %swap3A_202 = vector.shape_cast %swap3A_201 : vector<1x16xf32> to vector<16xf32>
      %swap3A_203 = vector.shape_cast %sub3A_198 : vector<16xf32> to vector<1x16xf32>
      tpu.vector_store %arg12[%swap3A_199, %swap3A_200], %swap3A_203 {strides = array<i32>} : memref<128x64xf32, #tpu.memory_space<vmem>>, vector<1x16xf32>,
      %get3A_204 = arith.index_cast %add3A_164 : i32 to index
      %get3A_205 = arith.constant 48 : index
      %get3A_206 = tpu.vector_load %arg12[%get3A_204, %get3A_205] {strides = array<i32>} : memref<128x64xf32, #tpu.memory_space<vmem>>, vector<1x16xf32>,
      %get3A_207 = vector.shape_cast %get3A_206 : vector<1x16xf32> to vector<16xf32>
      %get3A_208 = arith.index_cast %add3A_164 : i32 to index
      %get3A_209 = arith.constant 48 : index
      %get3A_210 = tpu.vector_load %arg13[%get3A_208, %get3A_209] {strides = array<i32>} : memref<128x64xf32, #tpu.memory_space<vmem>>, vector<1x16xf32>,
      %get3A_211 = vector.shape_cast %get3A_210 : vector<1x16xf32> to vector<16xf32>
      %sub3A_212 = arith.subf %get3A_207, %get3A_211 : vector<16xf32>
      %swap3A_213 = arith.index_cast %add3A_164 : i32 to index
      %swap3A_214 = arith.constant 48 : index
      %swap3A_215 = tpu.vector_load %arg12[%swap3A_213, %swap3A_214] {strides = array<i32>} : memref<128x64xf32, #tpu.memory_space<vmem>>, vector<1x16xf32>,
      %swap3A_216 = vector.shape_cast %swap3A_215 : vector<1x16xf32> to vector<16xf32>
      %swap3A_217 = vector.shape_cast %sub3A_212 : vector<16xf32> to vector<1x16xf32>
      tpu.vector_store %arg12[%swap3A_213, %swap3A_214], %swap3A_217 {strides = array<i32>} : memref<128x64xf32, #tpu.memory_space<vmem>>, vector<1x16xf32>,
    }
    %scan3A_51 = arith.constant 128 : i32
    "tpu.region"() ({
      %run_scoped3A = tpu.sem_alloc : memref<!tpu.dma_semaphore, #tpu.memory_space<semaphore_mem>>
      %dma_start3A_160 = arith.constant 0 : i32
      %dma_start3A_161 = arith.constant 0 : i32
      %dma_start3A_162 = tpu.memref_slice %arg12[%dma_start3A_160, %dma_start3A_161] : memref<128x64xf32, #tpu.memory_space<vmem>> -> memref<128x64xf32, #tpu.memory_space<vmem>>
      %dma_start3A_163 = arith.constant 0 : i32
      %dma_start3A_164 = tpu.memref_slice %arg6[%add3A_46, %dma_start3A_163] : memref<10112x64xf32, #tpu.memory_space<vmem_shared>> -> memref<128x64xf32, #tpu.memory_space<vmem_shared>>
      %dma_start3A_165 = arith.constant 0 : i32
      %dma_start3A_166 = tpu.memref_slice %arg6[%add3A_46, %dma_start3A_165] : memref<10112x64xf32, #tpu.memory_space<vmem_shared>> -> memref<128x64xf32, #tpu.memory_space<vmem_shared>>
      %dma_start3A_167 = arith.constant 0 : i32
      %dma_start3A_168 = arith.constant 0 : i32
      %dma_start3A_169 = tpu.memref_slice %arg12[%dma_start3A_167, %dma_start3A_168] : memref<128x64xf32, #tpu.memory_space<vmem>> -> memref<128x64xf32, #tpu.memory_space<vmem>>
      tpu.enqueue_dma source(%dma_start3A_169 : memref<128x64xf32, #tpu.memory_space<vmem>>) target(%dma_start3A_166 : memref<128x64xf32, #tpu.memory_space<vmem_shared>>) target_semaphore(%run_scoped3A : memref<!tpu.dma_semaphore, #tpu.memory_space<semaphore_mem>>)
      %dma_wait3A = arith.constant 0 : i32
      %dma_wait3A_170 = arith.constant 0 : i32
      %dma_wait3A_171 = tpu.memref_slice %arg12[%dma_wait3A, %dma_wait3A_170] : memref<128x64xf32, #tpu.memory_space<vmem>> -> memref<128x64xf32, #tpu.memory_space<vmem>>
      %dma_wait3A_172 = arith.constant 0 : i32
      %dma_wait3A_173 = tpu.memref_slice %arg6[%add3A_46, %dma_wait3A_172] : memref<10112x64xf32, #tpu.memory_space<vmem_shared>> -> memref<128x64xf32, #tpu.memory_space<vmem_shared>>
      %dma_wait3A_174 = arith.constant 0 : i32
      %dma_wait3A_175 = tpu.memref_slice %arg6[%add3A_46, %dma_wait3A_174] : memref<10112x64xf32, #tpu.memory_space<vmem_shared>> -> memref<128x64xf32, #tpu.memory_space<vmem_shared>>
      %dma_wait3A_176 = arith.constant 0 : i32
      %dma_wait3A_177 = arith.constant 0 : i32
      %dma_wait3A_178 = tpu.memref_slice %arg12[%dma_wait3A_176, %dma_wait3A_177] : memref<128x64xf32, #tpu.memory_space<vmem>> -> memref<128x64xf32, #tpu.memory_space<vmem>>
      tpu.wait_dma2 semaphore(%run_scoped3A : memref<!tpu.dma_semaphore, #tpu.memory_space<semaphore_mem>>) src(%dma_wait3A_178 : memref<128x64xf32, #tpu.memory_space<vmem>>) dst(%dma_wait3A_175 : memref<128x64xf32, #tpu.memory_space<vmem_shared>>)
      tpu.yield
    }) : () -> ()
    %add3A_52 = arith.constant 128 : i32
    %add3A_53 = arith.addi %add3A_46, %add3A_52 : i32
    "tpu.region"() ({
      %run_scoped3A = tpu.sem_alloc : memref<!tpu.dma_semaphore, #tpu.memory_space<semaphore_mem>>
      %dma_start3A_160 = arith.constant 0 : i32
      %dma_start3A_161 = arith.constant 0 : i32
      %dma_start3A_162 = tpu.memref_slice %arg12[%dma_start3A_160, %dma_start3A_161] : memref<128x64xf32, #tpu.memory_space<vmem>> -> memref<128x64xf32, #tpu.memory_space<vmem>>
      %dma_start3A_163 = arith.constant 0 : i32
      %dma_start3A_164 = tpu.memref_slice %arg7[%add3A_53, %dma_start3A_163] : memref<10112x64xf32, #tpu.memory_space<vmem_shared>> -> memref<128x64xf32, #tpu.memory_space<vmem_shared>>
      %dma_start3A_165 = arith.constant 0 : i32
      %dma_start3A_166 = arith.constant 0 : i32
      %dma_start3A_167 = tpu.memref_slice %arg12[%dma_start3A_165, %dma_start3A_166] : memref<128x64xf32, #tpu.memory_space<vmem>> -> memref<128x64xf32, #tpu.memory_space<vmem>>
      %dma_start3A_168 = arith.constant 0 : i32
      %dma_start3A_169 = tpu.memref_slice %arg7[%add3A_53, %dma_start3A_168] : memref<10112x64xf32, #tpu.memory_space<vmem_shared>> -> memref<128x64xf32, #tpu.memory_space<vmem_shared>>
      tpu.enqueue_dma source(%dma_start3A_169 : memref<128x64xf32, #tpu.memory_space<vmem_shared>>) target(%dma_start3A_167 : memref<128x64xf32, #tpu.memory_space<vmem>>) target_semaphore(%run_scoped3A : memref<!tpu.dma_semaphore, #tpu.memory_space<semaphore_mem>>)
      %dma_wait3A = arith.constant 0 : i32
      %dma_wait3A_170 = arith.constant 0 : i32
      %dma_wait3A_171 = tpu.memref_slice %arg12[%dma_wait3A, %dma_wait3A_170] : memref<128x64xf32, #tpu.memory_space<vmem>> -> memref<128x64xf32, #tpu.memory_space<vmem>>
      %dma_wait3A_172 = arith.constant 0 : i32
      %dma_wait3A_173 = tpu.memref_slice %arg7[%add3A_53, %dma_wait3A_172] : memref<10112x64xf32, #tpu.memory_space<vmem_shared>> -> memref<128x64xf32, #tpu.memory_space<vmem_shared>>
      %dma_wait3A_174 = arith.constant 0 : i32
      %dma_wait3A_175 = arith.constant 0 : i32
      %dma_wait3A_176 = tpu.memref_slice %arg12[%dma_wait3A_174, %dma_wait3A_175] : memref<128x64xf32, #tpu.memory_space<vmem>> -> memref<128x64xf32, #tpu.memory_space<vmem>>
      %dma_wait3A_177 = arith.constant 0 : i32
      %dma_wait3A_178 = tpu.memref_slice %arg7[%add3A_53, %dma_wait3A_177] : memref<10112x64xf32, #tpu.memory_space<vmem_shared>> -> memref<128x64xf32, #tpu.memory_space<vmem_shared>>
      tpu.wait_dma2 semaphore(%run_scoped3A : memref<!tpu.dma_semaphore, #tpu.memory_space<semaphore_mem>>) src(%dma_wait3A_178 : memref<128x64xf32, #tpu.memory_space<vmem_shared>>) dst(%dma_wait3A_176 : memref<128x64xf32, #tpu.memory_space<vmem>>)
      tpu.yield
    }) : () -> ()
    "tpu.region"() ({
      %run_scoped3A = tpu.sem_alloc : memref<!tpu.dma_semaphore, #tpu.memory_space<semaphore_mem>>
      %dma_start3A_160 = arith.constant 0 : i32
      %dma_start3A_161 = arith.constant 0 : i32
      %dma_start3A_162 = tpu.memref_slice %arg13[%dma_start3A_160, %dma_start3A_161] : memref<128x64xf32, #tpu.memory_space<vmem>> -> memref<128x64xf32, #tpu.memory_space<vmem>>
      %dma_start3A_163 = arith.constant 0 : i32
      %dma_start3A_164 = tpu.memref_slice %arg6[%add3A_53, %dma_start3A_163] : memref<10112x64xf32, #tpu.memory_space<vmem_shared>> -> memref<128x64xf32, #tpu.memory_space<vmem_shared>>
      %dma_start3A_165 = arith.constant 0 : i32
      %dma_start3A_166 = arith.constant 0 : i32
      %dma_start3A_167 = tpu.memref_slice %arg13[%dma_start3A_165, %dma_start3A_166] : memref<128x64xf32, #tpu.memory_space<vmem>> -> memref<128x64xf32, #tpu.memory_space<vmem>>
      %dma_start3A_168 = arith.constant 0 : i32
      %dma_start3A_169 = tpu.memref_slice %arg6[%add3A_53, %dma_start3A_168] : memref<10112x64xf32, #tpu.memory_space<vmem_shared>> -> memref<128x64xf32, #tpu.memory_space<vmem_shared>>
      tpu.enqueue_dma source(%dma_start3A_169 : memref<128x64xf32, #tpu.memory_space<vmem_shared>>) target(%dma_start3A_167 : memref<128x64xf32, #tpu.memory_space<vmem>>) target_semaphore(%run_scoped3A : memref<!tpu.dma_semaphore, #tpu.memory_space<semaphore_mem>>)
      %dma_wait3A = arith.constant 0 : i32
      %dma_wait3A_170 = arith.constant 0 : i32
      %dma_wait3A_171 = tpu.memref_slice %arg13[%dma_wait3A, %dma_wait3A_170] : memref<128x64xf32, #tpu.memory_space<vmem>> -> memref<128x64xf32, #tpu.memory_space<vmem>>
      %dma_wait3A_172 = arith.constant 0 : i32
      %dma_wait3A_173 = tpu.memref_slice %arg6[%add3A_53, %dma_wait3A_172] : memref<10112x64xf32, #tpu.memory_space<vmem_shared>> -> memref<128x64xf32, #tpu.memory_space<vmem_shared>>
      %dma_wait3A_174 = arith.constant 0 : i32
      %dma_wait3A_175 = arith.constant 0 : i32
      %dma_wait3A_176 = tpu.memref_slice %arg13[%dma_wait3A_174, %dma_wait3A_175] : memref<128x64xf32, #tpu.memory_space<vmem>> -> memref<128x64xf32, #tpu.memory_space<vmem>>
      %dma_wait3A_177 = arith.constant 0 : i32
      %dma_wait3A_178 = tpu.memref_slice %arg6[%add3A_53, %dma_wait3A_177] : memref<10112x64xf32, #tpu.memory_space<vmem_shared>> -> memref<128x64xf32, #tpu.memory_space<vmem_shared>>
      tpu.wait_dma2 semaphore(%run_scoped3A : memref<!tpu.dma_semaphore, #tpu.memory_space<semaphore_mem>>) src(%dma_wait3A_178 : memref<128x64xf32, #tpu.memory_space<vmem_shared>>) dst(%dma_wait3A_176 : memref<128x64xf32, #tpu.memory_space<vmem>>)
      tpu.yield
    }) : () -> ()
    %scan3A_54 = arith.constant 0 : i32
    %scan3A_55 = arith.constant 128 : i32
    %scan3A_56 = arith.addi %scan3A_54, %scan3A_55 : i32
    %scan3A_57 = arith.constant 1 : i32
    scf.for %scan3A_160 = %scan3A_54 to %scan3A_56 step %scan3A_57  : i32 {
      %mul3A_161 = arith.constant 1 : i32
      %mul3A_162 = arith.muli %scan3A_160, %mul3A_161 : i32
      %add3A_163 = arith.constant 0 : i32
      %add3A_164 = arith.addi %add3A_163, %mul3A_162 : i32
      %get3A = arith.index_cast %add3A_164 : i32 to index
      %get3A_165 = arith.constant 0 : index
      %get3A_166 = tpu.vector_load %arg12[%get3A, %get3A_165] {strides = array<i32>} : memref<128x64xf32, #tpu.memory_space<vmem>>, vector<1x16xf32>,
      %get3A_167 = vector.shape_cast %get3A_166 : vector<1x16xf32> to vector<16xf32>
      %get3A_168 = arith.index_cast %add3A_164 : i32 to index
      %get3A_169 = arith.constant 0 : index
      %get3A_170 = tpu.vector_load %arg13[%get3A_168, %get3A_169] {strides = array<i32>} : memref<128x64xf32, #tpu.memory_space<vmem>>, vector<1x16xf32>,
      %get3A_171 = vector.shape_cast %get3A_170 : vector<1x16xf32> to vector<16xf32>
      %sub3A = arith.subf %get3A_167, %get3A_171 : vector<16xf32>
      %swap3A = arith.index_cast %add3A_164 : i32 to index
      %swap3A_172 = arith.constant 0 : index
      %swap3A_173 = tpu.vector_load %arg12[%swap3A, %swap3A_172] {strides = array<i32>} : memref<128x64xf32, #tpu.memory_space<vmem>>, vector<1x16xf32>,
      %swap3A_174 = vector.shape_cast %swap3A_173 : vector<1x16xf32> to vector<16xf32>
      %swap3A_175 = vector.shape_cast %sub3A : vector<16xf32> to vector<1x16xf32>
      tpu.vector_store %arg12[%swap3A, %swap3A_172], %swap3A_175 {strides = array<i32>} : memref<128x64xf32, #tpu.memory_space<vmem>>, vector<1x16xf32>,
      %get3A_176 = arith.index_cast %add3A_164 : i32 to index
      %get3A_177 = arith.constant 16 : index
      %get3A_178 = tpu.vector_load %arg12[%get3A_176, %get3A_177] {strides = array<i32>} : memref<128x64xf32, #tpu.memory_space<vmem>>, vector<1x16xf32>,
      %get3A_179 = vector.shape_cast %get3A_178 : vector<1x16xf32> to vector<16xf32>
      %get3A_180 = arith.index_cast %add3A_164 : i32 to index
      %get3A_181 = arith.constant 16 : index
      %get3A_182 = tpu.vector_load %arg13[%get3A_180, %get3A_181] {strides = array<i32>} : memref<128x64xf32, #tpu.memory_space<vmem>>, vector<1x16xf32>,
      %get3A_183 = vector.shape_cast %get3A_182 : vector<1x16xf32> to vector<16xf32>
      %sub3A_184 = arith.subf %get3A_179, %get3A_183 : vector<16xf32>
      %swap3A_185 = arith.index_cast %add3A_164 : i32 to index
      %swap3A_186 = arith.constant 16 : index
      %swap3A_187 = tpu.vector_load %arg12[%swap3A_185, %swap3A_186] {strides = array<i32>} : memref<128x64xf32, #tpu.memory_space<vmem>>, vector<1x16xf32>,
      %swap3A_188 = vector.shape_cast %swap3A_187 : vector<1x16xf32> to vector<16xf32>
      %swap3A_189 = vector.shape_cast %sub3A_184 : vector<16xf32> to vector<1x16xf32>
      tpu.vector_store %arg12[%swap3A_185, %swap3A_186], %swap3A_189 {strides = array<i32>} : memref<128x64xf32, #tpu.memory_space<vmem>>, vector<1x16xf32>,
      %get3A_190 = arith.index_cast %add3A_164 : i32 to index
      %get3A_191 = arith.constant 32 : index
      %get3A_192 = tpu.vector_load %arg12[%get3A_190, %get3A_191] {strides = array<i32>} : memref<128x64xf32, #tpu.memory_space<vmem>>, vector<1x16xf32>,
      %get3A_193 = vector.shape_cast %get3A_192 : vector<1x16xf32> to vector<16xf32>
      %get3A_194 = arith.index_cast %add3A_164 : i32 to index
      %get3A_195 = arith.constant 32 : index
      %get3A_196 = tpu.vector_load %arg13[%get3A_194, %get3A_195] {strides = array<i32>} : memref<128x64xf32, #tpu.memory_space<vmem>>, vector<1x16xf32>,
      %get3A_197 = vector.shape_cast %get3A_196 : vector<1x16xf32> to vector<16xf32>
      %sub3A_198 = arith.subf %get3A_193, %get3A_197 : vector<16xf32>
      %swap3A_199 = arith.index_cast %add3A_164 : i32 to index
      %swap3A_200 = arith.constant 32 : index
      %swap3A_201 = tpu.vector_load %arg12[%swap3A_199, %swap3A_200] {strides = array<i32>} : memref<128x64xf32, #tpu.memory_space<vmem>>, vector<1x16xf32>,
      %swap3A_202 = vector.shape_cast %swap3A_201 : vector<1x16xf32> to vector<16xf32>
      %swap3A_203 = vector.shape_cast %sub3A_198 : vector<16xf32> to vector<1x16xf32>
      tpu.vector_store %arg12[%swap3A_199, %swap3A_200], %swap3A_203 {strides = array<i32>} : memref<128x64xf32, #tpu.memory_space<vmem>>, vector<1x16xf32>,
      %get3A_204 = arith.index_cast %add3A_164 : i32 to index
      %get3A_205 = arith.constant 48 : index
      %get3A_206 = tpu.vector_load %arg12[%get3A_204, %get3A_205] {strides = array<i32>} : memref<128x64xf32, #tpu.memory_space<vmem>>, vector<1x16xf32>,
      %get3A_207 = vector.shape_cast %get3A_206 : vector<1x16xf32> to vector<16xf32>
      %get3A_208 = arith.index_cast %add3A_164 : i32 to index
      %get3A_209 = arith.constant 48 : index
      %get3A_210 = tpu.vector_load %arg13[%get3A_208, %get3A_209] {strides = array<i32>} : memref<128x64xf32, #tpu.memory_space<vmem>>, vector<1x16xf32>,
      %get3A_211 = vector.shape_cast %get3A_210 : vector<1x16xf32> to vector<16xf32>
      %sub3A_212 = arith.subf %get3A_207, %get3A_211 : vector<16xf32>
      %swap3A_213 = arith.index_cast %add3A_164 : i32 to index
      %swap3A_214 = arith.constant 48 : index
      %swap3A_215 = tpu.vector_load %arg12[%swap3A_213, %swap3A_214] {strides = array<i32>} : memref<128x64xf32, #tpu.memory_space<vmem>>, vector<1x16xf32>,
      %swap3A_216 = vector.shape_cast %swap3A_215 : vector<1x16xf32> to vector<16xf32>
      %swap3A_217 = vector.shape_cast %sub3A_212 : vector<16xf32> to vector<1x16xf32>
      tpu.vector_store %arg12[%swap3A_213, %swap3A_214], %swap3A_217 {strides = array<i32>} : memref<128x64xf32, #tpu.memory_space<vmem>>, vector<1x16xf32>,
    }
    %scan3A_58 = arith.constant 128 : i32
    "tpu.region"() ({
      %run_scoped3A = tpu.sem_alloc : memref<!tpu.dma_semaphore, #tpu.memory_space<semaphore_mem>>
      %dma_start3A_160 = arith.constant 0 : i32
      %dma_start3A_161 = arith.constant 0 : i32
      %dma_start3A_162 = tpu.memref_slice %arg12[%dma_start3A_160, %dma_start3A_161] : memref<128x64xf32, #tpu.memory_space<vmem>> -> memref<128x64xf32, #tpu.memory_space<vmem>>
      %dma_start3A_163 = arith.constant 0 : i32
      %dma_start3A_164 = tpu.memref_slice %arg6[%add3A_53, %dma_start3A_163] : memref<10112x64xf32, #tpu.memory_space<vmem_shared>> -> memref<128x64xf32, #tpu.memory_space<vmem_shared>>
      %dma_start3A_165 = arith.constant 0 : i32
      %dma_start3A_166 = tpu.memref_slice %arg6[%add3A_53, %dma_start3A_165] : memref<10112x64xf32, #tpu.memory_space<vmem_shared>> -> memref<128x64xf32, #tpu.memory_space<vmem_shared>>
      %dma_start3A_167 = arith.constant 0 : i32
      %dma_start3A_168 = arith.constant 0 : i32
      %dma_start3A_169 = tpu.memref_slice %arg12[%dma_start3A_167, %dma_start3A_168] : memref<128x64xf32, #tpu.memory_space<vmem>> -> memref<128x64xf32, #tpu.memory_space<vmem>>
      tpu.enqueue_dma source(%dma_start3A_169 : memref<128x64xf32, #tpu.memory_space<vmem>>) target(%dma_start3A_166 : memref<128x64xf32, #tpu.memory_space<vmem_shared>>) target_semaphore(%run_scoped3A : memref<!tpu.dma_semaphore, #tpu.memory_space<semaphore_mem>>)
      %dma_wait3A = arith.constant 0 : i32
      %dma_wait3A_170 = arith.constant 0 : i32
      %dma_wait3A_171 = tpu.memref_slice %arg12[%dma_wait3A, %dma_wait3A_170] : memref<128x64xf32, #tpu.memory_space<vmem>> -> memref<128x64xf32, #tpu.memory_space<vmem>>
      %dma_wait3A_172 = arith.constant 0 : i32
      %dma_wait3A_173 = tpu.memref_slice %arg6[%add3A_53, %dma_wait3A_172] : memref<10112x64xf32, #tpu.memory_space<vmem_shared>> -> memref<128x64xf32, #tpu.memory_space<vmem_shared>>
      %dma_wait3A_174 = arith.constant 0 : i32
      %dma_wait3A_175 = tpu.memref_slice %arg6[%add3A_53, %dma_wait3A_174] : memref<10112x64xf32, #tpu.memory_space<vmem_shared>> -> memref<128x64xf32, #tpu.memory_space<vmem_shared>>
      %dma_wait3A_176 = arith.constant 0 : i32
      %dma_wait3A_177 = arith.constant 0 : i32
      %dma_wait3A_178 = tpu.memref_slice %arg12[%dma_wait3A_176, %dma_wait3A_177] : memref<128x64xf32, #tpu.memory_space<vmem>> -> memref<128x64xf32, #tpu.memory_space<vmem>>
      tpu.wait_dma2 semaphore(%run_scoped3A : memref<!tpu.dma_semaphore, #tpu.memory_space<semaphore_mem>>) src(%dma_wait3A_178 : memref<128x64xf32, #tpu.memory_space<vmem>>) dst(%dma_wait3A_175 : memref<128x64xf32, #tpu.memory_space<vmem_shared>>)
      tpu.yield
    }) : () -> ()
    %add3A_59 = arith.constant 128 : i32
    %add3A_60 = arith.addi %add3A_53, %add3A_59 : i32
    "tpu.region"() ({
      %run_scoped3A = tpu.sem_alloc : memref<!tpu.dma_semaphore, #tpu.memory_space<semaphore_mem>>
      %dma_start3A_160 = arith.constant 0 : i32
      %dma_start3A_161 = arith.constant 0 : i32
      %dma_start3A_162 = tpu.memref_slice %arg12[%dma_start3A_160, %dma_start3A_161] : memref<128x64xf32, #tpu.memory_space<vmem>> -> memref<128x64xf32, #tpu.memory_space<vmem>>
      %dma_start3A_163 = arith.constant 0 : i32
      %dma_start3A_164 = tpu.memref_slice %arg7[%add3A_60, %dma_start3A_163] : memref<10112x64xf32, #tpu.memory_space<vmem_shared>> -> memref<128x64xf32, #tpu.memory_space<vmem_shared>>
      %dma_start3A_165 = arith.constant 0 : i32
      %dma_start3A_166 = arith.constant 0 : i32
      %dma_start3A_167 = tpu.memref_slice %arg12[%dma_start3A_165, %dma_start3A_166] : memref<128x64xf32, #tpu.memory_space<vmem>> -> memref<128x64xf32, #tpu.memory_space<vmem>>
      %dma_start3A_168 = arith.constant 0 : i32
      %dma_start3A_169 = tpu.memref_slice %arg7[%add3A_60, %dma_start3A_168] : memref<10112x64xf32, #tpu.memory_space<vmem_shared>> -> memref<128x64xf32, #tpu.memory_space<vmem_shared>>
      tpu.enqueue_dma source(%dma_start3A_169 : memref<128x64xf32, #tpu.memory_space<vmem_shared>>) target(%dma_start3A_167 : memref<128x64xf32, #tpu.memory_space<vmem>>) target_semaphore(%run_scoped3A : memref<!tpu.dma_semaphore, #tpu.memory_space<semaphore_mem>>)
      %dma_wait3A = arith.constant 0 : i32
      %dma_wait3A_170 = arith.constant 0 : i32
      %dma_wait3A_171 = tpu.memref_slice %arg12[%dma_wait3A, %dma_wait3A_170] : memref<128x64xf32, #tpu.memory_space<vmem>> -> memref<128x64xf32, #tpu.memory_space<vmem>>
      %dma_wait3A_172 = arith.constant 0 : i32
      %dma_wait3A_173 = tpu.memref_slice %arg7[%add3A_60, %dma_wait3A_172] : memref<10112x64xf32, #tpu.memory_space<vmem_shared>> -> memref<128x64xf32, #tpu.memory_space<vmem_shared>>
      %dma_wait3A_174 = arith.constant 0 : i32
      %dma_wait3A_175 = arith.constant 0 : i32
      %dma_wait3A_176 = tpu.memref_slice %arg12[%dma_wait3A_174, %dma_wait3A_175] : memref<128x64xf32, #tpu.memory_space<vmem>> -> memref<128x64xf32, #tpu.memory_space<vmem>>
      %dma_wait3A_177 = arith.constant 0 : i32
      %dma_wait3A_178 = tpu.memref_slice %arg7[%add3A_60, %dma_wait3A_177] : memref<10112x64xf32, #tpu.memory_space<vmem_shared>> -> memref<128x64xf32, #tpu.memory_space<vmem_shared>>
      tpu.wait_dma2 semaphore(%run_scoped3A : memref<!tpu.dma_semaphore, #tpu.memory_space<semaphore_mem>>) src(%dma_wait3A_178 : memref<128x64xf32, #tpu.memory_space<vmem_shared>>) dst(%dma_wait3A_176 : memref<128x64xf32, #tpu.memory_space<vmem>>)
      tpu.yield
    }) : () -> ()
    "tpu.region"() ({
      %run_scoped3A = tpu.sem_alloc : memref<!tpu.dma_semaphore, #tpu.memory_space<semaphore_mem>>
      %dma_start3A_160 = arith.constant 0 : i32
      %dma_start3A_161 = arith.constant 0 : i32
      %dma_start3A_162 = tpu.memref_slice %arg13[%dma_start3A_160, %dma_start3A_161] : memref<128x64xf32, #tpu.memory_space<vmem>> -> memref<128x64xf32, #tpu.memory_space<vmem>>
      %dma_start3A_163 = arith.constant 0 : i32
      %dma_start3A_164 = tpu.memref_slice %arg6[%add3A_60, %dma_start3A_163] : memref<10112x64xf32, #tpu.memory_space<vmem_shared>> -> memref<128x64xf32, #tpu.memory_space<vmem_shared>>
      %dma_start3A_165 = arith.constant 0 : i32
      %dma_start3A_166 = arith.constant 0 : i32
      %dma_start3A_167 = tpu.memref_slice %arg13[%dma_start3A_165, %dma_start3A_166] : memref<128x64xf32, #tpu.memory_space<vmem>> -> memref<128x64xf32, #tpu.memory_space<vmem>>
      %dma_start3A_168 = arith.constant 0 : i32
      %dma_start3A_169 = tpu.memref_slice %arg6[%add3A_60, %dma_start3A_168] : memref<10112x64xf32, #tpu.memory_space<vmem_shared>> -> memref<128x64xf32, #tpu.memory_space<vmem_shared>>
      tpu.enqueue_dma source(%dma_start3A_169 : memref<128x64xf32, #tpu.memory_space<vmem_shared>>) target(%dma_start3A_167 : memref<128x64xf32, #tpu.memory_space<vmem>>) target_semaphore(%run_scoped3A : memref<!tpu.dma_semaphore, #tpu.memory_space<semaphore_mem>>)
      %dma_wait3A = arith.constant 0 : i32
      %dma_wait3A_170 = arith.constant 0 : i32
      %dma_wait3A_171 = tpu.memref_slice %arg13[%dma_wait3A, %dma_wait3A_170] : memref<128x64xf32, #tpu.memory_space<vmem>> -> memref<128x64xf32, #tpu.memory_space<vmem>>
      %dma_wait3A_172 = arith.constant 0 : i32
      %dma_wait3A_173 = tpu.memref_slice %arg6[%add3A_60, %dma_wait3A_172] : memref<10112x64xf32, #tpu.memory_space<vmem_shared>> -> memref<128x64xf32, #tpu.memory_space<vmem_shared>>
      %dma_wait3A_174 = arith.constant 0 : i32
      %dma_wait3A_175 = arith.constant 0 : i32
      %dma_wait3A_176 = tpu.memref_slice %arg13[%dma_wait3A_174, %dma_wait3A_175] : memref<128x64xf32, #tpu.memory_space<vmem>> -> memref<128x64xf32, #tpu.memory_space<vmem>>
      %dma_wait3A_177 = arith.constant 0 : i32
      %dma_wait3A_178 = tpu.memref_slice %arg6[%add3A_60, %dma_wait3A_177] : memref<10112x64xf32, #tpu.memory_space<vmem_shared>> -> memref<128x64xf32, #tpu.memory_space<vmem_shared>>
      tpu.wait_dma2 semaphore(%run_scoped3A : memref<!tpu.dma_semaphore, #tpu.memory_space<semaphore_mem>>) src(%dma_wait3A_178 : memref<128x64xf32, #tpu.memory_space<vmem_shared>>) dst(%dma_wait3A_176 : memref<128x64xf32, #tpu.memory_space<vmem>>)
      tpu.yield
    }) : () -> ()
    %scan3A_61 = arith.constant 0 : i32
    %scan3A_62 = arith.constant 128 : i32
    %scan3A_63 = arith.addi %scan3A_61, %scan3A_62 : i32
    %scan3A_64 = arith.constant 1 : i32
    scf.for %scan3A_160 = %scan3A_61 to %scan3A_63 step %scan3A_64  : i32 {
      %mul3A_161 = arith.constant 1 : i32
      %mul3A_162 = arith.muli %scan3A_160, %mul3A_161 : i32
      %add3A_163 = arith.constant 0 : i32
      %add3A_164 = arith.addi %add3A_163, %mul3A_162 : i32
      %get3A = arith.index_cast %add3A_164 : i32 to index
      %get3A_165 = arith.constant 0 : index
      %get3A_166 = tpu.vector_load %arg12[%get3A, %get3A_165] {strides = array<i32>} : memref<128x64xf32, #tpu.memory_space<vmem>>, vector<1x16xf32>,
      %get3A_167 = vector.shape_cast %get3A_166 : vector<1x16xf32> to vector<16xf32>
      %get3A_168 = arith.index_cast %add3A_164 : i32 to index
      %get3A_169 = arith.constant 0 : index
      %get3A_170 = tpu.vector_load %arg13[%get3A_168, %get3A_169] {strides = array<i32>} : memref<128x64xf32, #tpu.memory_space<vmem>>, vector<1x16xf32>,
      %get3A_171 = vector.shape_cast %get3A_170 : vector<1x16xf32> to vector<16xf32>
      %sub3A = arith.subf %get3A_167, %get3A_171 : vector<16xf32>
      %swap3A = arith.index_cast %add3A_164 : i32 to index
      %swap3A_172 = arith.constant 0 : index
      %swap3A_173 = tpu.vector_load %arg12[%swap3A, %swap3A_172] {strides = array<i32>} : memref<128x64xf32, #tpu.memory_space<vmem>>, vector<1x16xf32>,
      %swap3A_174 = vector.shape_cast %swap3A_173 : vector<1x16xf32> to vector<16xf32>
      %swap3A_175 = vector.shape_cast %sub3A : vector<16xf32> to vector<1x16xf32>
      tpu.vector_store %arg12[%swap3A, %swap3A_172], %swap3A_175 {strides = array<i32>} : memref<128x64xf32, #tpu.memory_space<vmem>>, vector<1x16xf32>,
      %get3A_176 = arith.index_cast %add3A_164 : i32 to index
      %get3A_177 = arith.constant 16 : index
      %get3A_178 = tpu.vector_load %arg12[%get3A_176, %get3A_177] {strides = array<i32>} : memref<128x64xf32, #tpu.memory_space<vmem>>, vector<1x16xf32>,
      %get3A_179 = vector.shape_cast %get3A_178 : vector<1x16xf32> to vector<16xf32>
      %get3A_180 = arith.index_cast %add3A_164 : i32 to index
      %get3A_181 = arith.constant 16 : index
      %get3A_182 = tpu.vector_load %arg13[%get3A_180, %get3A_181] {strides = array<i32>} : memref<128x64xf32, #tpu.memory_space<vmem>>, vector<1x16xf32>,
      %get3A_183 = vector.shape_cast %get3A_182 : vector<1x16xf32> to vector<16xf32>
      %sub3A_184 = arith.subf %get3A_179, %get3A_183 : vector<16xf32>
      %swap3A_185 = arith.index_cast %add3A_164 : i32 to index
      %swap3A_186 = arith.constant 16 : index
      %swap3A_187 = tpu.vector_load %arg12[%swap3A_185, %swap3A_186] {strides = array<i32>} : memref<128x64xf32, #tpu.memory_space<vmem>>, vector<1x16xf32>,
      %swap3A_188 = vector.shape_cast %swap3A_187 : vector<1x16xf32> to vector<16xf32>
      %swap3A_189 = vector.shape_cast %sub3A_184 : vector<16xf32> to vector<1x16xf32>
      tpu.vector_store %arg12[%swap3A_185, %swap3A_186], %swap3A_189 {strides = array<i32>} : memref<128x64xf32, #tpu.memory_space<vmem>>, vector<1x16xf32>,
      %get3A_190 = arith.index_cast %add3A_164 : i32 to index
      %get3A_191 = arith.constant 32 : index
      %get3A_192 = tpu.vector_load %arg12[%get3A_190, %get3A_191] {strides = array<i32>} : memref<128x64xf32, #tpu.memory_space<vmem>>, vector<1x16xf32>,
      %get3A_193 = vector.shape_cast %get3A_192 : vector<1x16xf32> to vector<16xf32>
      %get3A_194 = arith.index_cast %add3A_164 : i32 to index
      %get3A_195 = arith.constant 32 : index
      %get3A_196 = tpu.vector_load %arg13[%get3A_194, %get3A_195] {strides = array<i32>} : memref<128x64xf32, #tpu.memory_space<vmem>>, vector<1x16xf32>,
      %get3A_197 = vector.shape_cast %get3A_196 : vector<1x16xf32> to vector<16xf32>
      %sub3A_198 = arith.subf %get3A_193, %get3A_197 : vector<16xf32>
      %swap3A_199 = arith.index_cast %add3A_164 : i32 to index
      %swap3A_200 = arith.constant 32 : index
      %swap3A_201 = tpu.vector_load %arg12[%swap3A_199, %swap3A_200] {strides = array<i32>} : memref<128x64xf32, #tpu.memory_space<vmem>>, vector<1x16xf32>,
      %swap3A_202 = vector.shape_cast %swap3A_201 : vector<1x16xf32> to vector<16xf32>
      %swap3A_203 = vector.shape_cast %sub3A_198 : vector<16xf32> to vector<1x16xf32>
      tpu.vector_store %arg12[%swap3A_199, %swap3A_200], %swap3A_203 {strides = array<i32>} : memref<128x64xf32, #tpu.memory_space<vmem>>, vector<1x16xf32>,
      %get3A_204 = arith.index_cast %add3A_164 : i32 to index
      %get3A_205 = arith.constant 48 : index
      %get3A_206 = tpu.vector_load %arg12[%get3A_204, %get3A_205] {strides = array<i32>} : memref<128x64xf32, #tpu.memory_space<vmem>>, vector<1x16xf32>,
      %get3A_207 = vector.shape_cast %get3A_206 : vector<1x16xf32> to vector<16xf32>
      %get3A_208 = arith.index_cast %add3A_164 : i32 to index
      %get3A_209 = arith.constant 48 : index
      %get3A_210 = tpu.vector_load %arg13[%get3A_208, %get3A_209] {strides = array<i32>} : memref<128x64xf32, #tpu.memory_space<vmem>>, vector<1x16xf32>,
      %get3A_211 = vector.shape_cast %get3A_210 : vector<1x16xf32> to vector<16xf32>
      %sub3A_212 = arith.subf %get3A_207, %get3A_211 : vector<16xf32>
      %swap3A_213 = arith.index_cast %add3A_164 : i32 to index
      %swap3A_214 = arith.constant 48 : index
      %swap3A_215 = tpu.vector_load %arg12[%swap3A_213, %swap3A_214] {strides = array<i32>} : memref<128x64xf32, #tpu.memory_space<vmem>>, vector<1x16xf32>,
      %swap3A_216 = vector.shape_cast %swap3A_215 : vector<1x16xf32> to vector<16xf32>
      %swap3A_217 = vector.shape_cast %sub3A_212 : vector<16xf32> to vector<1x16xf32>
      tpu.vector_store %arg12[%swap3A_213, %swap3A_214], %swap3A_217 {strides = array<i32>} : memref<128x64xf32, #tpu.memory_space<vmem>>, vector<1x16xf32>,
    }
    %scan3A_65 = arith.constant 128 : i32
    "tpu.region"() ({
      %run_scoped3A = tpu.sem_alloc : memref<!tpu.dma_semaphore, #tpu.memory_space<semaphore_mem>>
      %dma_start3A_160 = arith.constant 0 : i32
      %dma_start3A_161 = arith.constant 0 : i32
      %dma_start3A_162 = tpu.memref_slice %arg12[%dma_start3A_160, %dma_start3A_161] : memref<128x64xf32, #tpu.memory_space<vmem>> -> memref<128x64xf32, #tpu.memory_space<vmem>>
      %dma_start3A_163 = arith.constant 0 : i32
      %dma_start3A_164 = tpu.memref_slice %arg6[%add3A_60, %dma_start3A_163] : memref<10112x64xf32, #tpu.memory_space<vmem_shared>> -> memref<128x64xf32, #tpu.memory_space<vmem_shared>>
      %dma_start3A_165 = arith.constant 0 : i32
      %dma_start3A_166 = tpu.memref_slice %arg6[%add3A_60, %dma_start3A_165] : memref<10112x64xf32, #tpu.memory_space<vmem_shared>> -> memref<128x64xf32, #tpu.memory_space<vmem_shared>>
      %dma_start3A_167 = arith.constant 0 : i32
      %dma_start3A_168 = arith.constant 0 : i32
      %dma_start3A_169 = tpu.memref_slice %arg12[%dma_start3A_167, %dma_start3A_168] : memref<128x64xf32, #tpu.memory_space<vmem>> -> memref<128x64xf32, #tpu.memory_space<vmem>>
      tpu.enqueue_dma source(%dma_start3A_169 : memref<128x64xf32, #tpu.memory_space<vmem>>) target(%dma_start3A_166 : memref<128x64xf32, #tpu.memory_space<vmem_shared>>) target_semaphore(%run_scoped3A : memref<!tpu.dma_semaphore, #tpu.memory_space<semaphore_mem>>)
      %dma_wait3A = arith.constant 0 : i32
      %dma_wait3A_170 = arith.constant 0 : i32
      %dma_wait3A_171 = tpu.memref_slice %arg12[%dma_wait3A, %dma_wait3A_170] : memref<128x64xf32, #tpu.memory_space<vmem>> -> memref<128x64xf32, #tpu.memory_space<vmem>>
      %dma_wait3A_172 = arith.constant 0 : i32
      %dma_wait3A_173 = tpu.memref_slice %arg6[%add3A_60, %dma_wait3A_172] : memref<10112x64xf32, #tpu.memory_space<vmem_shared>> -> memref<128x64xf32, #tpu.memory_space<vmem_shared>>
      %dma_wait3A_174 = arith.constant 0 : i32
      %dma_wait3A_175 = tpu.memref_slice %arg6[%add3A_60, %dma_wait3A_174] : memref<10112x64xf32, #tpu.memory_space<vmem_shared>> -> memref<128x64xf32, #tpu.memory_space<vmem_shared>>
      %dma_wait3A_176 = arith.constant 0 : i32
      %dma_wait3A_177 = arith.constant 0 : i32
      %dma_wait3A_178 = tpu.memref_slice %arg12[%dma_wait3A_176, %dma_wait3A_177] : memref<128x64xf32, #tpu.memory_space<vmem>> -> memref<128x64xf32, #tpu.memory_space<vmem>>
      tpu.wait_dma2 semaphore(%run_scoped3A : memref<!tpu.dma_semaphore, #tpu.memory_space<semaphore_mem>>) src(%dma_wait3A_178 : memref<128x64xf32, #tpu.memory_space<vmem>>) dst(%dma_wait3A_175 : memref<128x64xf32, #tpu.memory_space<vmem_shared>>)
      tpu.yield
    }) : () -> ()
    %add3A_66 = arith.constant 128 : i32
    %add3A_67 = arith.addi %add3A_60, %add3A_66 : i32
    "tpu.region"() ({
      %run_scoped3A = tpu.sem_alloc : memref<!tpu.dma_semaphore, #tpu.memory_space<semaphore_mem>>
      %dma_start3A_160 = arith.constant 0 : i32
      %dma_start3A_161 = arith.constant 0 : i32
      %dma_start3A_162 = tpu.memref_slice %arg12[%dma_start3A_160, %dma_start3A_161] : memref<128x64xf32, #tpu.memory_space<vmem>> -> memref<120x64xf32, #tpu.memory_space<vmem>>
      %dma_start3A_163 = arith.constant 0 : i32
      %dma_start3A_164 = tpu.memref_slice %arg7[%add3A_67, %dma_start3A_163] : memref<10112x64xf32, #tpu.memory_space<vmem_shared>> -> memref<120x64xf32, #tpu.memory_space<vmem_shared>>
      %dma_start3A_165 = arith.constant 0 : i32
      %dma_start3A_166 = arith.constant 0 : i32
      %dma_start3A_167 = tpu.memref_slice %arg12[%dma_start3A_165, %dma_start3A_166] : memref<128x64xf32, #tpu.memory_space<vmem>> -> memref<120x64xf32, #tpu.memory_space<vmem>>
      %dma_start3A_168 = arith.constant 0 : i32
      %dma_start3A_169 = tpu.memref_slice %arg7[%add3A_67, %dma_start3A_168] : memref<10112x64xf32, #tpu.memory_space<vmem_shared>> -> memref<120x64xf32, #tpu.memory_space<vmem_shared>>
      tpu.enqueue_dma source(%dma_start3A_169 : memref<120x64xf32, #tpu.memory_space<vmem_shared>>) target(%dma_start3A_167 : memref<120x64xf32, #tpu.memory_space<vmem>>) target_semaphore(%run_scoped3A : memref<!tpu.dma_semaphore, #tpu.memory_space<semaphore_mem>>)
      %dma_wait3A = arith.constant 0 : i32
      %dma_wait3A_170 = arith.constant 0 : i32
      %dma_wait3A_171 = tpu.memref_slice %arg12[%dma_wait3A, %dma_wait3A_170] : memref<128x64xf32, #tpu.memory_space<vmem>> -> memref<120x64xf32, #tpu.memory_space<vmem>>
      %dma_wait3A_172 = arith.constant 0 : i32
      %dma_wait3A_173 = tpu.memref_slice %arg7[%add3A_67, %dma_wait3A_172] : memref<10112x64xf32, #tpu.memory_space<vmem_shared>> -> memref<120x64xf32, #tpu.memory_space<vmem_shared>>
      %dma_wait3A_174 = arith.constant 0 : i32
      %dma_wait3A_175 = arith.constant 0 : i32
      %dma_wait3A_176 = tpu.memref_slice %arg12[%dma_wait3A_174, %dma_wait3A_175] : memref<128x64xf32, #tpu.memory_space<vmem>> -> memref<120x64xf32, #tpu.memory_space<vmem>>
      %dma_wait3A_177 = arith.constant 0 : i32
      %dma_wait3A_178 = tpu.memref_slice %arg7[%add3A_67, %dma_wait3A_177] : memref<10112x64xf32, #tpu.memory_space<vmem_shared>> -> memref<120x64xf32, #tpu.memory_space<vmem_shared>>
      tpu.wait_dma2 semaphore(%run_scoped3A : memref<!tpu.dma_semaphore, #tpu.memory_space<semaphore_mem>>) src(%dma_wait3A_178 : memref<120x64xf32, #tpu.memory_space<vmem_shared>>) dst(%dma_wait3A_176 : memref<120x64xf32, #tpu.memory_space<vmem>>)
      tpu.yield
    }) : () -> ()
    "tpu.region"() ({
      %run_scoped3A = tpu.sem_alloc : memref<!tpu.dma_semaphore, #tpu.memory_space<semaphore_mem>>
      %dma_start3A_160 = arith.constant 0 : i32
      %dma_start3A_161 = arith.constant 0 : i32
      %dma_start3A_162 = tpu.memref_slice %arg13[%dma_start3A_160, %dma_start3A_161] : memref<128x64xf32, #tpu.memory_space<vmem>> -> memref<120x64xf32, #tpu.memory_space<vmem>>
      %dma_start3A_163 = arith.constant 0 : i32
      %dma_start3A_164 = tpu.memref_slice %arg6[%add3A_67, %dma_start3A_163] : memref<10112x64xf32, #tpu.memory_space<vmem_shared>> -> memref<120x64xf32, #tpu.memory_space<vmem_shared>>
      %dma_start3A_165 = arith.constant 0 : i32
      %dma_start3A_166 = arith.constant 0 : i32
      %dma_start3A_167 = tpu.memref_slice %arg13[%dma_start3A_165, %dma_start3A_166] : memref<128x64xf32, #tpu.memory_space<vmem>> -> memref<120x64xf32, #tpu.memory_space<vmem>>
      %dma_start3A_168 = arith.constant 0 : i32
      %dma_start3A_169 = tpu.memref_slice %arg6[%add3A_67, %dma_start3A_168] : memref<10112x64xf32, #tpu.memory_space<vmem_shared>> -> memref<120x64xf32, #tpu.memory_space<vmem_shared>>
      tpu.enqueue_dma source(%dma_start3A_169 : memref<120x64xf32, #tpu.memory_space<vmem_shared>>) target(%dma_start3A_167 : memref<120x64xf32, #tpu.memory_space<vmem>>) target_semaphore(%run_scoped3A : memref<!tpu.dma_semaphore, #tpu.memory_space<semaphore_mem>>)
      %dma_wait3A = arith.constant 0 : i32
      %dma_wait3A_170 = arith.constant 0 : i32
      %dma_wait3A_171 = tpu.memref_slice %arg13[%dma_wait3A, %dma_wait3A_170] : memref<128x64xf32, #tpu.memory_space<vmem>> -> memref<120x64xf32, #tpu.memory_space<vmem>>
      %dma_wait3A_172 = arith.constant 0 : i32
      %dma_wait3A_173 = tpu.memref_slice %arg6[%add3A_67, %dma_wait3A_172] : memref<10112x64xf32, #tpu.memory_space<vmem_shared>> -> memref<120x64xf32, #tpu.memory_space<vmem_shared>>
      %dma_wait3A_174 = arith.constant 0 : i32
      %dma_wait3A_175 = arith.constant 0 : i32
      %dma_wait3A_176 = tpu.memref_slice %arg13[%dma_wait3A_174, %dma_wait3A_175] : memref<128x64xf32, #tpu.memory_space<vmem>> -> memref<120x64xf32, #tpu.memory_space<vmem>>
      %dma_wait3A_177 = arith.constant 0 : i32
      %dma_wait3A_178 = tpu.memref_slice %arg6[%add3A_67, %dma_wait3A_177] : memref<10112x64xf32, #tpu.memory_space<vmem_shared>> -> memref<120x64xf32, #tpu.memory_space<vmem_shared>>
      tpu.wait_dma2 semaphore(%run_scoped3A : memref<!tpu.dma_semaphore, #tpu.memory_space<semaphore_mem>>) src(%dma_wait3A_178 : memref<120x64xf32, #tpu.memory_space<vmem_shared>>) dst(%dma_wait3A_176 : memref<120x64xf32, #tpu.memory_space<vmem>>)
      tpu.yield
    }) : () -> ()
    %scan3A_68 = arith.constant 0 : i32
    %scan3A_69 = arith.constant 120 : i32
    %scan3A_70 = arith.addi %scan3A_68, %scan3A_69 : i32
    %scan3A_71 = arith.constant 1 : i32
    scf.for %scan3A_160 = %scan3A_68 to %scan3A_70 step %scan3A_71  : i32 {
      %mul3A_161 = arith.constant 1 : i32
      %mul3A_162 = arith.muli %scan3A_160, %mul3A_161 : i32
      %add3A_163 = arith.constant 0 : i32
      %add3A_164 = arith.addi %add3A_163, %mul3A_162 : i32
      %get3A = arith.index_cast %add3A_164 : i32 to index
      %get3A_165 = arith.constant 0 : index
      %get3A_166 = tpu.vector_load %arg12[%get3A, %get3A_165] {strides = array<i32>} : memref<128x64xf32, #tpu.memory_space<vmem>>, vector<1x16xf32>,
      %get3A_167 = vector.shape_cast %get3A_166 : vector<1x16xf32> to vector<16xf32>
      %get3A_168 = arith.index_cast %add3A_164 : i32 to index
      %get3A_169 = arith.constant 0 : index
      %get3A_170 = tpu.vector_load %arg13[%get3A_168, %get3A_169] {strides = array<i32>} : memref<128x64xf32, #tpu.memory_space<vmem>>, vector<1x16xf32>,
      %get3A_171 = vector.shape_cast %get3A_170 : vector<1x16xf32> to vector<16xf32>
      %sub3A = arith.subf %get3A_167, %get3A_171 : vector<16xf32>
      %swap3A = arith.index_cast %add3A_164 : i32 to index
      %swap3A_172 = arith.constant 0 : index
      %swap3A_173 = tpu.vector_load %arg12[%swap3A, %swap3A_172] {strides = array<i32>} : memref<128x64xf32, #tpu.memory_space<vmem>>, vector<1x16xf32>,
      %swap3A_174 = vector.shape_cast %swap3A_173 : vector<1x16xf32> to vector<16xf32>
      %swap3A_175 = vector.shape_cast %sub3A : vector<16xf32> to vector<1x16xf32>
      tpu.vector_store %arg12[%swap3A, %swap3A_172], %swap3A_175 {strides = array<i32>} : memref<128x64xf32, #tpu.memory_space<vmem>>, vector<1x16xf32>,
      %get3A_176 = arith.index_cast %add3A_164 : i32 to index
      %get3A_177 = arith.constant 16 : index
      %get3A_178 = tpu.vector_load %arg12[%get3A_176, %get3A_177] {strides = array<i32>} : memref<128x64xf32, #tpu.memory_space<vmem>>, vector<1x16xf32>,
      %get3A_179 = vector.shape_cast %get3A_178 : vector<1x16xf32> to vector<16xf32>
      %get3A_180 = arith.index_cast %add3A_164 : i32 to index
      %get3A_181 = arith.constant 16 : index
      %get3A_182 = tpu.vector_load %arg13[%get3A_180, %get3A_181] {strides = array<i32>} : memref<128x64xf32, #tpu.memory_space<vmem>>, vector<1x16xf32>,
      %get3A_183 = vector.shape_cast %get3A_182 : vector<1x16xf32> to vector<16xf32>
      %sub3A_184 = arith.subf %get3A_179, %get3A_183 : vector<16xf32>
      %swap3A_185 = arith.index_cast %add3A_164 : i32 to index
      %swap3A_186 = arith.constant 16 : index
      %swap3A_187 = tpu.vector_load %arg12[%swap3A_185, %swap3A_186] {strides = array<i32>} : memref<128x64xf32, #tpu.memory_space<vmem>>, vector<1x16xf32>,
      %swap3A_188 = vector.shape_cast %swap3A_187 : vector<1x16xf32> to vector<16xf32>
      %swap3A_189 = vector.shape_cast %sub3A_184 : vector<16xf32> to vector<1x16xf32>
      tpu.vector_store %arg12[%swap3A_185, %swap3A_186], %swap3A_189 {strides = array<i32>} : memref<128x64xf32, #tpu.memory_space<vmem>>, vector<1x16xf32>,
      %get3A_190 = arith.index_cast %add3A_164 : i32 to index
      %get3A_191 = arith.constant 32 : index
      %get3A_192 = tpu.vector_load %arg12[%get3A_190, %get3A_191] {strides = array<i32>} : memref<128x64xf32, #tpu.memory_space<vmem>>, vector<1x16xf32>,
      %get3A_193 = vector.shape_cast %get3A_192 : vector<1x16xf32> to vector<16xf32>
      %get3A_194 = arith.index_cast %add3A_164 : i32 to index
      %get3A_195 = arith.constant 32 : index
      %get3A_196 = tpu.vector_load %arg13[%get3A_194, %get3A_195] {strides = array<i32>} : memref<128x64xf32, #tpu.memory_space<vmem>>, vector<1x16xf32>,
      %get3A_197 = vector.shape_cast %get3A_196 : vector<1x16xf32> to vector<16xf32>
      %sub3A_198 = arith.subf %get3A_193, %get3A_197 : vector<16xf32>
      %swap3A_199 = arith.index_cast %add3A_164 : i32 to index
      %swap3A_200 = arith.constant 32 : index
      %swap3A_201 = tpu.vector_load %arg12[%swap3A_199, %swap3A_200] {strides = array<i32>} : memref<128x64xf32, #tpu.memory_space<vmem>>, vector<1x16xf32>,
      %swap3A_202 = vector.shape_cast %swap3A_201 : vector<1x16xf32> to vector<16xf32>
      %swap3A_203 = vector.shape_cast %sub3A_198 : vector<16xf32> to vector<1x16xf32>
      tpu.vector_store %arg12[%swap3A_199, %swap3A_200], %swap3A_203 {strides = array<i32>} : memref<128x64xf32, #tpu.memory_space<vmem>>, vector<1x16xf32>,
      %get3A_204 = arith.index_cast %add3A_164 : i32 to index
      %get3A_205 = arith.constant 48 : index
      %get3A_206 = tpu.vector_load %arg12[%get3A_204, %get3A_205] {strides = array<i32>} : memref<128x64xf32, #tpu.memory_space<vmem>>, vector<1x16xf32>,
      %get3A_207 = vector.shape_cast %get3A_206 : vector<1x16xf32> to vector<16xf32>
      %get3A_208 = arith.index_cast %add3A_164 : i32 to index
      %get3A_209 = arith.constant 48 : index
      %get3A_210 = tpu.vector_load %arg13[%get3A_208, %get3A_209] {strides = array<i32>} : memref<128x64xf32, #tpu.memory_space<vmem>>, vector<1x16xf32>,
      %get3A_211 = vector.shape_cast %get3A_210 : vector<1x16xf32> to vector<16xf32>
      %sub3A_212 = arith.subf %get3A_207, %get3A_211 : vector<16xf32>
      %swap3A_213 = arith.index_cast %add3A_164 : i32 to index
      %swap3A_214 = arith.constant 48 : index
      %swap3A_215 = tpu.vector_load %arg12[%swap3A_213, %swap3A_214] {strides = array<i32>} : memref<128x64xf32, #tpu.memory_space<vmem>>, vector<1x16xf32>,
      %swap3A_216 = vector.shape_cast %swap3A_215 : vector<1x16xf32> to vector<16xf32>
      %swap3A_217 = vector.shape_cast %sub3A_212 : vector<16xf32> to vector<1x16xf32>
      tpu.vector_store %arg12[%swap3A_213, %swap3A_214], %swap3A_217 {strides = array<i32>} : memref<128x64xf32, #tpu.memory_space<vmem>>, vector<1x16xf32>,
    }
    %scan3A_72 = arith.constant 120 : i32
    "tpu.region"() ({
      %run_scoped3A = tpu.sem_alloc : memref<!tpu.dma_semaphore, #tpu.memory_space<semaphore_mem>>
      %dma_start3A_160 = arith.constant 0 : i32
      %dma_start3A_161 = arith.constant 0 : i32
      %dma_start3A_162 = tpu.memref_slice %arg12[%dma_start3A_160, %dma_start3A_161] : memref<128x64xf32, #tpu.memory_space<vmem>> -> memref<120x64xf32, #tpu.memory_space<vmem>>
      %dma_start3A_163 = arith.constant 0 : i32
      %dma_start3A_164 = tpu.memref_slice %arg6[%add3A_67, %dma_start3A_163] : memref<10112x64xf32, #tpu.memory_space<vmem_shared>> -> memref<120x64xf32, #tpu.memory_space<vmem_shared>>
      %dma_start3A_165 = arith.constant 0 : i32
      %dma_start3A_166 = tpu.memref_slice %arg6[%add3A_67, %dma_start3A_165] : memref<10112x64xf32, #tpu.memory_space<vmem_shared>> -> memref<120x64xf32, #tpu.memory_space<vmem_shared>>
      %dma_start3A_167 = arith.constant 0 : i32
      %dma_start3A_168 = arith.constant 0 : i32
      %dma_start3A_169 = tpu.memref_slice %arg12[%dma_start3A_167, %dma_start3A_168] : memref<128x64xf32, #tpu.memory_space<vmem>> -> memref<120x64xf32, #tpu.memory_space<vmem>>
      tpu.enqueue_dma source(%dma_start3A_169 : memref<120x64xf32, #tpu.memory_space<vmem>>) target(%dma_start3A_166 : memref<120x64xf32, #tpu.memory_space<vmem_shared>>) target_semaphore(%run_scoped3A : memref<!tpu.dma_semaphore, #tpu.memory_space<semaphore_mem>>)
      %dma_wait3A = arith.constant 0 : i32
      %dma_wait3A_170 = arith.constant 0 : i32
      %dma_wait3A_171 = tpu.memref_slice %arg12[%dma_wait3A, %dma_wait3A_170] : memref<128x64xf32, #tpu.memory_space<vmem>> -> memref<120x64xf32, #tpu.memory_space<vmem>>
      %dma_wait3A_172 = arith.constant 0 : i32
      %dma_wait3A_173 = tpu.memref_slice %arg6[%add3A_67, %dma_wait3A_172] : memref<10112x64xf32, #tpu.memory_space<vmem_shared>> -> memref<120x64xf32, #tpu.memory_space<vmem_shared>>
      %dma_wait3A_174 = arith.constant 0 : i32
      %dma_wait3A_175 = tpu.memref_slice %arg6[%add3A_67, %dma_wait3A_174] : memref<10112x64xf32, #tpu.memory_space<vmem_shared>> -> memref<120x64xf32, #tpu.memory_space<vmem_shared>>
      %dma_wait3A_176 = arith.constant 0 : i32
      %dma_wait3A_177 = arith.constant 0 : i32
      %dma_wait3A_178 = tpu.memref_slice %arg12[%dma_wait3A_176, %dma_wait3A_177] : memref<128x64xf32, #tpu.memory_space<vmem>> -> memref<120x64xf32, #tpu.memory_space<vmem>>
      tpu.wait_dma2 semaphore(%run_scoped3A : memref<!tpu.dma_semaphore, #tpu.memory_space<semaphore_mem>>) src(%dma_wait3A_178 : memref<120x64xf32, #tpu.memory_space<vmem>>) dst(%dma_wait3A_175 : memref<120x64xf32, #tpu.memory_space<vmem_shared>>)
      tpu.yield
    }) : () -> ()
    %add3A_73 = arith.constant 120 : i32
    %add3A_74 = arith.addi %add3A_67, %add3A_73 : i32
    %barrier3A_75 = arith.constant 0 : index
    tpu.barrier barrier_id(%barrier3A_75)
    %add3A_76 = arith.constant 0 : i32
    %add3A_77 = arith.addi %mul3A_2, %add3A_76 : i32
    %dma_start3A_78 = arith.constant 0 : i32
    %dma_start3A_79 = tpu.memref_slice %arg3[%arg0, %add3A_77, %dma_start3A_78] : memref<2x2560x128xi32, #tpu.memory_space<hbm>> -> memref<1x16x128xi32, #tpu.memory_space<hbm>>
    %dma_start3A_80 = tpu.memref_squeeze %dma_start3A_79 : memref<1x16x128xi32, #tpu.memory_space<hbm>> -> memref<16x128xi32, #tpu.memory_space<hbm>>
    %dma_start3A_81 = arith.constant 0 : i32
    %dma_start3A_82 = tpu.memref_slice %arg3[%arg0, %add3A_77, %dma_start3A_81] : memref<2x2560x128xi32, #tpu.memory_space<hbm>> -> memref<1x16x128xi32, #tpu.memory_space<hbm>>
    %dma_start3A_83 = tpu.memref_squeeze %dma_start3A_82 : memref<1x16x128xi32, #tpu.memory_space<hbm>> -> memref<16x128xi32, #tpu.memory_space<hbm>>
    tpu.enqueue_dma source(%dma_start3A_83 : memref<16x128xi32, #tpu.memory_space<hbm>>) target(%arg8 : memref<16x128xi32, #tpu.memory_space<vmem>>) target_semaphore(%arg16 : memref<!tpu.dma_semaphore, #tpu.memory_space<semaphore_mem>>)
    %add3A_84 = arith.constant 0 : i32
    %add3A_85 = arith.addi %mul3A_2, %add3A_84 : i32
    %dma_start3A_86 = arith.constant 0 : i32
    %dma_start3A_87 = tpu.memref_slice %arg4[%add3A_85, %dma_start3A_86] : memref<2560x128xi32, #tpu.memory_space<hbm>> -> memref<16x128xi32, #tpu.memory_space<hbm>>
    %dma_start3A_88 = arith.constant 0 : i32
    %dma_start3A_89 = tpu.memref_slice %arg4[%add3A_85, %dma_start3A_88] : memref<2560x128xi32, #tpu.memory_space<hbm>> -> memref<16x128xi32, #tpu.memory_space<hbm>>
    tpu.enqueue_dma source(%dma_start3A_89 : memref<16x128xi32, #tpu.memory_space<hbm>>) target(%arg10 : memref<16x128xi32, #tpu.memory_space<vmem>>) target_semaphore(%arg16 : memref<!tpu.dma_semaphore, #tpu.memory_space<semaphore_mem>>)
    %add3A_90 = arith.constant 16 : i32
    %add3A_91 = arith.addi %mul3A_2, %add3A_90 : i32
    %dma_start3A_92 = arith.constant 0 : i32
    %dma_start3A_93 = tpu.memref_slice %arg3[%arg0, %add3A_91, %dma_start3A_92] : memref<2x2560x128xi32, #tpu.memory_space<hbm>> -> memref<1x16x128xi32, #tpu.memory_space<hbm>>
    %dma_start3A_94 = tpu.memref_squeeze %dma_start3A_93 : memref<1x16x128xi32, #tpu.memory_space<hbm>> -> memref<16x128xi32, #tpu.memory_space<hbm>>
    %dma_start3A_95 = arith.constant 0 : i32
    %dma_start3A_96 = tpu.memref_slice %arg3[%arg0, %add3A_91, %dma_start3A_95] : memref<2x2560x128xi32, #tpu.memory_space<hbm>> -> memref<1x16x128xi32, #tpu.memory_space<hbm>>
    %dma_start3A_97 = tpu.memref_squeeze %dma_start3A_96 : memref<1x16x128xi32, #tpu.memory_space<hbm>> -> memref<16x128xi32, #tpu.memory_space<hbm>>
    tpu.enqueue_dma source(%dma_start3A_97 : memref<16x128xi32, #tpu.memory_space<hbm>>) target(%arg9 : memref<16x128xi32, #tpu.memory_space<vmem>>) target_semaphore(%arg17 : memref<!tpu.dma_semaphore, #tpu.memory_space<semaphore_mem>>)
    %add3A_98 = arith.constant 16 : i32
    %add3A_99 = arith.addi %mul3A_2, %add3A_98 : i32
    %dma_start3A_100 = arith.constant 0 : i32
    %dma_start3A_101 = tpu.memref_slice %arg4[%add3A_99, %dma_start3A_100] : memref<2560x128xi32, #tpu.memory_space<hbm>> -> memref<16x128xi32, #tpu.memory_space<hbm>>
    %dma_start3A_102 = arith.constant 0 : i32
    %dma_start3A_103 = tpu.memref_slice %arg4[%add3A_99, %dma_start3A_102] : memref<2560x128xi32, #tpu.memory_space<hbm>> -> memref<16x128xi32, #tpu.memory_space<hbm>>
    tpu.enqueue_dma source(%dma_start3A_103 : memref<16x128xi32, #tpu.memory_space<hbm>>) target(%arg11 : memref<16x128xi32, #tpu.memory_space<vmem>>) target_semaphore(%arg17 : memref<!tpu.dma_semaphore, #tpu.memory_space<semaphore_mem>>)
    %scan3A_104 = arith.constant 0 : i32
    %scan3A_105 = arith.constant 5 : i32
    %scan3A_106 = arith.addi %scan3A_104, %scan3A_105 : i32
    %scan3A_107 = arith.constant 1 : i32
    scf.for %scan3A_160 = %scan3A_104 to %scan3A_106 step %scan3A_107  : i32 {
      %mul3A_161 = arith.constant 1 : i32
      %mul3A_162 = arith.muli %scan3A_160, %mul3A_161 : i32
      %add3A_163 = arith.constant 0 : i32
      %add3A_164 = arith.addi %add3A_163, %mul3A_162 : i32
      %mul3A_165 = arith.constant 2 : i32
      %mul3A_166 = arith.muli %add3A_164, %mul3A_165 : i32
      %add3A_167 = arith.constant 0 : i32
      %add3A_168 = arith.addi %mul3A_166, %add3A_167 : i32
      %dma_wait3A = arith.constant 0 : i32
      %dma_wait3A_169 = tpu.memref_slice %arg3[%arg0, %mul3A_2, %dma_wait3A] : memref<2x2560x128xi32, #tpu.memory_space<hbm>> -> memref<1x16x128xi32, #tpu.memory_space<hbm>>
      %dma_wait3A_170 = tpu.memref_squeeze %dma_wait3A_169 : memref<1x16x128xi32, #tpu.memory_space<hbm>> -> memref<16x128xi32, #tpu.memory_space<hbm>>
      %dma_wait3A_171 = arith.constant 0 : i32
      %dma_wait3A_172 = tpu.memref_slice %arg3[%arg0, %mul3A_2, %dma_wait3A_171] : memref<2x2560x128xi32, #tpu.memory_space<hbm>> -> memref<1x16x128xi32, #tpu.memory_space<hbm>>
      %dma_wait3A_173 = tpu.memref_squeeze %dma_wait3A_172 : memref<1x16x128xi32, #tpu.memory_space<hbm>> -> memref<16x128xi32, #tpu.memory_space<hbm>>
      tpu.wait_dma2 semaphore(%arg16 : memref<!tpu.dma_semaphore, #tpu.memory_space<semaphore_mem>>) src(%dma_wait3A_173 : memref<16x128xi32, #tpu.memory_space<hbm>>) dst(%arg8 : memref<16x128xi32, #tpu.memory_space<vmem>>)
      %dma_wait3A_174 = arith.constant 0 : i32
      %dma_wait3A_175 = tpu.memref_slice %arg4[%mul3A_2, %dma_wait3A_174] : memref<2560x128xi32, #tpu.memory_space<hbm>> -> memref<16x128xi32, #tpu.memory_space<hbm>>
      %dma_wait3A_176 = arith.constant 0 : i32
      %dma_wait3A_177 = tpu.memref_slice %arg4[%mul3A_2, %dma_wait3A_176] : memref<2560x128xi32, #tpu.memory_space<hbm>> -> memref<16x128xi32, #tpu.memory_space<hbm>>
      tpu.wait_dma2 semaphore(%arg16 : memref<!tpu.dma_semaphore, #tpu.memory_space<semaphore_mem>>) src(%dma_wait3A_177 : memref<16x128xi32, #tpu.memory_space<hbm>>) dst(%arg10 : memref<16x128xi32, #tpu.memory_space<vmem>>)
      %scan3A_178 = arith.constant 0 : i32
      %scan3A_179 = arith.constant 4 : i32
      %scan3A_180 = arith.addi %scan3A_178, %scan3A_179 : i32
      %scan3A_181 = arith.constant 1 : i32
      scf.for %scan3A_213 = %scan3A_178 to %scan3A_180 step %scan3A_181  : i32 {
        %mul3A_214 = arith.constant 1 : i32
        %mul3A_215 = arith.muli %scan3A_213, %mul3A_214 : i32
        %add3A_216 = arith.constant 0 : i32
        %add3A_217 = arith.addi %add3A_216, %mul3A_215 : i32
        %mul3A_218 = arith.constant 4 : i32
        %mul3A_219 = arith.muli %add3A_217, %mul3A_218 : i32
        %add3A_220 = arith.constant 0 : i32
        %add3A_221 = arith.addi %mul3A_219, %add3A_220 : i32
        %dma_start3A_222 = arith.constant 0 : i32
        %dma_start3A_223 = tpu.memref_slice %arg8[%add3A_221, %dma_start3A_222] : memref<16x128xi32, #tpu.memory_space<vmem>> -> memref<1x128xi32, #tpu.memory_space<vmem>>
        %dma_start3A_224 = tpu.memref_squeeze %dma_start3A_223 : memref<1x128xi32, #tpu.memory_space<vmem>> -> memref<128xi32, #tpu.memory_space<vmem>>
        %dma_start3A_225 = arith.constant 0 : i32
        %dma_start3A_226 = arith.constant 0 : i32
        %dma_start3A_227 = tpu.memref_slice %arg6[%dma_start3A_225, %dma_start3A_226] : memref<10112x64xf32, #tpu.memory_space<vmem_shared>> -> memref<10112x64xf32, #tpu.memory_space<vmem_shared>>
        tpu.enqueue_indirect_dma source(%dma_start3A_227 : memref<10112x64xf32, #tpu.memory_space<vmem_shared>>) target(%arg12 : memref<128x64xf32, #tpu.memory_space<vmem>>) offsets(%dma_start3A_224 : memref<128xi32, #tpu.memory_space<vmem>>) semaphore(%arg18 : memref<!tpu.dma_semaphore, #tpu.memory_space<semaphore_mem>>)
        %add3A_228 = arith.constant 1 : i32
        %add3A_229 = arith.addi %mul3A_219, %add3A_228 : i32
        %dma_start3A_230 = arith.constant 0 : i32
        %dma_start3A_231 = tpu.memref_slice %arg8[%add3A_229, %dma_start3A_230] : memref<16x128xi32, #tpu.memory_space<vmem>> -> memref<1x128xi32, #tpu.memory_space<vmem>>
        %dma_start3A_232 = tpu.memref_squeeze %dma_start3A_231 : memref<1x128xi32, #tpu.memory_space<vmem>> -> memref<128xi32, #tpu.memory_space<vmem>>
        %dma_start3A_233 = arith.constant 0 : i32
        %dma_start3A_234 = arith.constant 0 : i32
        %dma_start3A_235 = tpu.memref_slice %arg6[%dma_start3A_233, %dma_start3A_234] : memref<10112x64xf32, #tpu.memory_space<vmem_shared>> -> memref<10112x64xf32, #tpu.memory_space<vmem_shared>>
        tpu.enqueue_indirect_dma source(%dma_start3A_235 : memref<10112x64xf32, #tpu.memory_space<vmem_shared>>) target(%arg13 : memref<128x64xf32, #tpu.memory_space<vmem>>) offsets(%dma_start3A_232 : memref<128xi32, #tpu.memory_space<vmem>>) semaphore(%arg19 : memref<!tpu.dma_semaphore, #tpu.memory_space<semaphore_mem>>)
        %add3A_236 = arith.constant 2 : i32
        %add3A_237 = arith.addi %mul3A_219, %add3A_236 : i32
        %dma_start3A_238 = arith.constant 0 : i32
        %dma_start3A_239 = tpu.memref_slice %arg8[%add3A_237, %dma_start3A_238] : memref<16x128xi32, #tpu.memory_space<vmem>> -> memref<1x128xi32, #tpu.memory_space<vmem>>
        %dma_start3A_240 = tpu.memref_squeeze %dma_start3A_239 : memref<1x128xi32, #tpu.memory_space<vmem>> -> memref<128xi32, #tpu.memory_space<vmem>>
        %dma_start3A_241 = arith.constant 0 : i32
        %dma_start3A_242 = arith.constant 0 : i32
        %dma_start3A_243 = tpu.memref_slice %arg6[%dma_start3A_241, %dma_start3A_242] : memref<10112x64xf32, #tpu.memory_space<vmem_shared>> -> memref<10112x64xf32, #tpu.memory_space<vmem_shared>>
        tpu.enqueue_indirect_dma source(%dma_start3A_243 : memref<10112x64xf32, #tpu.memory_space<vmem_shared>>) target(%arg14 : memref<128x64xf32, #tpu.memory_space<vmem>>) offsets(%dma_start3A_240 : memref<128xi32, #tpu.memory_space<vmem>>) semaphore(%arg20 : memref<!tpu.dma_semaphore, #tpu.memory_space<semaphore_mem>>)
        %add3A_244 = arith.constant 3 : i32
        %add3A_245 = arith.addi %mul3A_219, %add3A_244 : i32
        %dma_start3A_246 = arith.constant 0 : i32
        %dma_start3A_247 = tpu.memref_slice %arg8[%add3A_245, %dma_start3A_246] : memref<16x128xi32, #tpu.memory_space<vmem>> -> memref<1x128xi32, #tpu.memory_space<vmem>>
        %dma_start3A_248 = tpu.memref_squeeze %dma_start3A_247 : memref<1x128xi32, #tpu.memory_space<vmem>> -> memref<128xi32, #tpu.memory_space<vmem>>
        %dma_start3A_249 = arith.constant 0 : i32
        %dma_start3A_250 = arith.constant 0 : i32
        %dma_start3A_251 = tpu.memref_slice %arg6[%dma_start3A_249, %dma_start3A_250] : memref<10112x64xf32, #tpu.memory_space<vmem_shared>> -> memref<10112x64xf32, #tpu.memory_space<vmem_shared>>
        tpu.enqueue_indirect_dma source(%dma_start3A_251 : memref<10112x64xf32, #tpu.memory_space<vmem_shared>>) target(%arg15 : memref<128x64xf32, #tpu.memory_space<vmem>>) offsets(%dma_start3A_248 : memref<128xi32, #tpu.memory_space<vmem>>) semaphore(%arg21 : memref<!tpu.dma_semaphore, #tpu.memory_space<semaphore_mem>>)
        %dma_wait3A_252 = arith.constant 0 : i32
        %dma_wait3A_253 = tpu.memref_slice %arg8[%add3A_221, %dma_wait3A_252] : memref<16x128xi32, #tpu.memory_space<vmem>> -> memref<1x128xi32, #tpu.memory_space<vmem>>
        %dma_wait3A_254 = tpu.memref_squeeze %dma_wait3A_253 : memref<1x128xi32, #tpu.memory_space<vmem>> -> memref<128xi32, #tpu.memory_space<vmem>>
        %dma_wait3A_255 = arith.constant 0 : i32
        %dma_wait3A_256 = arith.constant 0 : i32
        %dma_wait3A_257 = tpu.memref_slice %arg6[%dma_wait3A_255, %dma_wait3A_256] : memref<10112x64xf32, #tpu.memory_space<vmem_shared>> -> memref<10112x64xf32, #tpu.memory_space<vmem_shared>>
        tpu.wait_indirect_dma semaphore(%arg18 : memref<!tpu.dma_semaphore, #tpu.memory_space<semaphore_mem>>) src(%dma_wait3A_257 : memref<10112x64xf32, #tpu.memory_space<vmem_shared>>) dst(%arg12 : memref<128x64xf32, #tpu.memory_space<vmem>>)
        %add3A_258 = arith.constant 0 : i32
        %add3A_259 = arith.addi %mul3A_219, %add3A_258 : i32
        %dma_start3A_260 = arith.constant 0 : i32
        %dma_start3A_261 = tpu.memref_slice %arg10[%add3A_259, %dma_start3A_260] : memref<16x128xi32, #tpu.memory_space<vmem>> -> memref<1x128xi32, #tpu.memory_space<vmem>>
        %dma_start3A_262 = tpu.memref_squeeze %dma_start3A_261 : memref<1x128xi32, #tpu.memory_space<vmem>> -> memref<128xi32, #tpu.memory_space<vmem>>
        %dma_start3A_263 = arith.constant 0 : i32
        %dma_start3A_264 = arith.constant 0 : i32
        %dma_start3A_265 = tpu.memref_slice %arg7[%dma_start3A_263, %dma_start3A_264] : memref<10112x64xf32, #tpu.memory_space<vmem_shared>> -> memref<10112x64xf32, #tpu.memory_space<vmem_shared>>
        tpu.enqueue_indirect_dma source(%arg12 : memref<128x64xf32, #tpu.memory_space<vmem>>) target(%dma_start3A_265 : memref<10112x64xf32, #tpu.memory_space<vmem_shared>>) offsets(%dma_start3A_262 : memref<128xi32, #tpu.memory_space<vmem>>) semaphore(%arg22 : memref<!tpu.dma_semaphore, #tpu.memory_space<semaphore_mem>>) {add = true}
        %dma_wait3A_266 = arith.constant 0 : i32
        %dma_wait3A_267 = tpu.memref_slice %arg8[%add3A_229, %dma_wait3A_266] : memref<16x128xi32, #tpu.memory_space<vmem>> -> memref<1x128xi32, #tpu.memory_space<vmem>>
        %dma_wait3A_268 = tpu.memref_squeeze %dma_wait3A_267 : memref<1x128xi32, #tpu.memory_space<vmem>> -> memref<128xi32, #tpu.memory_space<vmem>>
        %dma_wait3A_269 = arith.constant 0 : i32
        %dma_wait3A_270 = arith.constant 0 : i32
        %dma_wait3A_271 = tpu.memref_slice %arg6[%dma_wait3A_269, %dma_wait3A_270] : memref<10112x64xf32, #tpu.memory_space<vmem_shared>> -> memref<10112x64xf32, #tpu.memory_space<vmem_shared>>
        tpu.wait_indirect_dma semaphore(%arg19 : memref<!tpu.dma_semaphore, #tpu.memory_space<semaphore_mem>>) src(%dma_wait3A_271 : memref<10112x64xf32, #tpu.memory_space<vmem_shared>>) dst(%arg13 : memref<128x64xf32, #tpu.memory_space<vmem>>)
        %add3A_272 = arith.constant 1 : i32
        %add3A_273 = arith.addi %mul3A_219, %add3A_272 : i32
        %dma_start3A_274 = arith.constant 0 : i32
        %dma_start3A_275 = tpu.memref_slice %arg10[%add3A_273, %dma_start3A_274] : memref<16x128xi32, #tpu.memory_space<vmem>> -> memref<1x128xi32, #tpu.memory_space<vmem>>
        %dma_start3A_276 = tpu.memref_squeeze %dma_start3A_275 : memref<1x128xi32, #tpu.memory_space<vmem>> -> memref<128xi32, #tpu.memory_space<vmem>>
        %dma_start3A_277 = arith.constant 0 : i32
        %dma_start3A_278 = arith.constant 0 : i32
        %dma_start3A_279 = tpu.memref_slice %arg7[%dma_start3A_277, %dma_start3A_278] : memref<10112x64xf32, #tpu.memory_space<vmem_shared>> -> memref<10112x64xf32, #tpu.memory_space<vmem_shared>>
        tpu.enqueue_indirect_dma source(%arg13 : memref<128x64xf32, #tpu.memory_space<vmem>>) target(%dma_start3A_279 : memref<10112x64xf32, #tpu.memory_space<vmem_shared>>) offsets(%dma_start3A_276 : memref<128xi32, #tpu.memory_space<vmem>>) semaphore(%arg23 : memref<!tpu.dma_semaphore, #tpu.memory_space<semaphore_mem>>) {add = true}
        %dma_wait3A_280 = arith.constant 0 : i32
        %dma_wait3A_281 = tpu.memref_slice %arg8[%add3A_237, %dma_wait3A_280] : memref<16x128xi32, #tpu.memory_space<vmem>> -> memref<1x128xi32, #tpu.memory_space<vmem>>
        %dma_wait3A_282 = tpu.memref_squeeze %dma_wait3A_281 : memref<1x128xi32, #tpu.memory_space<vmem>> -> memref<128xi32, #tpu.memory_space<vmem>>
        %dma_wait3A_283 = arith.constant 0 : i32
        %dma_wait3A_284 = arith.constant 0 : i32
        %dma_wait3A_285 = tpu.memref_slice %arg6[%dma_wait3A_283, %dma_wait3A_284] : memref<10112x64xf32, #tpu.memory_space<vmem_shared>> -> memref<10112x64xf32, #tpu.memory_space<vmem_shared>>
        tpu.wait_indirect_dma semaphore(%arg20 : memref<!tpu.dma_semaphore, #tpu.memory_space<semaphore_mem>>) src(%dma_wait3A_285 : memref<10112x64xf32, #tpu.memory_space<vmem_shared>>) dst(%arg14 : memref<128x64xf32, #tpu.memory_space<vmem>>)
        %add3A_286 = arith.constant 2 : i32
        %add3A_287 = arith.addi %mul3A_219, %add3A_286 : i32
        %dma_start3A_288 = arith.constant 0 : i32
        %dma_start3A_289 = tpu.memref_slice %arg10[%add3A_287, %dma_start3A_288] : memref<16x128xi32, #tpu.memory_space<vmem>> -> memref<1x128xi32, #tpu.memory_space<vmem>>
        %dma_start3A_290 = tpu.memref_squeeze %dma_start3A_289 : memref<1x128xi32, #tpu.memory_space<vmem>> -> memref<128xi32, #tpu.memory_space<vmem>>
        %dma_start3A_291 = arith.constant 0 : i32
        %dma_start3A_292 = arith.constant 0 : i32
        %dma_start3A_293 = tpu.memref_slice %arg7[%dma_start3A_291, %dma_start3A_292] : memref<10112x64xf32, #tpu.memory_space<vmem_shared>> -> memref<10112x64xf32, #tpu.memory_space<vmem_shared>>
        tpu.enqueue_indirect_dma source(%arg14 : memref<128x64xf32, #tpu.memory_space<vmem>>) target(%dma_start3A_293 : memref<10112x64xf32, #tpu.memory_space<vmem_shared>>) offsets(%dma_start3A_290 : memref<128xi32, #tpu.memory_space<vmem>>) semaphore(%arg24 : memref<!tpu.dma_semaphore, #tpu.memory_space<semaphore_mem>>) {add = true}
        %dma_wait3A_294 = arith.constant 0 : i32
        %dma_wait3A_295 = tpu.memref_slice %arg8[%add3A_245, %dma_wait3A_294] : memref<16x128xi32, #tpu.memory_space<vmem>> -> memref<1x128xi32, #tpu.memory_space<vmem>>
        %dma_wait3A_296 = tpu.memref_squeeze %dma_wait3A_295 : memref<1x128xi32, #tpu.memory_space<vmem>> -> memref<128xi32, #tpu.memory_space<vmem>>
        %dma_wait3A_297 = arith.constant 0 : i32
        %dma_wait3A_298 = arith.constant 0 : i32
        %dma_wait3A_299 = tpu.memref_slice %arg6[%dma_wait3A_297, %dma_wait3A_298] : memref<10112x64xf32, #tpu.memory_space<vmem_shared>> -> memref<10112x64xf32, #tpu.memory_space<vmem_shared>>
        tpu.wait_indirect_dma semaphore(%arg21 : memref<!tpu.dma_semaphore, #tpu.memory_space<semaphore_mem>>) src(%dma_wait3A_299 : memref<10112x64xf32, #tpu.memory_space<vmem_shared>>) dst(%arg15 : memref<128x64xf32, #tpu.memory_space<vmem>>)
        %add3A_300 = arith.constant 3 : i32
        %add3A_301 = arith.addi %mul3A_219, %add3A_300 : i32
        %dma_start3A_302 = arith.constant 0 : i32
        %dma_start3A_303 = tpu.memref_slice %arg10[%add3A_301, %dma_start3A_302] : memref<16x128xi32, #tpu.memory_space<vmem>> -> memref<1x128xi32, #tpu.memory_space<vmem>>
        %dma_start3A_304 = tpu.memref_squeeze %dma_start3A_303 : memref<1x128xi32, #tpu.memory_space<vmem>> -> memref<128xi32, #tpu.memory_space<vmem>>
        %dma_start3A_305 = arith.constant 0 : i32
        %dma_start3A_306 = arith.constant 0 : i32
        %dma_start3A_307 = tpu.memref_slice %arg7[%dma_start3A_305, %dma_start3A_306] : memref<10112x64xf32, #tpu.memory_space<vmem_shared>> -> memref<10112x64xf32, #tpu.memory_space<vmem_shared>>
        tpu.enqueue_indirect_dma source(%arg15 : memref<128x64xf32, #tpu.memory_space<vmem>>) target(%dma_start3A_307 : memref<10112x64xf32, #tpu.memory_space<vmem_shared>>) offsets(%dma_start3A_304 : memref<128xi32, #tpu.memory_space<vmem>>) semaphore(%arg25 : memref<!tpu.dma_semaphore, #tpu.memory_space<semaphore_mem>>) {add = true}
        %dma_wait3A_308 = arith.constant 0 : i32
        %dma_wait3A_309 = tpu.memref_slice %arg10[%add3A_259, %dma_wait3A_308] : memref<16x128xi32, #tpu.memory_space<vmem>> -> memref<1x128xi32, #tpu.memory_space<vmem>>
        %dma_wait3A_310 = tpu.memref_squeeze %dma_wait3A_309 : memref<1x128xi32, #tpu.memory_space<vmem>> -> memref<128xi32, #tpu.memory_space<vmem>>
        %dma_wait3A_311 = arith.constant 0 : i32
        %dma_wait3A_312 = arith.constant 0 : i32
        %dma_wait3A_313 = tpu.memref_slice %arg7[%dma_wait3A_311, %dma_wait3A_312] : memref<10112x64xf32, #tpu.memory_space<vmem_shared>> -> memref<10112x64xf32, #tpu.memory_space<vmem_shared>>
        tpu.wait_indirect_dma semaphore(%arg22 : memref<!tpu.dma_semaphore, #tpu.memory_space<semaphore_mem>>) src(%arg12 : memref<128x64xf32, #tpu.memory_space<vmem>>) dst(%dma_wait3A_313 : memref<10112x64xf32, #tpu.memory_space<vmem_shared>>)
        %dma_wait3A_314 = arith.constant 0 : i32
        %dma_wait3A_315 = tpu.memref_slice %arg10[%add3A_273, %dma_wait3A_314] : memref<16x128xi32, #tpu.memory_space<vmem>> -> memref<1x128xi32, #tpu.memory_space<vmem>>
        %dma_wait3A_316 = tpu.memref_squeeze %dma_wait3A_315 : memref<1x128xi32, #tpu.memory_space<vmem>> -> memref<128xi32, #tpu.memory_space<vmem>>
        %dma_wait3A_317 = arith.constant 0 : i32
        %dma_wait3A_318 = arith.constant 0 : i32
        %dma_wait3A_319 = tpu.memref_slice %arg7[%dma_wait3A_317, %dma_wait3A_318] : memref<10112x64xf32, #tpu.memory_space<vmem_shared>> -> memref<10112x64xf32, #tpu.memory_space<vmem_shared>>
        tpu.wait_indirect_dma semaphore(%arg23 : memref<!tpu.dma_semaphore, #tpu.memory_space<semaphore_mem>>) src(%arg13 : memref<128x64xf32, #tpu.memory_space<vmem>>) dst(%dma_wait3A_319 : memref<10112x64xf32, #tpu.memory_space<vmem_shared>>)
        %dma_wait3A_320 = arith.constant 0 : i32
        %dma_wait3A_321 = tpu.memref_slice %arg10[%add3A_287, %dma_wait3A_320] : memref<16x128xi32, #tpu.memory_space<vmem>> -> memref<1x128xi32, #tpu.memory_space<vmem>>
        %dma_wait3A_322 = tpu.memref_squeeze %dma_wait3A_321 : memref<1x128xi32, #tpu.memory_space<vmem>> -> memref<128xi32, #tpu.memory_space<vmem>>
        %dma_wait3A_323 = arith.constant 0 : i32
        %dma_wait3A_324 = arith.constant 0 : i32
        %dma_wait3A_325 = tpu.memref_slice %arg7[%dma_wait3A_323, %dma_wait3A_324] : memref<10112x64xf32, #tpu.memory_space<vmem_shared>> -> memref<10112x64xf32, #tpu.memory_space<vmem_shared>>
        tpu.wait_indirect_dma semaphore(%arg24 : memref<!tpu.dma_semaphore, #tpu.memory_space<semaphore_mem>>) src(%arg14 : memref<128x64xf32, #tpu.memory_space<vmem>>) dst(%dma_wait3A_325 : memref<10112x64xf32, #tpu.memory_space<vmem_shared>>)
        %dma_wait3A_326 = arith.constant 0 : i32
        %dma_wait3A_327 = tpu.memref_slice %arg10[%add3A_301, %dma_wait3A_326] : memref<16x128xi32, #tpu.memory_space<vmem>> -> memref<1x128xi32, #tpu.memory_space<vmem>>
        %dma_wait3A_328 = tpu.memref_squeeze %dma_wait3A_327 : memref<1x128xi32, #tpu.memory_space<vmem>> -> memref<128xi32, #tpu.memory_space<vmem>>
        %dma_wait3A_329 = arith.constant 0 : i32
        %dma_wait3A_330 = arith.constant 0 : i32
        %dma_wait3A_331 = tpu.memref_slice %arg7[%dma_wait3A_329, %dma_wait3A_330] : memref<10112x64xf32, #tpu.memory_space<vmem_shared>> -> memref<10112x64xf32, #tpu.memory_space<vmem_shared>>
        tpu.wait_indirect_dma semaphore(%arg25 : memref<!tpu.dma_semaphore, #tpu.memory_space<semaphore_mem>>) src(%arg15 : memref<128x64xf32, #tpu.memory_space<vmem>>) dst(%dma_wait3A_331 : memref<10112x64xf32, #tpu.memory_space<vmem_shared>>)
      }
      %scan3A_182 = arith.constant 4 : i32
      %add3A_183 = arith.constant 2 : i32
      %add3A_184 = arith.addi %add3A_168, %add3A_183 : i32
      %lt3A = arith.constant 10 : i32
      %lt3A_185 = arith.cmpi slt, %add3A_184, %lt3A : i32
      %convert_element_type3A = arith.extui %lt3A_185 : i1 to i32
      %cond3A = arith.constant 0 : i32
      %cond3A_186 = arith.cmpi ne, %convert_element_type3A, %cond3A : i32
      scf.if %cond3A_186 {
        %add3A_213 = arith.constant 2 : i32
        %add3A_214 = arith.addi %add3A_168, %add3A_213 : i32
        %mul3A_215 = arith.constant 16 : i32
        %mul3A_216 = arith.muli %add3A_214, %mul3A_215 : i32
        %add3A_217 = arith.addi %mul3A_2, %mul3A_216 : i32
        %dma_start3A_218 = arith.constant 0 : i32
        %dma_start3A_219 = tpu.memref_slice %arg3[%arg0, %add3A_217, %dma_start3A_218] : memref<2x2560x128xi32, #tpu.memory_space<hbm>> -> memref<1x16x128xi32, #tpu.memory_space<hbm>>
        %dma_start3A_220 = tpu.memref_squeeze %dma_start3A_219 : memref<1x16x128xi32, #tpu.memory_space<hbm>> -> memref<16x128xi32, #tpu.memory_space<hbm>>
        %dma_start3A_221 = arith.constant 0 : i32
        %dma_start3A_222 = tpu.memref_slice %arg3[%arg0, %add3A_217, %dma_start3A_221] : memref<2x2560x128xi32, #tpu.memory_space<hbm>> -> memref<1x16x128xi32, #tpu.memory_space<hbm>>
        %dma_start3A_223 = tpu.memref_squeeze %dma_start3A_222 : memref<1x16x128xi32, #tpu.memory_space<hbm>> -> memref<16x128xi32, #tpu.memory_space<hbm>>
        tpu.enqueue_dma source(%dma_start3A_223 : memref<16x128xi32, #tpu.memory_space<hbm>>) target(%arg8 : memref<16x128xi32, #tpu.memory_space<vmem>>) target_semaphore(%arg16 : memref<!tpu.dma_semaphore, #tpu.memory_space<semaphore_mem>>)
        %mul3A_224 = arith.constant 16 : i32
        %mul3A_225 = arith.muli %add3A_214, %mul3A_224 : i32
        %add3A_226 = arith.addi %mul3A_2, %mul3A_225 : i32
        %dma_start3A_227 = arith.constant 0 : i32
        %dma_start3A_228 = tpu.memref_slice %arg4[%add3A_226, %dma_start3A_227] : memref<2560x128xi32, #tpu.memory_space<hbm>> -> memref<16x128xi32, #tpu.memory_space<hbm>>
        %dma_start3A_229 = arith.constant 0 : i32
        %dma_start3A_230 = tpu.memref_slice %arg4[%add3A_226, %dma_start3A_229] : memref<2560x128xi32, #tpu.memory_space<hbm>> -> memref<16x128xi32, #tpu.memory_space<hbm>>
        tpu.enqueue_dma source(%dma_start3A_230 : memref<16x128xi32, #tpu.memory_space<hbm>>) target(%arg10 : memref<16x128xi32, #tpu.memory_space<vmem>>) target_semaphore(%arg16 : memref<!tpu.dma_semaphore, #tpu.memory_space<semaphore_mem>>)
      } else {
      }
      %mul3A_187 = arith.constant 2 : i32
      %mul3A_188 = arith.muli %add3A_164, %mul3A_187 : i32
      %add3A_189 = arith.constant 1 : i32
      %add3A_190 = arith.addi %mul3A_188, %add3A_189 : i32
      %dma_wait3A_191 = arith.constant 0 : i32
      %dma_wait3A_192 = tpu.memref_slice %arg3[%arg0, %mul3A_2, %dma_wait3A_191] : memref<2x2560x128xi32, #tpu.memory_space<hbm>> -> memref<1x16x128xi32, #tpu.memory_space<hbm>>
      %dma_wait3A_193 = tpu.memref_squeeze %dma_wait3A_192 : memref<1x16x128xi32, #tpu.memory_space<hbm>> -> memref<16x128xi32, #tpu.memory_space<hbm>>
      %dma_wait3A_194 = arith.constant 0 : i32
      %dma_wait3A_195 = tpu.memref_slice %arg3[%arg0, %mul3A_2, %dma_wait3A_194] : memref<2x2560x128xi32, #tpu.memory_space<hbm>> -> memref<1x16x128xi32, #tpu.memory_space<hbm>>
      %dma_wait3A_196 = tpu.memref_squeeze %dma_wait3A_195 : memref<1x16x128xi32, #tpu.memory_space<hbm>> -> memref<16x128xi32, #tpu.memory_space<hbm>>
      tpu.wait_dma2 semaphore(%arg17 : memref<!tpu.dma_semaphore, #tpu.memory_space<semaphore_mem>>) src(%dma_wait3A_196 : memref<16x128xi32, #tpu.memory_space<hbm>>) dst(%arg9 : memref<16x128xi32, #tpu.memory_space<vmem>>)
      %dma_wait3A_197 = arith.constant 0 : i32
      %dma_wait3A_198 = tpu.memref_slice %arg4[%mul3A_2, %dma_wait3A_197] : memref<2560x128xi32, #tpu.memory_space<hbm>> -> memref<16x128xi32, #tpu.memory_space<hbm>>
      %dma_wait3A_199 = arith.constant 0 : i32
      %dma_wait3A_200 = tpu.memref_slice %arg4[%mul3A_2, %dma_wait3A_199] : memref<2560x128xi32, #tpu.memory_space<hbm>> -> memref<16x128xi32, #tpu.memory_space<hbm>>
      tpu.wait_dma2 semaphore(%arg17 : memref<!tpu.dma_semaphore, #tpu.memory_space<semaphore_mem>>) src(%dma_wait3A_200 : memref<16x128xi32, #tpu.memory_space<hbm>>) dst(%arg11 : memref<16x128xi32, #tpu.memory_space<vmem>>)
      %scan3A_201 = arith.constant 0 : i32
      %scan3A_202 = arith.constant 4 : i32
      %scan3A_203 = arith.addi %scan3A_201, %scan3A_202 : i32
      %scan3A_204 = arith.constant 1 : i32
      scf.for %scan3A_213 = %scan3A_201 to %scan3A_203 step %scan3A_204  : i32 {
        %mul3A_214 = arith.constant 1 : i32
        %mul3A_215 = arith.muli %scan3A_213, %mul3A_214 : i32
        %add3A_216 = arith.constant 0 : i32
        %add3A_217 = arith.addi %add3A_216, %mul3A_215 : i32
        %mul3A_218 = arith.constant 4 : i32
        %mul3A_219 = arith.muli %add3A_217, %mul3A_218 : i32
        %add3A_220 = arith.constant 0 : i32
        %add3A_221 = arith.addi %mul3A_219, %add3A_220 : i32
        %dma_start3A_222 = arith.constant 0 : i32
        %dma_start3A_223 = tpu.memref_slice %arg9[%add3A_221, %dma_start3A_222] : memref<16x128xi32, #tpu.memory_space<vmem>> -> memref<1x128xi32, #tpu.memory_space<vmem>>
        %dma_start3A_224 = tpu.memref_squeeze %dma_start3A_223 : memref<1x128xi32, #tpu.memory_space<vmem>> -> memref<128xi32, #tpu.memory_space<vmem>>
        %dma_start3A_225 = arith.constant 0 : i32
        %dma_start3A_226 = arith.constant 0 : i32
        %dma_start3A_227 = tpu.memref_slice %arg6[%dma_start3A_225, %dma_start3A_226] : memref<10112x64xf32, #tpu.memory_space<vmem_shared>> -> memref<10112x64xf32, #tpu.memory_space<vmem_shared>>
        tpu.enqueue_indirect_dma source(%dma_start3A_227 : memref<10112x64xf32, #tpu.memory_space<vmem_shared>>) target(%arg12 : memref<128x64xf32, #tpu.memory_space<vmem>>) offsets(%dma_start3A_224 : memref<128xi32, #tpu.memory_space<vmem>>) semaphore(%arg18 : memref<!tpu.dma_semaphore, #tpu.memory_space<semaphore_mem>>)
        %add3A_228 = arith.constant 1 : i32
        %add3A_229 = arith.addi %mul3A_219, %add3A_228 : i32
        %dma_start3A_230 = arith.constant 0 : i32
        %dma_start3A_231 = tpu.memref_slice %arg9[%add3A_229, %dma_start3A_230] : memref<16x128xi32, #tpu.memory_space<vmem>> -> memref<1x128xi32, #tpu.memory_space<vmem>>
        %dma_start3A_232 = tpu.memref_squeeze %dma_start3A_231 : memref<1x128xi32, #tpu.memory_space<vmem>> -> memref<128xi32, #tpu.memory_space<vmem>>
        %dma_start3A_233 = arith.constant 0 : i32
        %dma_start3A_234 = arith.constant 0 : i32
        %dma_start3A_235 = tpu.memref_slice %arg6[%dma_start3A_233, %dma_start3A_234] : memref<10112x64xf32, #tpu.memory_space<vmem_shared>> -> memref<10112x64xf32, #tpu.memory_space<vmem_shared>>
        tpu.enqueue_indirect_dma source(%dma_start3A_235 : memref<10112x64xf32, #tpu.memory_space<vmem_shared>>) target(%arg13 : memref<128x64xf32, #tpu.memory_space<vmem>>) offsets(%dma_start3A_232 : memref<128xi32, #tpu.memory_space<vmem>>) semaphore(%arg19 : memref<!tpu.dma_semaphore, #tpu.memory_space<semaphore_mem>>)
        %add3A_236 = arith.constant 2 : i32
        %add3A_237 = arith.addi %mul3A_219, %add3A_236 : i32
        %dma_start3A_238 = arith.constant 0 : i32
        %dma_start3A_239 = tpu.memref_slice %arg9[%add3A_237, %dma_start3A_238] : memref<16x128xi32, #tpu.memory_space<vmem>> -> memref<1x128xi32, #tpu.memory_space<vmem>>
        %dma_start3A_240 = tpu.memref_squeeze %dma_start3A_239 : memref<1x128xi32, #tpu.memory_space<vmem>> -> memref<128xi32, #tpu.memory_space<vmem>>
        %dma_start3A_241 = arith.constant 0 : i32
        %dma_start3A_242 = arith.constant 0 : i32
        %dma_start3A_243 = tpu.memref_slice %arg6[%dma_start3A_241, %dma_start3A_242] : memref<10112x64xf32, #tpu.memory_space<vmem_shared>> -> memref<10112x64xf32, #tpu.memory_space<vmem_shared>>
        tpu.enqueue_indirect_dma source(%dma_start3A_243 : memref<10112x64xf32, #tpu.memory_space<vmem_shared>>) target(%arg14 : memref<128x64xf32, #tpu.memory_space<vmem>>) offsets(%dma_start3A_240 : memref<128xi32, #tpu.memory_space<vmem>>) semaphore(%arg20 : memref<!tpu.dma_semaphore, #tpu.memory_space<semaphore_mem>>)
        %add3A_244 = arith.constant 3 : i32
        %add3A_245 = arith.addi %mul3A_219, %add3A_244 : i32
        %dma_start3A_246 = arith.constant 0 : i32
        %dma_start3A_247 = tpu.memref_slice %arg9[%add3A_245, %dma_start3A_246] : memref<16x128xi32, #tpu.memory_space<vmem>> -> memref<1x128xi32, #tpu.memory_space<vmem>>
        %dma_start3A_248 = tpu.memref_squeeze %dma_start3A_247 : memref<1x128xi32, #tpu.memory_space<vmem>> -> memref<128xi32, #tpu.memory_space<vmem>>
        %dma_start3A_249 = arith.constant 0 : i32
        %dma_start3A_250 = arith.constant 0 : i32
        %dma_start3A_251 = tpu.memref_slice %arg6[%dma_start3A_249, %dma_start3A_250] : memref<10112x64xf32, #tpu.memory_space<vmem_shared>> -> memref<10112x64xf32, #tpu.memory_space<vmem_shared>>
        tpu.enqueue_indirect_dma source(%dma_start3A_251 : memref<10112x64xf32, #tpu.memory_space<vmem_shared>>) target(%arg15 : memref<128x64xf32, #tpu.memory_space<vmem>>) offsets(%dma_start3A_248 : memref<128xi32, #tpu.memory_space<vmem>>) semaphore(%arg21 : memref<!tpu.dma_semaphore, #tpu.memory_space<semaphore_mem>>)
        %dma_wait3A_252 = arith.constant 0 : i32
        %dma_wait3A_253 = tpu.memref_slice %arg9[%add3A_221, %dma_wait3A_252] : memref<16x128xi32, #tpu.memory_space<vmem>> -> memref<1x128xi32, #tpu.memory_space<vmem>>
        %dma_wait3A_254 = tpu.memref_squeeze %dma_wait3A_253 : memref<1x128xi32, #tpu.memory_space<vmem>> -> memref<128xi32, #tpu.memory_space<vmem>>
        %dma_wait3A_255 = arith.constant 0 : i32
        %dma_wait3A_256 = arith.constant 0 : i32
        %dma_wait3A_257 = tpu.memref_slice %arg6[%dma_wait3A_255, %dma_wait3A_256] : memref<10112x64xf32, #tpu.memory_space<vmem_shared>> -> memref<10112x64xf32, #tpu.memory_space<vmem_shared>>
        tpu.wait_indirect_dma semaphore(%arg18 : memref<!tpu.dma_semaphore, #tpu.memory_space<semaphore_mem>>) src(%dma_wait3A_257 : memref<10112x64xf32, #tpu.memory_space<vmem_shared>>) dst(%arg12 : memref<128x64xf32, #tpu.memory_space<vmem>>)
        %add3A_258 = arith.constant 0 : i32
        %add3A_259 = arith.addi %mul3A_219, %add3A_258 : i32
        %dma_start3A_260 = arith.constant 0 : i32
        %dma_start3A_261 = tpu.memref_slice %arg11[%add3A_259, %dma_start3A_260] : memref<16x128xi32, #tpu.memory_space<vmem>> -> memref<1x128xi32, #tpu.memory_space<vmem>>
        %dma_start3A_262 = tpu.memref_squeeze %dma_start3A_261 : memref<1x128xi32, #tpu.memory_space<vmem>> -> memref<128xi32, #tpu.memory_space<vmem>>
        %dma_start3A_263 = arith.constant 0 : i32
        %dma_start3A_264 = arith.constant 0 : i32
        %dma_start3A_265 = tpu.memref_slice %arg7[%dma_start3A_263, %dma_start3A_264] : memref<10112x64xf32, #tpu.memory_space<vmem_shared>> -> memref<10112x64xf32, #tpu.memory_space<vmem_shared>>
        tpu.enqueue_indirect_dma source(%arg12 : memref<128x64xf32, #tpu.memory_space<vmem>>) target(%dma_start3A_265 : memref<10112x64xf32, #tpu.memory_space<vmem_shared>>) offsets(%dma_start3A_262 : memref<128xi32, #tpu.memory_space<vmem>>) semaphore(%arg22 : memref<!tpu.dma_semaphore, #tpu.memory_space<semaphore_mem>>) {add = true}
        %dma_wait3A_266 = arith.constant 0 : i32
        %dma_wait3A_267 = tpu.memref_slice %arg9[%add3A_229, %dma_wait3A_266] : memref<16x128xi32, #tpu.memory_space<vmem>> -> memref<1x128xi32, #tpu.memory_space<vmem>>
        %dma_wait3A_268 = tpu.memref_squeeze %dma_wait3A_267 : memref<1x128xi32, #tpu.memory_space<vmem>> -> memref<128xi32, #tpu.memory_space<vmem>>
        %dma_wait3A_269 = arith.constant 0 : i32
        %dma_wait3A_270 = arith.constant 0 : i32
        %dma_wait3A_271 = tpu.memref_slice %arg6[%dma_wait3A_269, %dma_wait3A_270] : memref<10112x64xf32, #tpu.memory_space<vmem_shared>> -> memref<10112x64xf32, #tpu.memory_space<vmem_shared>>
        tpu.wait_indirect_dma semaphore(%arg19 : memref<!tpu.dma_semaphore, #tpu.memory_space<semaphore_mem>>) src(%dma_wait3A_271 : memref<10112x64xf32, #tpu.memory_space<vmem_shared>>) dst(%arg13 : memref<128x64xf32, #tpu.memory_space<vmem>>)
        %add3A_272 = arith.constant 1 : i32
        %add3A_273 = arith.addi %mul3A_219, %add3A_272 : i32
        %dma_start3A_274 = arith.constant 0 : i32
        %dma_start3A_275 = tpu.memref_slice %arg11[%add3A_273, %dma_start3A_274] : memref<16x128xi32, #tpu.memory_space<vmem>> -> memref<1x128xi32, #tpu.memory_space<vmem>>
        %dma_start3A_276 = tpu.memref_squeeze %dma_start3A_275 : memref<1x128xi32, #tpu.memory_space<vmem>> -> memref<128xi32, #tpu.memory_space<vmem>>
        %dma_start3A_277 = arith.constant 0 : i32
        %dma_start3A_278 = arith.constant 0 : i32
        %dma_start3A_279 = tpu.memref_slice %arg7[%dma_start3A_277, %dma_start3A_278] : memref<10112x64xf32, #tpu.memory_space<vmem_shared>> -> memref<10112x64xf32, #tpu.memory_space<vmem_shared>>
        tpu.enqueue_indirect_dma source(%arg13 : memref<128x64xf32, #tpu.memory_space<vmem>>) target(%dma_start3A_279 : memref<10112x64xf32, #tpu.memory_space<vmem_shared>>) offsets(%dma_start3A_276 : memref<128xi32, #tpu.memory_space<vmem>>) semaphore(%arg23 : memref<!tpu.dma_semaphore, #tpu.memory_space<semaphore_mem>>) {add = true}
        %dma_wait3A_280 = arith.constant 0 : i32
        %dma_wait3A_281 = tpu.memref_slice %arg9[%add3A_237, %dma_wait3A_280] : memref<16x128xi32, #tpu.memory_space<vmem>> -> memref<1x128xi32, #tpu.memory_space<vmem>>
        %dma_wait3A_282 = tpu.memref_squeeze %dma_wait3A_281 : memref<1x128xi32, #tpu.memory_space<vmem>> -> memref<128xi32, #tpu.memory_space<vmem>>
        %dma_wait3A_283 = arith.constant 0 : i32
        %dma_wait3A_284 = arith.constant 0 : i32
        %dma_wait3A_285 = tpu.memref_slice %arg6[%dma_wait3A_283, %dma_wait3A_284] : memref<10112x64xf32, #tpu.memory_space<vmem_shared>> -> memref<10112x64xf32, #tpu.memory_space<vmem_shared>>
        tpu.wait_indirect_dma semaphore(%arg20 : memref<!tpu.dma_semaphore, #tpu.memory_space<semaphore_mem>>) src(%dma_wait3A_285 : memref<10112x64xf32, #tpu.memory_space<vmem_shared>>) dst(%arg14 : memref<128x64xf32, #tpu.memory_space<vmem>>)
        %add3A_286 = arith.constant 2 : i32
        %add3A_287 = arith.addi %mul3A_219, %add3A_286 : i32
        %dma_start3A_288 = arith.constant 0 : i32
        %dma_start3A_289 = tpu.memref_slice %arg11[%add3A_287, %dma_start3A_288] : memref<16x128xi32, #tpu.memory_space<vmem>> -> memref<1x128xi32, #tpu.memory_space<vmem>>
        %dma_start3A_290 = tpu.memref_squeeze %dma_start3A_289 : memref<1x128xi32, #tpu.memory_space<vmem>> -> memref<128xi32, #tpu.memory_space<vmem>>
        %dma_start3A_291 = arith.constant 0 : i32
        %dma_start3A_292 = arith.constant 0 : i32
        %dma_start3A_293 = tpu.memref_slice %arg7[%dma_start3A_291, %dma_start3A_292] : memref<10112x64xf32, #tpu.memory_space<vmem_shared>> -> memref<10112x64xf32, #tpu.memory_space<vmem_shared>>
        tpu.enqueue_indirect_dma source(%arg14 : memref<128x64xf32, #tpu.memory_space<vmem>>) target(%dma_start3A_293 : memref<10112x64xf32, #tpu.memory_space<vmem_shared>>) offsets(%dma_start3A_290 : memref<128xi32, #tpu.memory_space<vmem>>) semaphore(%arg24 : memref<!tpu.dma_semaphore, #tpu.memory_space<semaphore_mem>>) {add = true}
        %dma_wait3A_294 = arith.constant 0 : i32
        %dma_wait3A_295 = tpu.memref_slice %arg9[%add3A_245, %dma_wait3A_294] : memref<16x128xi32, #tpu.memory_space<vmem>> -> memref<1x128xi32, #tpu.memory_space<vmem>>
        %dma_wait3A_296 = tpu.memref_squeeze %dma_wait3A_295 : memref<1x128xi32, #tpu.memory_space<vmem>> -> memref<128xi32, #tpu.memory_space<vmem>>
        %dma_wait3A_297 = arith.constant 0 : i32
        %dma_wait3A_298 = arith.constant 0 : i32
        %dma_wait3A_299 = tpu.memref_slice %arg6[%dma_wait3A_297, %dma_wait3A_298] : memref<10112x64xf32, #tpu.memory_space<vmem_shared>> -> memref<10112x64xf32, #tpu.memory_space<vmem_shared>>
        tpu.wait_indirect_dma semaphore(%arg21 : memref<!tpu.dma_semaphore, #tpu.memory_space<semaphore_mem>>) src(%dma_wait3A_299 : memref<10112x64xf32, #tpu.memory_space<vmem_shared>>) dst(%arg15 : memref<128x64xf32, #tpu.memory_space<vmem>>)
        %add3A_300 = arith.constant 3 : i32
        %add3A_301 = arith.addi %mul3A_219, %add3A_300 : i32
        %dma_start3A_302 = arith.constant 0 : i32
        %dma_start3A_303 = tpu.memref_slice %arg11[%add3A_301, %dma_start3A_302] : memref<16x128xi32, #tpu.memory_space<vmem>> -> memref<1x128xi32, #tpu.memory_space<vmem>>
        %dma_start3A_304 = tpu.memref_squeeze %dma_start3A_303 : memref<1x128xi32, #tpu.memory_space<vmem>> -> memref<128xi32, #tpu.memory_space<vmem>>
        %dma_start3A_305 = arith.constant 0 : i32
        %dma_start3A_306 = arith.constant 0 : i32
        %dma_start3A_307 = tpu.memref_slice %arg7[%dma_start3A_305, %dma_start3A_306] : memref<10112x64xf32, #tpu.memory_space<vmem_shared>> -> memref<10112x64xf32, #tpu.memory_space<vmem_shared>>
        tpu.enqueue_indirect_dma source(%arg15 : memref<128x64xf32, #tpu.memory_space<vmem>>) target(%dma_start3A_307 : memref<10112x64xf32, #tpu.memory_space<vmem_shared>>) offsets(%dma_start3A_304 : memref<128xi32, #tpu.memory_space<vmem>>) semaphore(%arg25 : memref<!tpu.dma_semaphore, #tpu.memory_space<semaphore_mem>>) {add = true}
        %dma_wait3A_308 = arith.constant 0 : i32
        %dma_wait3A_309 = tpu.memref_slice %arg11[%add3A_259, %dma_wait3A_308] : memref<16x128xi32, #tpu.memory_space<vmem>> -> memref<1x128xi32, #tpu.memory_space<vmem>>
        %dma_wait3A_310 = tpu.memref_squeeze %dma_wait3A_309 : memref<1x128xi32, #tpu.memory_space<vmem>> -> memref<128xi32, #tpu.memory_space<vmem>>
        %dma_wait3A_311 = arith.constant 0 : i32
        %dma_wait3A_312 = arith.constant 0 : i32
        %dma_wait3A_313 = tpu.memref_slice %arg7[%dma_wait3A_311, %dma_wait3A_312] : memref<10112x64xf32, #tpu.memory_space<vmem_shared>> -> memref<10112x64xf32, #tpu.memory_space<vmem_shared>>
        tpu.wait_indirect_dma semaphore(%arg22 : memref<!tpu.dma_semaphore, #tpu.memory_space<semaphore_mem>>) src(%arg12 : memref<128x64xf32, #tpu.memory_space<vmem>>) dst(%dma_wait3A_313 : memref<10112x64xf32, #tpu.memory_space<vmem_shared>>)
        %dma_wait3A_314 = arith.constant 0 : i32
        %dma_wait3A_315 = tpu.memref_slice %arg11[%add3A_273, %dma_wait3A_314] : memref<16x128xi32, #tpu.memory_space<vmem>> -> memref<1x128xi32, #tpu.memory_space<vmem>>
        %dma_wait3A_316 = tpu.memref_squeeze %dma_wait3A_315 : memref<1x128xi32, #tpu.memory_space<vmem>> -> memref<128xi32, #tpu.memory_space<vmem>>
        %dma_wait3A_317 = arith.constant 0 : i32
        %dma_wait3A_318 = arith.constant 0 : i32
        %dma_wait3A_319 = tpu.memref_slice %arg7[%dma_wait3A_317, %dma_wait3A_318] : memref<10112x64xf32, #tpu.memory_space<vmem_shared>> -> memref<10112x64xf32, #tpu.memory_space<vmem_shared>>
        tpu.wait_indirect_dma semaphore(%arg23 : memref<!tpu.dma_semaphore, #tpu.memory_space<semaphore_mem>>) src(%arg13 : memref<128x64xf32, #tpu.memory_space<vmem>>) dst(%dma_wait3A_319 : memref<10112x64xf32, #tpu.memory_space<vmem_shared>>)
        %dma_wait3A_320 = arith.constant 0 : i32
        %dma_wait3A_321 = tpu.memref_slice %arg11[%add3A_287, %dma_wait3A_320] : memref<16x128xi32, #tpu.memory_space<vmem>> -> memref<1x128xi32, #tpu.memory_space<vmem>>
        %dma_wait3A_322 = tpu.memref_squeeze %dma_wait3A_321 : memref<1x128xi32, #tpu.memory_space<vmem>> -> memref<128xi32, #tpu.memory_space<vmem>>
        %dma_wait3A_323 = arith.constant 0 : i32
        %dma_wait3A_324 = arith.constant 0 : i32
        %dma_wait3A_325 = tpu.memref_slice %arg7[%dma_wait3A_323, %dma_wait3A_324] : memref<10112x64xf32, #tpu.memory_space<vmem_shared>> -> memref<10112x64xf32, #tpu.memory_space<vmem_shared>>
        tpu.wait_indirect_dma semaphore(%arg24 : memref<!tpu.dma_semaphore, #tpu.memory_space<semaphore_mem>>) src(%arg14 : memref<128x64xf32, #tpu.memory_space<vmem>>) dst(%dma_wait3A_325 : memref<10112x64xf32, #tpu.memory_space<vmem_shared>>)
        %dma_wait3A_326 = arith.constant 0 : i32
        %dma_wait3A_327 = tpu.memref_slice %arg11[%add3A_301, %dma_wait3A_326] : memref<16x128xi32, #tpu.memory_space<vmem>> -> memref<1x128xi32, #tpu.memory_space<vmem>>
        %dma_wait3A_328 = tpu.memref_squeeze %dma_wait3A_327 : memref<1x128xi32, #tpu.memory_space<vmem>> -> memref<128xi32, #tpu.memory_space<vmem>>
        %dma_wait3A_329 = arith.constant 0 : i32
        %dma_wait3A_330 = arith.constant 0 : i32
        %dma_wait3A_331 = tpu.memref_slice %arg7[%dma_wait3A_329, %dma_wait3A_330] : memref<10112x64xf32, #tpu.memory_space<vmem_shared>> -> memref<10112x64xf32, #tpu.memory_space<vmem_shared>>
        tpu.wait_indirect_dma semaphore(%arg25 : memref<!tpu.dma_semaphore, #tpu.memory_space<semaphore_mem>>) src(%arg15 : memref<128x64xf32, #tpu.memory_space<vmem>>) dst(%dma_wait3A_331 : memref<10112x64xf32, #tpu.memory_space<vmem_shared>>)
      }
      %scan3A_205 = arith.constant 4 : i32
      %add3A_206 = arith.constant 2 : i32
      %add3A_207 = arith.addi %add3A_190, %add3A_206 : i32
      %lt3A_208 = arith.constant 10 : i32
      %lt3A_209 = arith.cmpi slt, %add3A_207, %lt3A_208 : i32
      %convert_element_type3A_210 = arith.extui %lt3A_209 : i1 to i32
      %cond3A_211 = arith.constant 0 : i32
      %cond3A_212 = arith.cmpi ne, %convert_element_type3A_210, %cond3A_211 : i32
      scf.if %cond3A_212 {
        %add3A_213 = arith.constant 2 : i32
        %add3A_214 = arith.addi %add3A_190, %add3A_213 : i32
        %mul3A_215 = arith.constant 16 : i32
        %mul3A_216 = arith.muli %add3A_214, %mul3A_215 : i32
        %add3A_217 = arith.addi %mul3A_2, %mul3A_216 : i32
        %dma_start3A_218 = arith.constant 0 : i32
        %dma_start3A_219 = tpu.memref_slice %arg3[%arg0, %add3A_217, %dma_start3A_218] : memref<2x2560x128xi32, #tpu.memory_space<hbm>> -> memref<1x16x128xi32, #tpu.memory_space<hbm>>
        %dma_start3A_220 = tpu.memref_squeeze %dma_start3A_219 : memref<1x16x128xi32, #tpu.memory_space<hbm>> -> memref<16x128xi32, #tpu.memory_space<hbm>>
        %dma_start3A_221 = arith.constant 0 : i32
        %dma_start3A_222 = tpu.memref_slice %arg3[%arg0, %add3A_217, %dma_start3A_221] : memref<2x2560x128xi32, #tpu.memory_space<hbm>> -> memref<1x16x128xi32, #tpu.memory_space<hbm>>
        %dma_start3A_223 = tpu.memref_squeeze %dma_start3A_222 : memref<1x16x128xi32, #tpu.memory_space<hbm>> -> memref<16x128xi32, #tpu.memory_space<hbm>>
        tpu.enqueue_dma source(%dma_start3A_223 : memref<16x128xi32, #tpu.memory_space<hbm>>) target(%arg9 : memref<16x128xi32, #tpu.memory_space<vmem>>) target_semaphore(%arg17 : memref<!tpu.dma_semaphore, #tpu.memory_space<semaphore_mem>>)
        %mul3A_224 = arith.constant 16 : i32
        %mul3A_225 = arith.muli %add3A_214, %mul3A_224 : i32
        %add3A_226 = arith.addi %mul3A_2, %mul3A_225 : i32
        %dma_start3A_227 = arith.constant 0 : i32
        %dma_start3A_228 = tpu.memref_slice %arg4[%add3A_226, %dma_start3A_227] : memref<2560x128xi32, #tpu.memory_space<hbm>> -> memref<16x128xi32, #tpu.memory_space<hbm>>
        %dma_start3A_229 = arith.constant 0 : i32
        %dma_start3A_230 = tpu.memref_slice %arg4[%add3A_226, %dma_start3A_229] : memref<2560x128xi32, #tpu.memory_space<hbm>> -> memref<16x128xi32, #tpu.memory_space<hbm>>
        tpu.enqueue_dma source(%dma_start3A_230 : memref<16x128xi32, #tpu.memory_space<hbm>>) target(%arg11 : memref<16x128xi32, #tpu.memory_space<vmem>>) target_semaphore(%arg17 : memref<!tpu.dma_semaphore, #tpu.memory_space<semaphore_mem>>)
      } else {
      }
    }
    %scan3A_108 = arith.constant 5 : i32
    %barrier3A_109 = arith.constant 0 : index
    tpu.barrier barrier_id(%barrier3A_109)
    "tpu.region"() ({
      %run_scoped3A = tpu.sem_alloc : memref<!tpu.dma_semaphore, #tpu.memory_space<semaphore_mem>>
      %dma_start3A_160 = arith.constant 0 : i32
      %dma_start3A_161 = arith.constant 0 : i32
      %dma_start3A_162 = tpu.memref_slice %arg12[%dma_start3A_160, %dma_start3A_161] : memref<128x64xf32, #tpu.memory_space<vmem>> -> memref<128x64xf32, #tpu.memory_space<vmem>>
      %dma_start3A_163 = arith.constant 0 : i32
      %dma_start3A_164 = tpu.memref_slice %arg7[%mul3A_0, %dma_start3A_163] : memref<10112x64xf32, #tpu.memory_space<vmem_shared>> -> memref<128x64xf32, #tpu.memory_space<vmem_shared>>
      %dma_start3A_165 = arith.constant 0 : i32
      %dma_start3A_166 = arith.constant 0 : i32
      %dma_start3A_167 = tpu.memref_slice %arg12[%dma_start3A_165, %dma_start3A_166] : memref<128x64xf32, #tpu.memory_space<vmem>> -> memref<128x64xf32, #tpu.memory_space<vmem>>
      %dma_start3A_168 = arith.constant 0 : i32
      %dma_start3A_169 = tpu.memref_slice %arg7[%mul3A_0, %dma_start3A_168] : memref<10112x64xf32, #tpu.memory_space<vmem_shared>> -> memref<128x64xf32, #tpu.memory_space<vmem_shared>>
      tpu.enqueue_dma source(%dma_start3A_169 : memref<128x64xf32, #tpu.memory_space<vmem_shared>>) target(%dma_start3A_167 : memref<128x64xf32, #tpu.memory_space<vmem>>) target_semaphore(%run_scoped3A : memref<!tpu.dma_semaphore, #tpu.memory_space<semaphore_mem>>)
      %dma_wait3A = arith.constant 0 : i32
      %dma_wait3A_170 = arith.constant 0 : i32
      %dma_wait3A_171 = tpu.memref_slice %arg12[%dma_wait3A, %dma_wait3A_170] : memref<128x64xf32, #tpu.memory_space<vmem>> -> memref<128x64xf32, #tpu.memory_space<vmem>>
      %dma_wait3A_172 = arith.constant 0 : i32
      %dma_wait3A_173 = tpu.memref_slice %arg7[%mul3A_0, %dma_wait3A_172] : memref<10112x64xf32, #tpu.memory_space<vmem_shared>> -> memref<128x64xf32, #tpu.memory_space<vmem_shared>>
      %dma_wait3A_174 = arith.constant 0 : i32
      %dma_wait3A_175 = arith.constant 0 : i32
      %dma_wait3A_176 = tpu.memref_slice %arg12[%dma_wait3A_174, %dma_wait3A_175] : memref<128x64xf32, #tpu.memory_space<vmem>> -> memref<128x64xf32, #tpu.memory_space<vmem>>
      %dma_wait3A_177 = arith.constant 0 : i32
      %dma_wait3A_178 = tpu.memref_slice %arg7[%mul3A_0, %dma_wait3A_177] : memref<10112x64xf32, #tpu.memory_space<vmem_shared>> -> memref<128x64xf32, #tpu.memory_space<vmem_shared>>
      tpu.wait_dma2 semaphore(%run_scoped3A : memref<!tpu.dma_semaphore, #tpu.memory_space<semaphore_mem>>) src(%dma_wait3A_178 : memref<128x64xf32, #tpu.memory_space<vmem_shared>>) dst(%dma_wait3A_176 : memref<128x64xf32, #tpu.memory_space<vmem>>)
      tpu.yield
    }) : () -> ()
    %scan3A_110 = arith.constant 0 : i32
    %scan3A_111 = arith.constant 128 : i32
    %scan3A_112 = arith.addi %scan3A_110, %scan3A_111 : i32
    %scan3A_113 = arith.constant 1 : i32
    scf.for %scan3A_160 = %scan3A_110 to %scan3A_112 step %scan3A_113  : i32 {
      %mul3A_161 = arith.constant 1 : i32
      %mul3A_162 = arith.muli %scan3A_160, %mul3A_161 : i32
      %add3A_163 = arith.constant 0 : i32
      %add3A_164 = arith.addi %add3A_163, %mul3A_162 : i32
      %get3A = arith.index_cast %add3A_164 : i32 to index
      %get3A_165 = arith.constant 0 : index
      %get3A_166 = tpu.vector_load %arg12[%get3A, %get3A_165] {strides = array<i32>} : memref<128x64xf32, #tpu.memory_space<vmem>>, vector<1x16xf32>,
      %get3A_167 = vector.shape_cast %get3A_166 : vector<1x16xf32> to vector<16xf32>
      %mul3A_168 = arith.constant 0.333333343 : f32
      %mul3A_169 = vector.broadcast %mul3A_168 : f32 to vector<16xf32>
      %mul3A_170 = arith.mulf %get3A_167, %mul3A_169 : vector<16xf32>
      %swap3A = arith.index_cast %add3A_164 : i32 to index
      %swap3A_171 = arith.constant 0 : index
      %swap3A_172 = tpu.vector_load %arg12[%swap3A, %swap3A_171] {strides = array<i32>} : memref<128x64xf32, #tpu.memory_space<vmem>>, vector<1x16xf32>,
      %swap3A_173 = vector.shape_cast %swap3A_172 : vector<1x16xf32> to vector<16xf32>
      %swap3A_174 = vector.shape_cast %mul3A_170 : vector<16xf32> to vector<1x16xf32>
      tpu.vector_store %arg12[%swap3A, %swap3A_171], %swap3A_174 {strides = array<i32>} : memref<128x64xf32, #tpu.memory_space<vmem>>, vector<1x16xf32>,
      %get3A_175 = arith.index_cast %add3A_164 : i32 to index
      %get3A_176 = arith.constant 16 : index
      %get3A_177 = tpu.vector_load %arg12[%get3A_175, %get3A_176] {strides = array<i32>} : memref<128x64xf32, #tpu.memory_space<vmem>>, vector<1x16xf32>,
      %get3A_178 = vector.shape_cast %get3A_177 : vector<1x16xf32> to vector<16xf32>
      %mul3A_179 = arith.constant 0.333333343 : f32
      %mul3A_180 = vector.broadcast %mul3A_179 : f32 to vector<16xf32>
      %mul3A_181 = arith.mulf %get3A_178, %mul3A_180 : vector<16xf32>
      %swap3A_182 = arith.index_cast %add3A_164 : i32 to index
      %swap3A_183 = arith.constant 16 : index
      %swap3A_184 = tpu.vector_load %arg12[%swap3A_182, %swap3A_183] {strides = array<i32>} : memref<128x64xf32, #tpu.memory_space<vmem>>, vector<1x16xf32>,
      %swap3A_185 = vector.shape_cast %swap3A_184 : vector<1x16xf32> to vector<16xf32>
      %swap3A_186 = vector.shape_cast %mul3A_181 : vector<16xf32> to vector<1x16xf32>
      tpu.vector_store %arg12[%swap3A_182, %swap3A_183], %swap3A_186 {strides = array<i32>} : memref<128x64xf32, #tpu.memory_space<vmem>>, vector<1x16xf32>,
      %get3A_187 = arith.index_cast %add3A_164 : i32 to index
      %get3A_188 = arith.constant 32 : index
      %get3A_189 = tpu.vector_load %arg12[%get3A_187, %get3A_188] {strides = array<i32>} : memref<128x64xf32, #tpu.memory_space<vmem>>, vector<1x16xf32>,
      %get3A_190 = vector.shape_cast %get3A_189 : vector<1x16xf32> to vector<16xf32>
      %mul3A_191 = arith.constant 0.333333343 : f32
      %mul3A_192 = vector.broadcast %mul3A_191 : f32 to vector<16xf32>
      %mul3A_193 = arith.mulf %get3A_190, %mul3A_192 : vector<16xf32>
      %swap3A_194 = arith.index_cast %add3A_164 : i32 to index
      %swap3A_195 = arith.constant 32 : index
      %swap3A_196 = tpu.vector_load %arg12[%swap3A_194, %swap3A_195] {strides = array<i32>} : memref<128x64xf32, #tpu.memory_space<vmem>>, vector<1x16xf32>,
      %swap3A_197 = vector.shape_cast %swap3A_196 : vector<1x16xf32> to vector<16xf32>
      %swap3A_198 = vector.shape_cast %mul3A_193 : vector<16xf32> to vector<1x16xf32>
      tpu.vector_store %arg12[%swap3A_194, %swap3A_195], %swap3A_198 {strides = array<i32>} : memref<128x64xf32, #tpu.memory_space<vmem>>, vector<1x16xf32>,
      %get3A_199 = arith.index_cast %add3A_164 : i32 to index
      %get3A_200 = arith.constant 48 : index
      %get3A_201 = tpu.vector_load %arg12[%get3A_199, %get3A_200] {strides = array<i32>} : memref<128x64xf32, #tpu.memory_space<vmem>>, vector<1x16xf32>,
      %get3A_202 = vector.shape_cast %get3A_201 : vector<1x16xf32> to vector<16xf32>
      %mul3A_203 = arith.constant 0.333333343 : f32
      %mul3A_204 = vector.broadcast %mul3A_203 : f32 to vector<16xf32>
      %mul3A_205 = arith.mulf %get3A_202, %mul3A_204 : vector<16xf32>
      %swap3A_206 = arith.index_cast %add3A_164 : i32 to index
      %swap3A_207 = arith.constant 48 : index
      %swap3A_208 = tpu.vector_load %arg12[%swap3A_206, %swap3A_207] {strides = array<i32>} : memref<128x64xf32, #tpu.memory_space<vmem>>, vector<1x16xf32>,
      %swap3A_209 = vector.shape_cast %swap3A_208 : vector<1x16xf32> to vector<16xf32>
      %swap3A_210 = vector.shape_cast %mul3A_205 : vector<16xf32> to vector<1x16xf32>
      tpu.vector_store %arg12[%swap3A_206, %swap3A_207], %swap3A_210 {strides = array<i32>} : memref<128x64xf32, #tpu.memory_space<vmem>>, vector<1x16xf32>,
    }
    %scan3A_114 = arith.constant 128 : i32
    %mul3A_115 = arith.constant 10112 : i32
    %mul3A_116 = arith.muli %arg0, %mul3A_115 : i32
    %add3A_117 = arith.addi %mul3A_116, %mul3A_0 : i32
    "tpu.region"() ({
      %run_scoped3A = tpu.sem_alloc : memref<!tpu.dma_semaphore, #tpu.memory_space<semaphore_mem>>
      %dma_start3A_160 = arith.constant 0 : i32
      %dma_start3A_161 = arith.constant 0 : i32
      %dma_start3A_162 = tpu.memref_slice %arg12[%dma_start3A_160, %dma_start3A_161] : memref<128x64xf32, #tpu.memory_space<vmem>> -> memref<128x64xf32, #tpu.memory_space<vmem>>
      %dma_start3A_163 = arith.constant 0 : i32
      %dma_start3A_164 = tpu.memref_slice %arg5[%add3A_117, %dma_start3A_163] : memref<20224x64xf32, #tpu.memory_space<hbm>> -> memref<128x64xf32, #tpu.memory_space<hbm>>
      %dma_start3A_165 = arith.constant 0 : i32
      %dma_start3A_166 = tpu.memref_slice %arg5[%add3A_117, %dma_start3A_165] : memref<20224x64xf32, #tpu.memory_space<hbm>> -> memref<128x64xf32, #tpu.memory_space<hbm>>
      %dma_start3A_167 = arith.constant 0 : i32
      %dma_start3A_168 = arith.constant 0 : i32
      %dma_start3A_169 = tpu.memref_slice %arg12[%dma_start3A_167, %dma_start3A_168] : memref<128x64xf32, #tpu.memory_space<vmem>> -> memref<128x64xf32, #tpu.memory_space<vmem>>
      tpu.enqueue_dma source(%dma_start3A_169 : memref<128x64xf32, #tpu.memory_space<vmem>>) target(%dma_start3A_166 : memref<128x64xf32, #tpu.memory_space<hbm>>) target_semaphore(%run_scoped3A : memref<!tpu.dma_semaphore, #tpu.memory_space<semaphore_mem>>)
      %dma_wait3A = arith.constant 0 : i32
      %dma_wait3A_170 = arith.constant 0 : i32
      %dma_wait3A_171 = tpu.memref_slice %arg12[%dma_wait3A, %dma_wait3A_170] : memref<128x64xf32, #tpu.memory_space<vmem>> -> memref<128x64xf32, #tpu.memory_space<vmem>>
      %dma_wait3A_172 = arith.constant 0 : i32
      %dma_wait3A_173 = tpu.memref_slice %arg5[%add3A_117, %dma_wait3A_172] : memref<20224x64xf32, #tpu.memory_space<hbm>> -> memref<128x64xf32, #tpu.memory_space<hbm>>
      %dma_wait3A_174 = arith.constant 0 : i32
      %dma_wait3A_175 = tpu.memref_slice %arg5[%add3A_117, %dma_wait3A_174] : memref<20224x64xf32, #tpu.memory_space<hbm>> -> memref<128x64xf32, #tpu.memory_space<hbm>>
      %dma_wait3A_176 = arith.constant 0 : i32
      %dma_wait3A_177 = arith.constant 0 : i32
      %dma_wait3A_178 = tpu.memref_slice %arg12[%dma_wait3A_176, %dma_wait3A_177] : memref<128x64xf32, #tpu.memory_space<vmem>> -> memref<128x64xf32, #tpu.memory_space<vmem>>
      tpu.wait_dma2 semaphore(%run_scoped3A : memref<!tpu.dma_semaphore, #tpu.memory_space<semaphore_mem>>) src(%dma_wait3A_178 : memref<128x64xf32, #tpu.memory_space<vmem>>) dst(%dma_wait3A_175 : memref<128x64xf32, #tpu.memory_space<hbm>>)
      tpu.yield
    }) : () -> ()
    %add3A_118 = arith.constant 128 : i32
    %add3A_119 = arith.addi %mul3A_0, %add3A_118 : i32
    "tpu.region"() ({
      %run_scoped3A = tpu.sem_alloc : memref<!tpu.dma_semaphore, #tpu.memory_space<semaphore_mem>>
      %dma_start3A_160 = arith.constant 0 : i32
      %dma_start3A_161 = arith.constant 0 : i32
      %dma_start3A_162 = tpu.memref_slice %arg12[%dma_start3A_160, %dma_start3A_161] : memref<128x64xf32, #tpu.memory_space<vmem>> -> memref<128x64xf32, #tpu.memory_space<vmem>>
      %dma_start3A_163 = arith.constant 0 : i32
      %dma_start3A_164 = tpu.memref_slice %arg7[%add3A_119, %dma_start3A_163] : memref<10112x64xf32, #tpu.memory_space<vmem_shared>> -> memref<128x64xf32, #tpu.memory_space<vmem_shared>>
      %dma_start3A_165 = arith.constant 0 : i32
      %dma_start3A_166 = arith.constant 0 : i32
      %dma_start3A_167 = tpu.memref_slice %arg12[%dma_start3A_165, %dma_start3A_166] : memref<128x64xf32, #tpu.memory_space<vmem>> -> memref<128x64xf32, #tpu.memory_space<vmem>>
      %dma_start3A_168 = arith.constant 0 : i32
      %dma_start3A_169 = tpu.memref_slice %arg7[%add3A_119, %dma_start3A_168] : memref<10112x64xf32, #tpu.memory_space<vmem_shared>> -> memref<128x64xf32, #tpu.memory_space<vmem_shared>>
      tpu.enqueue_dma source(%dma_start3A_169 : memref<128x64xf32, #tpu.memory_space<vmem_shared>>) target(%dma_start3A_167 : memref<128x64xf32, #tpu.memory_space<vmem>>) target_semaphore(%run_scoped3A : memref<!tpu.dma_semaphore, #tpu.memory_space<semaphore_mem>>)
      %dma_wait3A = arith.constant 0 : i32
      %dma_wait3A_170 = arith.constant 0 : i32
      %dma_wait3A_171 = tpu.memref_slice %arg12[%dma_wait3A, %dma_wait3A_170] : memref<128x64xf32, #tpu.memory_space<vmem>> -> memref<128x64xf32, #tpu.memory_space<vmem>>
      %dma_wait3A_172 = arith.constant 0 : i32
      %dma_wait3A_173 = tpu.memref_slice %arg7[%add3A_119, %dma_wait3A_172] : memref<10112x64xf32, #tpu.memory_space<vmem_shared>> -> memref<128x64xf32, #tpu.memory_space<vmem_shared>>
      %dma_wait3A_174 = arith.constant 0 : i32
      %dma_wait3A_175 = arith.constant 0 : i32
      %dma_wait3A_176 = tpu.memref_slice %arg12[%dma_wait3A_174, %dma_wait3A_175] : memref<128x64xf32, #tpu.memory_space<vmem>> -> memref<128x64xf32, #tpu.memory_space<vmem>>
      %dma_wait3A_177 = arith.constant 0 : i32
      %dma_wait3A_178 = tpu.memref_slice %arg7[%add3A_119, %dma_wait3A_177] : memref<10112x64xf32, #tpu.memory_space<vmem_shared>> -> memref<128x64xf32, #tpu.memory_space<vmem_shared>>
      tpu.wait_dma2 semaphore(%run_scoped3A : memref<!tpu.dma_semaphore, #tpu.memory_space<semaphore_mem>>) src(%dma_wait3A_178 : memref<128x64xf32, #tpu.memory_space<vmem_shared>>) dst(%dma_wait3A_176 : memref<128x64xf32, #tpu.memory_space<vmem>>)
      tpu.yield
    }) : () -> ()
    %scan3A_120 = arith.constant 0 : i32
    %scan3A_121 = arith.constant 128 : i32
    %scan3A_122 = arith.addi %scan3A_120, %scan3A_121 : i32
    %scan3A_123 = arith.constant 1 : i32
    scf.for %scan3A_160 = %scan3A_120 to %scan3A_122 step %scan3A_123  : i32 {
      %mul3A_161 = arith.constant 1 : i32
      %mul3A_162 = arith.muli %scan3A_160, %mul3A_161 : i32
      %add3A_163 = arith.constant 0 : i32
      %add3A_164 = arith.addi %add3A_163, %mul3A_162 : i32
      %get3A = arith.index_cast %add3A_164 : i32 to index
      %get3A_165 = arith.constant 0 : index
      %get3A_166 = tpu.vector_load %arg12[%get3A, %get3A_165] {strides = array<i32>} : memref<128x64xf32, #tpu.memory_space<vmem>>, vector<1x16xf32>,
      %get3A_167 = vector.shape_cast %get3A_166 : vector<1x16xf32> to vector<16xf32>
      %mul3A_168 = arith.constant 0.333333343 : f32
      %mul3A_169 = vector.broadcast %mul3A_168 : f32 to vector<16xf32>
      %mul3A_170 = arith.mulf %get3A_167, %mul3A_169 : vector<16xf32>
      %swap3A = arith.index_cast %add3A_164 : i32 to index
      %swap3A_171 = arith.constant 0 : index
      %swap3A_172 = tpu.vector_load %arg12[%swap3A, %swap3A_171] {strides = array<i32>} : memref<128x64xf32, #tpu.memory_space<vmem>>, vector<1x16xf32>,
      %swap3A_173 = vector.shape_cast %swap3A_172 : vector<1x16xf32> to vector<16xf32>
      %swap3A_174 = vector.shape_cast %mul3A_170 : vector<16xf32> to vector<1x16xf32>
      tpu.vector_store %arg12[%swap3A, %swap3A_171], %swap3A_174 {strides = array<i32>} : memref<128x64xf32, #tpu.memory_space<vmem>>, vector<1x16xf32>,
      %get3A_175 = arith.index_cast %add3A_164 : i32 to index
      %get3A_176 = arith.constant 16 : index
      %get3A_177 = tpu.vector_load %arg12[%get3A_175, %get3A_176] {strides = array<i32>} : memref<128x64xf32, #tpu.memory_space<vmem>>, vector<1x16xf32>,
      %get3A_178 = vector.shape_cast %get3A_177 : vector<1x16xf32> to vector<16xf32>
      %mul3A_179 = arith.constant 0.333333343 : f32
      %mul3A_180 = vector.broadcast %mul3A_179 : f32 to vector<16xf32>
      %mul3A_181 = arith.mulf %get3A_178, %mul3A_180 : vector<16xf32>
      %swap3A_182 = arith.index_cast %add3A_164 : i32 to index
      %swap3A_183 = arith.constant 16 : index
      %swap3A_184 = tpu.vector_load %arg12[%swap3A_182, %swap3A_183] {strides = array<i32>} : memref<128x64xf32, #tpu.memory_space<vmem>>, vector<1x16xf32>,
      %swap3A_185 = vector.shape_cast %swap3A_184 : vector<1x16xf32> to vector<16xf32>
      %swap3A_186 = vector.shape_cast %mul3A_181 : vector<16xf32> to vector<1x16xf32>
      tpu.vector_store %arg12[%swap3A_182, %swap3A_183], %swap3A_186 {strides = array<i32>} : memref<128x64xf32, #tpu.memory_space<vmem>>, vector<1x16xf32>,
      %get3A_187 = arith.index_cast %add3A_164 : i32 to index
      %get3A_188 = arith.constant 32 : index
      %get3A_189 = tpu.vector_load %arg12[%get3A_187, %get3A_188] {strides = array<i32>} : memref<128x64xf32, #tpu.memory_space<vmem>>, vector<1x16xf32>,
      %get3A_190 = vector.shape_cast %get3A_189 : vector<1x16xf32> to vector<16xf32>
      %mul3A_191 = arith.constant 0.333333343 : f32
      %mul3A_192 = vector.broadcast %mul3A_191 : f32 to vector<16xf32>
      %mul3A_193 = arith.mulf %get3A_190, %mul3A_192 : vector<16xf32>
      %swap3A_194 = arith.index_cast %add3A_164 : i32 to index
      %swap3A_195 = arith.constant 32 : index
      %swap3A_196 = tpu.vector_load %arg12[%swap3A_194, %swap3A_195] {strides = array<i32>} : memref<128x64xf32, #tpu.memory_space<vmem>>, vector<1x16xf32>,
      %swap3A_197 = vector.shape_cast %swap3A_196 : vector<1x16xf32> to vector<16xf32>
      %swap3A_198 = vector.shape_cast %mul3A_193 : vector<16xf32> to vector<1x16xf32>
      tpu.vector_store %arg12[%swap3A_194, %swap3A_195], %swap3A_198 {strides = array<i32>} : memref<128x64xf32, #tpu.memory_space<vmem>>, vector<1x16xf32>,
      %get3A_199 = arith.index_cast %add3A_164 : i32 to index
      %get3A_200 = arith.constant 48 : index
      %get3A_201 = tpu.vector_load %arg12[%get3A_199, %get3A_200] {strides = array<i32>} : memref<128x64xf32, #tpu.memory_space<vmem>>, vector<1x16xf32>,
      %get3A_202 = vector.shape_cast %get3A_201 : vector<1x16xf32> to vector<16xf32>
      %mul3A_203 = arith.constant 0.333333343 : f32
      %mul3A_204 = vector.broadcast %mul3A_203 : f32 to vector<16xf32>
      %mul3A_205 = arith.mulf %get3A_202, %mul3A_204 : vector<16xf32>
      %swap3A_206 = arith.index_cast %add3A_164 : i32 to index
      %swap3A_207 = arith.constant 48 : index
      %swap3A_208 = tpu.vector_load %arg12[%swap3A_206, %swap3A_207] {strides = array<i32>} : memref<128x64xf32, #tpu.memory_space<vmem>>, vector<1x16xf32>,
      %swap3A_209 = vector.shape_cast %swap3A_208 : vector<1x16xf32> to vector<16xf32>
      %swap3A_210 = vector.shape_cast %mul3A_205 : vector<16xf32> to vector<1x16xf32>
      tpu.vector_store %arg12[%swap3A_206, %swap3A_207], %swap3A_210 {strides = array<i32>} : memref<128x64xf32, #tpu.memory_space<vmem>>, vector<1x16xf32>,
    }
    %scan3A_124 = arith.constant 128 : i32
    %mul3A_125 = arith.constant 10112 : i32
    %mul3A_126 = arith.muli %arg0, %mul3A_125 : i32
    %add3A_127 = arith.addi %mul3A_126, %add3A_119 : i32
    "tpu.region"() ({
      %run_scoped3A = tpu.sem_alloc : memref<!tpu.dma_semaphore, #tpu.memory_space<semaphore_mem>>
      %dma_start3A_160 = arith.constant 0 : i32
      %dma_start3A_161 = arith.constant 0 : i32
      %dma_start3A_162 = tpu.memref_slice %arg12[%dma_start3A_160, %dma_start3A_161] : memref<128x64xf32, #tpu.memory_space<vmem>> -> memref<128x64xf32, #tpu.memory_space<vmem>>
      %dma_start3A_163 = arith.constant 0 : i32
      %dma_start3A_164 = tpu.memref_slice %arg5[%add3A_127, %dma_start3A_163] : memref<20224x64xf32, #tpu.memory_space<hbm>> -> memref<128x64xf32, #tpu.memory_space<hbm>>
      %dma_start3A_165 = arith.constant 0 : i32
      %dma_start3A_166 = tpu.memref_slice %arg5[%add3A_127, %dma_start3A_165] : memref<20224x64xf32, #tpu.memory_space<hbm>> -> memref<128x64xf32, #tpu.memory_space<hbm>>
      %dma_start3A_167 = arith.constant 0 : i32
      %dma_start3A_168 = arith.constant 0 : i32
      %dma_start3A_169 = tpu.memref_slice %arg12[%dma_start3A_167, %dma_start3A_168] : memref<128x64xf32, #tpu.memory_space<vmem>> -> memref<128x64xf32, #tpu.memory_space<vmem>>
      tpu.enqueue_dma source(%dma_start3A_169 : memref<128x64xf32, #tpu.memory_space<vmem>>) target(%dma_start3A_166 : memref<128x64xf32, #tpu.memory_space<hbm>>) target_semaphore(%run_scoped3A : memref<!tpu.dma_semaphore, #tpu.memory_space<semaphore_mem>>)
      %dma_wait3A = arith.constant 0 : i32
      %dma_wait3A_170 = arith.constant 0 : i32
      %dma_wait3A_171 = tpu.memref_slice %arg12[%dma_wait3A, %dma_wait3A_170] : memref<128x64xf32, #tpu.memory_space<vmem>> -> memref<128x64xf32, #tpu.memory_space<vmem>>
      %dma_wait3A_172 = arith.constant 0 : i32
      %dma_wait3A_173 = tpu.memref_slice %arg5[%add3A_127, %dma_wait3A_172] : memref<20224x64xf32, #tpu.memory_space<hbm>> -> memref<128x64xf32, #tpu.memory_space<hbm>>
      %dma_wait3A_174 = arith.constant 0 : i32
      %dma_wait3A_175 = tpu.memref_slice %arg5[%add3A_127, %dma_wait3A_174] : memref<20224x64xf32, #tpu.memory_space<hbm>> -> memref<128x64xf32, #tpu.memory_space<hbm>>
      %dma_wait3A_176 = arith.constant 0 : i32
      %dma_wait3A_177 = arith.constant 0 : i32
      %dma_wait3A_178 = tpu.memref_slice %arg12[%dma_wait3A_176, %dma_wait3A_177] : memref<128x64xf32, #tpu.memory_space<vmem>> -> memref<128x64xf32, #tpu.memory_space<vmem>>
      tpu.wait_dma2 semaphore(%run_scoped3A : memref<!tpu.dma_semaphore, #tpu.memory_space<semaphore_mem>>) src(%dma_wait3A_178 : memref<128x64xf32, #tpu.memory_space<vmem>>) dst(%dma_wait3A_175 : memref<128x64xf32, #tpu.memory_space<hbm>>)
      tpu.yield
    }) : () -> ()
    %add3A_128 = arith.constant 128 : i32
    %add3A_129 = arith.addi %add3A_119, %add3A_128 : i32
    "tpu.region"() ({
      %run_scoped3A = tpu.sem_alloc : memref<!tpu.dma_semaphore, #tpu.memory_space<semaphore_mem>>
      %dma_start3A_160 = arith.constant 0 : i32
      %dma_start3A_161 = arith.constant 0 : i32
      %dma_start3A_162 = tpu.memref_slice %arg12[%dma_start3A_160, %dma_start3A_161] : memref<128x64xf32, #tpu.memory_space<vmem>> -> memref<128x64xf32, #tpu.memory_space<vmem>>
      %dma_start3A_163 = arith.constant 0 : i32
      %dma_start3A_164 = tpu.memref_slice %arg7[%add3A_129, %dma_start3A_163] : memref<10112x64xf32, #tpu.memory_space<vmem_shared>> -> memref<128x64xf32, #tpu.memory_space<vmem_shared>>
      %dma_start3A_165 = arith.constant 0 : i32
      %dma_start3A_166 = arith.constant 0 : i32
      %dma_start3A_167 = tpu.memref_slice %arg12[%dma_start3A_165, %dma_start3A_166] : memref<128x64xf32, #tpu.memory_space<vmem>> -> memref<128x64xf32, #tpu.memory_space<vmem>>
      %dma_start3A_168 = arith.constant 0 : i32
      %dma_start3A_169 = tpu.memref_slice %arg7[%add3A_129, %dma_start3A_168] : memref<10112x64xf32, #tpu.memory_space<vmem_shared>> -> memref<128x64xf32, #tpu.memory_space<vmem_shared>>
      tpu.enqueue_dma source(%dma_start3A_169 : memref<128x64xf32, #tpu.memory_space<vmem_shared>>) target(%dma_start3A_167 : memref<128x64xf32, #tpu.memory_space<vmem>>) target_semaphore(%run_scoped3A : memref<!tpu.dma_semaphore, #tpu.memory_space<semaphore_mem>>)
      %dma_wait3A = arith.constant 0 : i32
      %dma_wait3A_170 = arith.constant 0 : i32
      %dma_wait3A_171 = tpu.memref_slice %arg12[%dma_wait3A, %dma_wait3A_170] : memref<128x64xf32, #tpu.memory_space<vmem>> -> memref<128x64xf32, #tpu.memory_space<vmem>>
      %dma_wait3A_172 = arith.constant 0 : i32
      %dma_wait3A_173 = tpu.memref_slice %arg7[%add3A_129, %dma_wait3A_172] : memref<10112x64xf32, #tpu.memory_space<vmem_shared>> -> memref<128x64xf32, #tpu.memory_space<vmem_shared>>
      %dma_wait3A_174 = arith.constant 0 : i32
      %dma_wait3A_175 = arith.constant 0 : i32
      %dma_wait3A_176 = tpu.memref_slice %arg12[%dma_wait3A_174, %dma_wait3A_175] : memref<128x64xf32, #tpu.memory_space<vmem>> -> memref<128x64xf32, #tpu.memory_space<vmem>>
      %dma_wait3A_177 = arith.constant 0 : i32
      %dma_wait3A_178 = tpu.memref_slice %arg7[%add3A_129, %dma_wait3A_177] : memref<10112x64xf32, #tpu.memory_space<vmem_shared>> -> memref<128x64xf32, #tpu.memory_space<vmem_shared>>
      tpu.wait_dma2 semaphore(%run_scoped3A : memref<!tpu.dma_semaphore, #tpu.memory_space<semaphore_mem>>) src(%dma_wait3A_178 : memref<128x64xf32, #tpu.memory_space<vmem_shared>>) dst(%dma_wait3A_176 : memref<128x64xf32, #tpu.memory_space<vmem>>)
      tpu.yield
    }) : () -> ()
    %scan3A_130 = arith.constant 0 : i32
    %scan3A_131 = arith.constant 128 : i32
    %scan3A_132 = arith.addi %scan3A_130, %scan3A_131 : i32
    %scan3A_133 = arith.constant 1 : i32
    scf.for %scan3A_160 = %scan3A_130 to %scan3A_132 step %scan3A_133  : i32 {
      %mul3A_161 = arith.constant 1 : i32
      %mul3A_162 = arith.muli %scan3A_160, %mul3A_161 : i32
      %add3A_163 = arith.constant 0 : i32
      %add3A_164 = arith.addi %add3A_163, %mul3A_162 : i32
      %get3A = arith.index_cast %add3A_164 : i32 to index
      %get3A_165 = arith.constant 0 : index
      %get3A_166 = tpu.vector_load %arg12[%get3A, %get3A_165] {strides = array<i32>} : memref<128x64xf32, #tpu.memory_space<vmem>>, vector<1x16xf32>,
      %get3A_167 = vector.shape_cast %get3A_166 : vector<1x16xf32> to vector<16xf32>
      %mul3A_168 = arith.constant 0.333333343 : f32
      %mul3A_169 = vector.broadcast %mul3A_168 : f32 to vector<16xf32>
      %mul3A_170 = arith.mulf %get3A_167, %mul3A_169 : vector<16xf32>
      %swap3A = arith.index_cast %add3A_164 : i32 to index
      %swap3A_171 = arith.constant 0 : index
      %swap3A_172 = tpu.vector_load %arg12[%swap3A, %swap3A_171] {strides = array<i32>} : memref<128x64xf32, #tpu.memory_space<vmem>>, vector<1x16xf32>,
      %swap3A_173 = vector.shape_cast %swap3A_172 : vector<1x16xf32> to vector<16xf32>
      %swap3A_174 = vector.shape_cast %mul3A_170 : vector<16xf32> to vector<1x16xf32>
      tpu.vector_store %arg12[%swap3A, %swap3A_171], %swap3A_174 {strides = array<i32>} : memref<128x64xf32, #tpu.memory_space<vmem>>, vector<1x16xf32>,
      %get3A_175 = arith.index_cast %add3A_164 : i32 to index
      %get3A_176 = arith.constant 16 : index
      %get3A_177 = tpu.vector_load %arg12[%get3A_175, %get3A_176] {strides = array<i32>} : memref<128x64xf32, #tpu.memory_space<vmem>>, vector<1x16xf32>,
      %get3A_178 = vector.shape_cast %get3A_177 : vector<1x16xf32> to vector<16xf32>
      %mul3A_179 = arith.constant 0.333333343 : f32
      %mul3A_180 = vector.broadcast %mul3A_179 : f32 to vector<16xf32>
      %mul3A_181 = arith.mulf %get3A_178, %mul3A_180 : vector<16xf32>
      %swap3A_182 = arith.index_cast %add3A_164 : i32 to index
      %swap3A_183 = arith.constant 16 : index
      %swap3A_184 = tpu.vector_load %arg12[%swap3A_182, %swap3A_183] {strides = array<i32>} : memref<128x64xf32, #tpu.memory_space<vmem>>, vector<1x16xf32>,
      %swap3A_185 = vector.shape_cast %swap3A_184 : vector<1x16xf32> to vector<16xf32>
      %swap3A_186 = vector.shape_cast %mul3A_181 : vector<16xf32> to vector<1x16xf32>
      tpu.vector_store %arg12[%swap3A_182, %swap3A_183], %swap3A_186 {strides = array<i32>} : memref<128x64xf32, #tpu.memory_space<vmem>>, vector<1x16xf32>,
      %get3A_187 = arith.index_cast %add3A_164 : i32 to index
      %get3A_188 = arith.constant 32 : index
      %get3A_189 = tpu.vector_load %arg12[%get3A_187, %get3A_188] {strides = array<i32>} : memref<128x64xf32, #tpu.memory_space<vmem>>, vector<1x16xf32>,
      %get3A_190 = vector.shape_cast %get3A_189 : vector<1x16xf32> to vector<16xf32>
      %mul3A_191 = arith.constant 0.333333343 : f32
      %mul3A_192 = vector.broadcast %mul3A_191 : f32 to vector<16xf32>
      %mul3A_193 = arith.mulf %get3A_190, %mul3A_192 : vector<16xf32>
      %swap3A_194 = arith.index_cast %add3A_164 : i32 to index
      %swap3A_195 = arith.constant 32 : index
      %swap3A_196 = tpu.vector_load %arg12[%swap3A_194, %swap3A_195] {strides = array<i32>} : memref<128x64xf32, #tpu.memory_space<vmem>>, vector<1x16xf32>,
      %swap3A_197 = vector.shape_cast %swap3A_196 : vector<1x16xf32> to vector<16xf32>
      %swap3A_198 = vector.shape_cast %mul3A_193 : vector<16xf32> to vector<1x16xf32>
      tpu.vector_store %arg12[%swap3A_194, %swap3A_195], %swap3A_198 {strides = array<i32>} : memref<128x64xf32, #tpu.memory_space<vmem>>, vector<1x16xf32>,
      %get3A_199 = arith.index_cast %add3A_164 : i32 to index
      %get3A_200 = arith.constant 48 : index
      %get3A_201 = tpu.vector_load %arg12[%get3A_199, %get3A_200] {strides = array<i32>} : memref<128x64xf32, #tpu.memory_space<vmem>>, vector<1x16xf32>,
      %get3A_202 = vector.shape_cast %get3A_201 : vector<1x16xf32> to vector<16xf32>
      %mul3A_203 = arith.constant 0.333333343 : f32
      %mul3A_204 = vector.broadcast %mul3A_203 : f32 to vector<16xf32>
      %mul3A_205 = arith.mulf %get3A_202, %mul3A_204 : vector<16xf32>
      %swap3A_206 = arith.index_cast %add3A_164 : i32 to index
      %swap3A_207 = arith.constant 48 : index
      %swap3A_208 = tpu.vector_load %arg12[%swap3A_206, %swap3A_207] {strides = array<i32>} : memref<128x64xf32, #tpu.memory_space<vmem>>, vector<1x16xf32>,
      %swap3A_209 = vector.shape_cast %swap3A_208 : vector<1x16xf32> to vector<16xf32>
      %swap3A_210 = vector.shape_cast %mul3A_205 : vector<16xf32> to vector<1x16xf32>
      tpu.vector_store %arg12[%swap3A_206, %swap3A_207], %swap3A_210 {strides = array<i32>} : memref<128x64xf32, #tpu.memory_space<vmem>>, vector<1x16xf32>,
    }
    %scan3A_134 = arith.constant 128 : i32
    %mul3A_135 = arith.constant 10112 : i32
    %mul3A_136 = arith.muli %arg0, %mul3A_135 : i32
    %add3A_137 = arith.addi %mul3A_136, %add3A_129 : i32
    "tpu.region"() ({
      %run_scoped3A = tpu.sem_alloc : memref<!tpu.dma_semaphore, #tpu.memory_space<semaphore_mem>>
      %dma_start3A_160 = arith.constant 0 : i32
      %dma_start3A_161 = arith.constant 0 : i32
      %dma_start3A_162 = tpu.memref_slice %arg12[%dma_start3A_160, %dma_start3A_161] : memref<128x64xf32, #tpu.memory_space<vmem>> -> memref<128x64xf32, #tpu.memory_space<vmem>>
      %dma_start3A_163 = arith.constant 0 : i32
      %dma_start3A_164 = tpu.memref_slice %arg5[%add3A_137, %dma_start3A_163] : memref<20224x64xf32, #tpu.memory_space<hbm>> -> memref<128x64xf32, #tpu.memory_space<hbm>>
      %dma_start3A_165 = arith.constant 0 : i32
      %dma_start3A_166 = tpu.memref_slice %arg5[%add3A_137, %dma_start3A_165] : memref<20224x64xf32, #tpu.memory_space<hbm>> -> memref<128x64xf32, #tpu.memory_space<hbm>>
      %dma_start3A_167 = arith.constant 0 : i32
      %dma_start3A_168 = arith.constant 0 : i32
      %dma_start3A_169 = tpu.memref_slice %arg12[%dma_start3A_167, %dma_start3A_168] : memref<128x64xf32, #tpu.memory_space<vmem>> -> memref<128x64xf32, #tpu.memory_space<vmem>>
      tpu.enqueue_dma source(%dma_start3A_169 : memref<128x64xf32, #tpu.memory_space<vmem>>) target(%dma_start3A_166 : memref<128x64xf32, #tpu.memory_space<hbm>>) target_semaphore(%run_scoped3A : memref<!tpu.dma_semaphore, #tpu.memory_space<semaphore_mem>>)
      %dma_wait3A = arith.constant 0 : i32
      %dma_wait3A_170 = arith.constant 0 : i32
      %dma_wait3A_171 = tpu.memref_slice %arg12[%dma_wait3A, %dma_wait3A_170] : memref<128x64xf32, #tpu.memory_space<vmem>> -> memref<128x64xf32, #tpu.memory_space<vmem>>
      %dma_wait3A_172 = arith.constant 0 : i32
      %dma_wait3A_173 = tpu.memref_slice %arg5[%add3A_137, %dma_wait3A_172] : memref<20224x64xf32, #tpu.memory_space<hbm>> -> memref<128x64xf32, #tpu.memory_space<hbm>>
      %dma_wait3A_174 = arith.constant 0 : i32
      %dma_wait3A_175 = tpu.memref_slice %arg5[%add3A_137, %dma_wait3A_174] : memref<20224x64xf32, #tpu.memory_space<hbm>> -> memref<128x64xf32, #tpu.memory_space<hbm>>
      %dma_wait3A_176 = arith.constant 0 : i32
      %dma_wait3A_177 = arith.constant 0 : i32
      %dma_wait3A_178 = tpu.memref_slice %arg12[%dma_wait3A_176, %dma_wait3A_177] : memref<128x64xf32, #tpu.memory_space<vmem>> -> memref<128x64xf32, #tpu.memory_space<vmem>>
      tpu.wait_dma2 semaphore(%run_scoped3A : memref<!tpu.dma_semaphore, #tpu.memory_space<semaphore_mem>>) src(%dma_wait3A_178 : memref<128x64xf32, #tpu.memory_space<vmem>>) dst(%dma_wait3A_175 : memref<128x64xf32, #tpu.memory_space<hbm>>)
      tpu.yield
    }) : () -> ()
    %add3A_138 = arith.constant 128 : i32
    %add3A_139 = arith.addi %add3A_129, %add3A_138 : i32
    "tpu.region"() ({
      %run_scoped3A = tpu.sem_alloc : memref<!tpu.dma_semaphore, #tpu.memory_space<semaphore_mem>>
      %dma_start3A_160 = arith.constant 0 : i32
      %dma_start3A_161 = arith.constant 0 : i32
      %dma_start3A_162 = tpu.memref_slice %arg12[%dma_start3A_160, %dma_start3A_161] : memref<128x64xf32, #tpu.memory_space<vmem>> -> memref<128x64xf32, #tpu.memory_space<vmem>>
      %dma_start3A_163 = arith.constant 0 : i32
      %dma_start3A_164 = tpu.memref_slice %arg7[%add3A_139, %dma_start3A_163] : memref<10112x64xf32, #tpu.memory_space<vmem_shared>> -> memref<128x64xf32, #tpu.memory_space<vmem_shared>>
      %dma_start3A_165 = arith.constant 0 : i32
      %dma_start3A_166 = arith.constant 0 : i32
      %dma_start3A_167 = tpu.memref_slice %arg12[%dma_start3A_165, %dma_start3A_166] : memref<128x64xf32, #tpu.memory_space<vmem>> -> memref<128x64xf32, #tpu.memory_space<vmem>>
      %dma_start3A_168 = arith.constant 0 : i32
      %dma_start3A_169 = tpu.memref_slice %arg7[%add3A_139, %dma_start3A_168] : memref<10112x64xf32, #tpu.memory_space<vmem_shared>> -> memref<128x64xf32, #tpu.memory_space<vmem_shared>>
      tpu.enqueue_dma source(%dma_start3A_169 : memref<128x64xf32, #tpu.memory_space<vmem_shared>>) target(%dma_start3A_167 : memref<128x64xf32, #tpu.memory_space<vmem>>) target_semaphore(%run_scoped3A : memref<!tpu.dma_semaphore, #tpu.memory_space<semaphore_mem>>)
      %dma_wait3A = arith.constant 0 : i32
      %dma_wait3A_170 = arith.constant 0 : i32
      %dma_wait3A_171 = tpu.memref_slice %arg12[%dma_wait3A, %dma_wait3A_170] : memref<128x64xf32, #tpu.memory_space<vmem>> -> memref<128x64xf32, #tpu.memory_space<vmem>>
      %dma_wait3A_172 = arith.constant 0 : i32
      %dma_wait3A_173 = tpu.memref_slice %arg7[%add3A_139, %dma_wait3A_172] : memref<10112x64xf32, #tpu.memory_space<vmem_shared>> -> memref<128x64xf32, #tpu.memory_space<vmem_shared>>
      %dma_wait3A_174 = arith.constant 0 : i32
      %dma_wait3A_175 = arith.constant 0 : i32
      %dma_wait3A_176 = tpu.memref_slice %arg12[%dma_wait3A_174, %dma_wait3A_175] : memref<128x64xf32, #tpu.memory_space<vmem>> -> memref<128x64xf32, #tpu.memory_space<vmem>>
      %dma_wait3A_177 = arith.constant 0 : i32
      %dma_wait3A_178 = tpu.memref_slice %arg7[%add3A_139, %dma_wait3A_177] : memref<10112x64xf32, #tpu.memory_space<vmem_shared>> -> memref<128x64xf32, #tpu.memory_space<vmem_shared>>
      tpu.wait_dma2 semaphore(%run_scoped3A : memref<!tpu.dma_semaphore, #tpu.memory_space<semaphore_mem>>) src(%dma_wait3A_178 : memref<128x64xf32, #tpu.memory_space<vmem_shared>>) dst(%dma_wait3A_176 : memref<128x64xf32, #tpu.memory_space<vmem>>)
      tpu.yield
    }) : () -> ()
    %scan3A_140 = arith.constant 0 : i32
    %scan3A_141 = arith.constant 128 : i32
    %scan3A_142 = arith.addi %scan3A_140, %scan3A_141 : i32
    %scan3A_143 = arith.constant 1 : i32
    scf.for %scan3A_160 = %scan3A_140 to %scan3A_142 step %scan3A_143  : i32 {
      %mul3A_161 = arith.constant 1 : i32
      %mul3A_162 = arith.muli %scan3A_160, %mul3A_161 : i32
      %add3A_163 = arith.constant 0 : i32
      %add3A_164 = arith.addi %add3A_163, %mul3A_162 : i32
      %get3A = arith.index_cast %add3A_164 : i32 to index
      %get3A_165 = arith.constant 0 : index
      %get3A_166 = tpu.vector_load %arg12[%get3A, %get3A_165] {strides = array<i32>} : memref<128x64xf32, #tpu.memory_space<vmem>>, vector<1x16xf32>,
      %get3A_167 = vector.shape_cast %get3A_166 : vector<1x16xf32> to vector<16xf32>
      %mul3A_168 = arith.constant 0.333333343 : f32
      %mul3A_169 = vector.broadcast %mul3A_168 : f32 to vector<16xf32>
      %mul3A_170 = arith.mulf %get3A_167, %mul3A_169 : vector<16xf32>
      %swap3A = arith.index_cast %add3A_164 : i32 to index
      %swap3A_171 = arith.constant 0 : index
      %swap3A_172 = tpu.vector_load %arg12[%swap3A, %swap3A_171] {strides = array<i32>} : memref<128x64xf32, #tpu.memory_space<vmem>>, vector<1x16xf32>,
      %swap3A_173 = vector.shape_cast %swap3A_172 : vector<1x16xf32> to vector<16xf32>
      %swap3A_174 = vector.shape_cast %mul3A_170 : vector<16xf32> to vector<1x16xf32>
      tpu.vector_store %arg12[%swap3A, %swap3A_171], %swap3A_174 {strides = array<i32>} : memref<128x64xf32, #tpu.memory_space<vmem>>, vector<1x16xf32>,
      %get3A_175 = arith.index_cast %add3A_164 : i32 to index
      %get3A_176 = arith.constant 16 : index
      %get3A_177 = tpu.vector_load %arg12[%get3A_175, %get3A_176] {strides = array<i32>} : memref<128x64xf32, #tpu.memory_space<vmem>>, vector<1x16xf32>,
      %get3A_178 = vector.shape_cast %get3A_177 : vector<1x16xf32> to vector<16xf32>
      %mul3A_179 = arith.constant 0.333333343 : f32
      %mul3A_180 = vector.broadcast %mul3A_179 : f32 to vector<16xf32>
      %mul3A_181 = arith.mulf %get3A_178, %mul3A_180 : vector<16xf32>
      %swap3A_182 = arith.index_cast %add3A_164 : i32 to index
      %swap3A_183 = arith.constant 16 : index
      %swap3A_184 = tpu.vector_load %arg12[%swap3A_182, %swap3A_183] {strides = array<i32>} : memref<128x64xf32, #tpu.memory_space<vmem>>, vector<1x16xf32>,
      %swap3A_185 = vector.shape_cast %swap3A_184 : vector<1x16xf32> to vector<16xf32>
      %swap3A_186 = vector.shape_cast %mul3A_181 : vector<16xf32> to vector<1x16xf32>
      tpu.vector_store %arg12[%swap3A_182, %swap3A_183], %swap3A_186 {strides = array<i32>} : memref<128x64xf32, #tpu.memory_space<vmem>>, vector<1x16xf32>,
      %get3A_187 = arith.index_cast %add3A_164 : i32 to index
      %get3A_188 = arith.constant 32 : index
      %get3A_189 = tpu.vector_load %arg12[%get3A_187, %get3A_188] {strides = array<i32>} : memref<128x64xf32, #tpu.memory_space<vmem>>, vector<1x16xf32>,
      %get3A_190 = vector.shape_cast %get3A_189 : vector<1x16xf32> to vector<16xf32>
      %mul3A_191 = arith.constant 0.333333343 : f32
      %mul3A_192 = vector.broadcast %mul3A_191 : f32 to vector<16xf32>
      %mul3A_193 = arith.mulf %get3A_190, %mul3A_192 : vector<16xf32>
      %swap3A_194 = arith.index_cast %add3A_164 : i32 to index
      %swap3A_195 = arith.constant 32 : index
      %swap3A_196 = tpu.vector_load %arg12[%swap3A_194, %swap3A_195] {strides = array<i32>} : memref<128x64xf32, #tpu.memory_space<vmem>>, vector<1x16xf32>,
      %swap3A_197 = vector.shape_cast %swap3A_196 : vector<1x16xf32> to vector<16xf32>
      %swap3A_198 = vector.shape_cast %mul3A_193 : vector<16xf32> to vector<1x16xf32>
      tpu.vector_store %arg12[%swap3A_194, %swap3A_195], %swap3A_198 {strides = array<i32>} : memref<128x64xf32, #tpu.memory_space<vmem>>, vector<1x16xf32>,
      %get3A_199 = arith.index_cast %add3A_164 : i32 to index
      %get3A_200 = arith.constant 48 : index
      %get3A_201 = tpu.vector_load %arg12[%get3A_199, %get3A_200] {strides = array<i32>} : memref<128x64xf32, #tpu.memory_space<vmem>>, vector<1x16xf32>,
      %get3A_202 = vector.shape_cast %get3A_201 : vector<1x16xf32> to vector<16xf32>
      %mul3A_203 = arith.constant 0.333333343 : f32
      %mul3A_204 = vector.broadcast %mul3A_203 : f32 to vector<16xf32>
      %mul3A_205 = arith.mulf %get3A_202, %mul3A_204 : vector<16xf32>
      %swap3A_206 = arith.index_cast %add3A_164 : i32 to index
      %swap3A_207 = arith.constant 48 : index
      %swap3A_208 = tpu.vector_load %arg12[%swap3A_206, %swap3A_207] {strides = array<i32>} : memref<128x64xf32, #tpu.memory_space<vmem>>, vector<1x16xf32>,
      %swap3A_209 = vector.shape_cast %swap3A_208 : vector<1x16xf32> to vector<16xf32>
      %swap3A_210 = vector.shape_cast %mul3A_205 : vector<16xf32> to vector<1x16xf32>
      tpu.vector_store %arg12[%swap3A_206, %swap3A_207], %swap3A_210 {strides = array<i32>} : memref<128x64xf32, #tpu.memory_space<vmem>>, vector<1x16xf32>,
    }
    %scan3A_144 = arith.constant 128 : i32
    %mul3A_145 = arith.constant 10112 : i32
    %mul3A_146 = arith.muli %arg0, %mul3A_145 : i32
    %add3A_147 = arith.addi %mul3A_146, %add3A_139 : i32
    "tpu.region"() ({
      %run_scoped3A = tpu.sem_alloc : memref<!tpu.dma_semaphore, #tpu.memory_space<semaphore_mem>>
      %dma_start3A_160 = arith.constant 0 : i32
      %dma_start3A_161 = arith.constant 0 : i32
      %dma_start3A_162 = tpu.memref_slice %arg12[%dma_start3A_160, %dma_start3A_161] : memref<128x64xf32, #tpu.memory_space<vmem>> -> memref<128x64xf32, #tpu.memory_space<vmem>>
      %dma_start3A_163 = arith.constant 0 : i32
      %dma_start3A_164 = tpu.memref_slice %arg5[%add3A_147, %dma_start3A_163] : memref<20224x64xf32, #tpu.memory_space<hbm>> -> memref<128x64xf32, #tpu.memory_space<hbm>>
      %dma_start3A_165 = arith.constant 0 : i32
      %dma_start3A_166 = tpu.memref_slice %arg5[%add3A_147, %dma_start3A_165] : memref<20224x64xf32, #tpu.memory_space<hbm>> -> memref<128x64xf32, #tpu.memory_space<hbm>>
      %dma_start3A_167 = arith.constant 0 : i32
      %dma_start3A_168 = arith.constant 0 : i32
      %dma_start3A_169 = tpu.memref_slice %arg12[%dma_start3A_167, %dma_start3A_168] : memref<128x64xf32, #tpu.memory_space<vmem>> -> memref<128x64xf32, #tpu.memory_space<vmem>>
      tpu.enqueue_dma source(%dma_start3A_169 : memref<128x64xf32, #tpu.memory_space<vmem>>) target(%dma_start3A_166 : memref<128x64xf32, #tpu.memory_space<hbm>>) target_semaphore(%run_scoped3A : memref<!tpu.dma_semaphore, #tpu.memory_space<semaphore_mem>>)
      %dma_wait3A = arith.constant 0 : i32
      %dma_wait3A_170 = arith.constant 0 : i32
      %dma_wait3A_171 = tpu.memref_slice %arg12[%dma_wait3A, %dma_wait3A_170] : memref<128x64xf32, #tpu.memory_space<vmem>> -> memref<128x64xf32, #tpu.memory_space<vmem>>
      %dma_wait3A_172 = arith.constant 0 : i32
      %dma_wait3A_173 = tpu.memref_slice %arg5[%add3A_147, %dma_wait3A_172] : memref<20224x64xf32, #tpu.memory_space<hbm>> -> memref<128x64xf32, #tpu.memory_space<hbm>>
      %dma_wait3A_174 = arith.constant 0 : i32
      %dma_wait3A_175 = tpu.memref_slice %arg5[%add3A_147, %dma_wait3A_174] : memref<20224x64xf32, #tpu.memory_space<hbm>> -> memref<128x64xf32, #tpu.memory_space<hbm>>
      %dma_wait3A_176 = arith.constant 0 : i32
      %dma_wait3A_177 = arith.constant 0 : i32
      %dma_wait3A_178 = tpu.memref_slice %arg12[%dma_wait3A_176, %dma_wait3A_177] : memref<128x64xf32, #tpu.memory_space<vmem>> -> memref<128x64xf32, #tpu.memory_space<vmem>>
      tpu.wait_dma2 semaphore(%run_scoped3A : memref<!tpu.dma_semaphore, #tpu.memory_space<semaphore_mem>>) src(%dma_wait3A_178 : memref<128x64xf32, #tpu.memory_space<vmem>>) dst(%dma_wait3A_175 : memref<128x64xf32, #tpu.memory_space<hbm>>)
      tpu.yield
    }) : () -> ()
    %add3A_148 = arith.constant 128 : i32
    %add3A_149 = arith.addi %add3A_139, %add3A_148 : i32
    "tpu.region"() ({
      %run_scoped3A = tpu.sem_alloc : memref<!tpu.dma_semaphore, #tpu.memory_space<semaphore_mem>>
      %dma_start3A_160 = arith.constant 0 : i32
      %dma_start3A_161 = arith.constant 0 : i32
      %dma_start3A_162 = tpu.memref_slice %arg12[%dma_start3A_160, %dma_start3A_161] : memref<128x64xf32, #tpu.memory_space<vmem>> -> memref<120x64xf32, #tpu.memory_space<vmem>>
      %dma_start3A_163 = arith.constant 0 : i32
      %dma_start3A_164 = tpu.memref_slice %arg7[%add3A_149, %dma_start3A_163] : memref<10112x64xf32, #tpu.memory_space<vmem_shared>> -> memref<120x64xf32, #tpu.memory_space<vmem_shared>>
      %dma_start3A_165 = arith.constant 0 : i32
      %dma_start3A_166 = arith.constant 0 : i32
      %dma_start3A_167 = tpu.memref_slice %arg12[%dma_start3A_165, %dma_start3A_166] : memref<128x64xf32, #tpu.memory_space<vmem>> -> memref<120x64xf32, #tpu.memory_space<vmem>>
      %dma_start3A_168 = arith.constant 0 : i32
      %dma_start3A_169 = tpu.memref_slice %arg7[%add3A_149, %dma_start3A_168] : memref<10112x64xf32, #tpu.memory_space<vmem_shared>> -> memref<120x64xf32, #tpu.memory_space<vmem_shared>>
      tpu.enqueue_dma source(%dma_start3A_169 : memref<120x64xf32, #tpu.memory_space<vmem_shared>>) target(%dma_start3A_167 : memref<120x64xf32, #tpu.memory_space<vmem>>) target_semaphore(%run_scoped3A : memref<!tpu.dma_semaphore, #tpu.memory_space<semaphore_mem>>)
      %dma_wait3A = arith.constant 0 : i32
      %dma_wait3A_170 = arith.constant 0 : i32
      %dma_wait3A_171 = tpu.memref_slice %arg12[%dma_wait3A, %dma_wait3A_170] : memref<128x64xf32, #tpu.memory_space<vmem>> -> memref<120x64xf32, #tpu.memory_space<vmem>>
      %dma_wait3A_172 = arith.constant 0 : i32
      %dma_wait3A_173 = tpu.memref_slice %arg7[%add3A_149, %dma_wait3A_172] : memref<10112x64xf32, #tpu.memory_space<vmem_shared>> -> memref<120x64xf32, #tpu.memory_space<vmem_shared>>
      %dma_wait3A_174 = arith.constant 0 : i32
      %dma_wait3A_175 = arith.constant 0 : i32
      %dma_wait3A_176 = tpu.memref_slice %arg12[%dma_wait3A_174, %dma_wait3A_175] : memref<128x64xf32, #tpu.memory_space<vmem>> -> memref<120x64xf32, #tpu.memory_space<vmem>>
      %dma_wait3A_177 = arith.constant 0 : i32
      %dma_wait3A_178 = tpu.memref_slice %arg7[%add3A_149, %dma_wait3A_177] : memref<10112x64xf32, #tpu.memory_space<vmem_shared>> -> memref<120x64xf32, #tpu.memory_space<vmem_shared>>
      tpu.wait_dma2 semaphore(%run_scoped3A : memref<!tpu.dma_semaphore, #tpu.memory_space<semaphore_mem>>) src(%dma_wait3A_178 : memref<120x64xf32, #tpu.memory_space<vmem_shared>>) dst(%dma_wait3A_176 : memref<120x64xf32, #tpu.memory_space<vmem>>)
      tpu.yield
    }) : () -> ()
    %scan3A_150 = arith.constant 0 : i32
    %scan3A_151 = arith.constant 120 : i32
    %scan3A_152 = arith.addi %scan3A_150, %scan3A_151 : i32
    %scan3A_153 = arith.constant 1 : i32
    scf.for %scan3A_160 = %scan3A_150 to %scan3A_152 step %scan3A_153  : i32 {
      %mul3A_161 = arith.constant 1 : i32
      %mul3A_162 = arith.muli %scan3A_160, %mul3A_161 : i32
      %add3A_163 = arith.constant 0 : i32
      %add3A_164 = arith.addi %add3A_163, %mul3A_162 : i32
      %get3A = arith.index_cast %add3A_164 : i32 to index
      %get3A_165 = arith.constant 0 : index
      %get3A_166 = tpu.vector_load %arg12[%get3A, %get3A_165] {strides = array<i32>} : memref<128x64xf32, #tpu.memory_space<vmem>>, vector<1x16xf32>,
      %get3A_167 = vector.shape_cast %get3A_166 : vector<1x16xf32> to vector<16xf32>
      %mul3A_168 = arith.constant 0.333333343 : f32
      %mul3A_169 = vector.broadcast %mul3A_168 : f32 to vector<16xf32>
      %mul3A_170 = arith.mulf %get3A_167, %mul3A_169 : vector<16xf32>
      %swap3A = arith.index_cast %add3A_164 : i32 to index
      %swap3A_171 = arith.constant 0 : index
      %swap3A_172 = tpu.vector_load %arg12[%swap3A, %swap3A_171] {strides = array<i32>} : memref<128x64xf32, #tpu.memory_space<vmem>>, vector<1x16xf32>,
      %swap3A_173 = vector.shape_cast %swap3A_172 : vector<1x16xf32> to vector<16xf32>
      %swap3A_174 = vector.shape_cast %mul3A_170 : vector<16xf32> to vector<1x16xf32>
      tpu.vector_store %arg12[%swap3A, %swap3A_171], %swap3A_174 {strides = array<i32>} : memref<128x64xf32, #tpu.memory_space<vmem>>, vector<1x16xf32>,
      %get3A_175 = arith.index_cast %add3A_164 : i32 to index
      %get3A_176 = arith.constant 16 : index
      %get3A_177 = tpu.vector_load %arg12[%get3A_175, %get3A_176] {strides = array<i32>} : memref<128x64xf32, #tpu.memory_space<vmem>>, vector<1x16xf32>,
      %get3A_178 = vector.shape_cast %get3A_177 : vector<1x16xf32> to vector<16xf32>
      %mul3A_179 = arith.constant 0.333333343 : f32
      %mul3A_180 = vector.broadcast %mul3A_179 : f32 to vector<16xf32>
      %mul3A_181 = arith.mulf %get3A_178, %mul3A_180 : vector<16xf32>
      %swap3A_182 = arith.index_cast %add3A_164 : i32 to index
      %swap3A_183 = arith.constant 16 : index
      %swap3A_184 = tpu.vector_load %arg12[%swap3A_182, %swap3A_183] {strides = array<i32>} : memref<128x64xf32, #tpu.memory_space<vmem>>, vector<1x16xf32>,
      %swap3A_185 = vector.shape_cast %swap3A_184 : vector<1x16xf32> to vector<16xf32>
      %swap3A_186 = vector.shape_cast %mul3A_181 : vector<16xf32> to vector<1x16xf32>
      tpu.vector_store %arg12[%swap3A_182, %swap3A_183], %swap3A_186 {strides = array<i32>} : memref<128x64xf32, #tpu.memory_space<vmem>>, vector<1x16xf32>,
      %get3A_187 = arith.index_cast %add3A_164 : i32 to index
      %get3A_188 = arith.constant 32 : index
      %get3A_189 = tpu.vector_load %arg12[%get3A_187, %get3A_188] {strides = array<i32>} : memref<128x64xf32, #tpu.memory_space<vmem>>, vector<1x16xf32>,
      %get3A_190 = vector.shape_cast %get3A_189 : vector<1x16xf32> to vector<16xf32>
      %mul3A_191 = arith.constant 0.333333343 : f32
      %mul3A_192 = vector.broadcast %mul3A_191 : f32 to vector<16xf32>
      %mul3A_193 = arith.mulf %get3A_190, %mul3A_192 : vector<16xf32>
      %swap3A_194 = arith.index_cast %add3A_164 : i32 to index
      %swap3A_195 = arith.constant 32 : index
      %swap3A_196 = tpu.vector_load %arg12[%swap3A_194, %swap3A_195] {strides = array<i32>} : memref<128x64xf32, #tpu.memory_space<vmem>>, vector<1x16xf32>,
      %swap3A_197 = vector.shape_cast %swap3A_196 : vector<1x16xf32> to vector<16xf32>
      %swap3A_198 = vector.shape_cast %mul3A_193 : vector<16xf32> to vector<1x16xf32>
      tpu.vector_store %arg12[%swap3A_194, %swap3A_195], %swap3A_198 {strides = array<i32>} : memref<128x64xf32, #tpu.memory_space<vmem>>, vector<1x16xf32>,
      %get3A_199 = arith.index_cast %add3A_164 : i32 to index
      %get3A_200 = arith.constant 48 : index
      %get3A_201 = tpu.vector_load %arg12[%get3A_199, %get3A_200] {strides = array<i32>} : memref<128x64xf32, #tpu.memory_space<vmem>>, vector<1x16xf32>,
      %get3A_202 = vector.shape_cast %get3A_201 : vector<1x16xf32> to vector<16xf32>
      %mul3A_203 = arith.constant 0.333333343 : f32
      %mul3A_204 = vector.broadcast %mul3A_203 : f32 to vector<16xf32>
      %mul3A_205 = arith.mulf %get3A_202, %mul3A_204 : vector<16xf32>
      %swap3A_206 = arith.index_cast %add3A_164 : i32 to index
      %swap3A_207 = arith.constant 48 : index
      %swap3A_208 = tpu.vector_load %arg12[%swap3A_206, %swap3A_207] {strides = array<i32>} : memref<128x64xf32, #tpu.memory_space<vmem>>, vector<1x16xf32>,
      %swap3A_209 = vector.shape_cast %swap3A_208 : vector<1x16xf32> to vector<16xf32>
      %swap3A_210 = vector.shape_cast %mul3A_205 : vector<16xf32> to vector<1x16xf32>
      tpu.vector_store %arg12[%swap3A_206, %swap3A_207], %swap3A_210 {strides = array<i32>} : memref<128x64xf32, #tpu.memory_space<vmem>>, vector<1x16xf32>,
    }
    %scan3A_154 = arith.constant 120 : i32
    %mul3A_155 = arith.constant 10112 : i32
    %mul3A_156 = arith.muli %arg0, %mul3A_155 : i32
    %add3A_157 = arith.addi %mul3A_156, %add3A_149 : i32
    "tpu.region"() ({
      %run_scoped3A = tpu.sem_alloc : memref<!tpu.dma_semaphore, #tpu.memory_space<semaphore_mem>>
      %dma_start3A_160 = arith.constant 0 : i32
      %dma_start3A_161 = arith.constant 0 : i32
      %dma_start3A_162 = tpu.memref_slice %arg12[%dma_start3A_160, %dma_start3A_161] : memref<128x64xf32, #tpu.memory_space<vmem>> -> memref<120x64xf32, #tpu.memory_space<vmem>>
      %dma_start3A_163 = arith.constant 0 : i32
      %dma_start3A_164 = tpu.memref_slice %arg5[%add3A_157, %dma_start3A_163] : memref<20224x64xf32, #tpu.memory_space<hbm>> -> memref<120x64xf32, #tpu.memory_space<hbm>>
      %dma_start3A_165 = arith.constant 0 : i32
      %dma_start3A_166 = tpu.memref_slice %arg5[%add3A_157, %dma_start3A_165] : memref<20224x64xf32, #tpu.memory_space<hbm>> -> memref<120x64xf32, #tpu.memory_space<hbm>>
      %dma_start3A_167 = arith.constant 0 : i32
      %dma_start3A_168 = arith.constant 0 : i32
      %dma_start3A_169 = tpu.memref_slice %arg12[%dma_start3A_167, %dma_start3A_168] : memref<128x64xf32, #tpu.memory_space<vmem>> -> memref<120x64xf32, #tpu.memory_space<vmem>>
      tpu.enqueue_dma source(%dma_start3A_169 : memref<120x64xf32, #tpu.memory_space<vmem>>) target(%dma_start3A_166 : memref<120x64xf32, #tpu.memory_space<hbm>>) target_semaphore(%run_scoped3A : memref<!tpu.dma_semaphore, #tpu.memory_space<semaphore_mem>>)
      %dma_wait3A = arith.constant 0 : i32
      %dma_wait3A_170 = arith.constant 0 : i32
      %dma_wait3A_171 = tpu.memref_slice %arg12[%dma_wait3A, %dma_wait3A_170] : memref<128x64xf32, #tpu.memory_space<vmem>> -> memref<120x64xf32, #tpu.memory_space<vmem>>
      %dma_wait3A_172 = arith.constant 0 : i32
      %dma_wait3A_173 = tpu.memref_slice %arg5[%add3A_157, %dma_wait3A_172] : memref<20224x64xf32, #tpu.memory_space<hbm>> -> memref<120x64xf32, #tpu.memory_space<hbm>>
      %dma_wait3A_174 = arith.constant 0 : i32
      %dma_wait3A_175 = tpu.memref_slice %arg5[%add3A_157, %dma_wait3A_174] : memref<20224x64xf32, #tpu.memory_space<hbm>> -> memref<120x64xf32, #tpu.memory_space<hbm>>
      %dma_wait3A_176 = arith.constant 0 : i32
      %dma_wait3A_177 = arith.constant 0 : i32
      %dma_wait3A_178 = tpu.memref_slice %arg12[%dma_wait3A_176, %dma_wait3A_177] : memref<128x64xf32, #tpu.memory_space<vmem>> -> memref<120x64xf32, #tpu.memory_space<vmem>>
      tpu.wait_dma2 semaphore(%run_scoped3A : memref<!tpu.dma_semaphore, #tpu.memory_space<semaphore_mem>>) src(%dma_wait3A_178 : memref<120x64xf32, #tpu.memory_space<vmem>>) dst(%dma_wait3A_175 : memref<120x64xf32, #tpu.memory_space<hbm>>)
      tpu.yield
    }) : () -> ()
    %add3A_158 = arith.constant 120 : i32
    %add3A_159 = arith.addi %add3A_149, %add3A_158 : i32
    return
  }
}

</mosaic_0001>

<sc_bundles>
// kernel: kernel.3.cloned.1.call-start
scs
__scs_entry_jumppad:
0x0: {  	(pc) =	sbr.rel $0x88, $3  }
0x1: {  	(tag) =	ssettag $0x0;
	lr =	simm.s32 $0x1  }
0x2: {  	[smem:$0x3F9F] =	sst lr;
	_ =	strace $0xD0000000  }
0x3: {  	_ = 	snop  }
0x4: {  	_ = 	snop  }
0x5: {  	_ = 	snop  }
0x6: {  	_ = 	snop  }
0x7: {  	_ = 	snop  }
__scs_overlays_trampoline_lowered:
0x8: {  	[smem:$0x3FAE] =	sst s0  }
0x9: {  	[smem:$0x3FAF] =	sst s1  }
0xa: {  	[smem:$0x3FB0] =	sst s2  }
0xb: {  	[smem:$0x3FB1] =	sst s3  }
0xc: {  	[smem:$0x3FB2] =	sst s4  }
0xd: {  	[smem:$0x3FB3] =	sst s5  }
0xe: {  	[smem:$0x3FB4] =	sst s6  }
0xf: {  	[smem:$0x3FB5] =	sst s7  }
0x10: {  	[smem:$0x3FB6] =	sst s8  }
0x11: {  	[smem:$0x3FB7] =	sst s9;
	s0 =	simm.s32 @!p0 $0x0  }
0x12: {  	s1 =	sld [smem:$0x3F9D];
	s0 =	simm.s32 @p0 $0x1  }
0x13: {  	[smem:$0x3FB8] =	sst s0;
	s0 =	simm.s32 @!p1 $0x0  }
0x14: {  	s2 =	sld [smem:$0x3F9C];
	s0 =	simm.s32 @p1 $0x1  }
0x15: {  	[smem:$0x3FB9] =	sst s0;
	s0 =	simm.s32 @!p2 $0x0  }
0x16: {  	s3 =	sld [smem:$0x3FDB];
	s0 =	simm.s32 @p2 $0x1  }
0x17: {  	s4 =	simm.s32 $0x1BF5;
	[smem:$0x3FBB] =	sst s0  }
0x18: {  	s0 =	sld [smem:$0x3F9E];
	_ =	swait.ge [sflag:s4], $0x0  }
0x19: {  	s7 =	sld [smem:$0x3F9F]  }
0x1a: {  	s8 =	sadd.s32 $0xFFFFE003, lr  }
0x1b: {  	s9 =	sadd.s32 $0xFFFFFEF7, lr;
	s5 =	simm.s32 $0xFFFFFFFF;
	p2 =	slt.u32 s8, $0xFFFFF086  }
0x1c: {  	p1 =	slt.u32 s9, $0xF7A;
	s5 =	simm.s32 @!p2 $0x0  }
0x1d: {  	s5 =	simm.s32 @p1 $0x1;
	p0 =	seq.s32 s7, s2  }
0x1e: {  	s7 =	smul.u32 @!p0 $0xF7A, s2;
	p2 =	seq.s32 @!p0 s5, $0x0  }
0x1f: {  	s9 =	smul.u32 $0xF7A, s1;
	s8 =	simm.s32 @!p0 $0x1BF5;
	p2 =	por !p2, p0  }
0x20: {  	[sflag:s8] =	ssyncset.s32 @!p0 $0xFFFFF086;
	s6 =	sadd.s32 @!p0 s3, s7;
	s7 =	simm.s32 @!p0 $0x108  }
0x21: {  	s3 =	sadd.s32 s3, s9;
	s6 =	sadd.s32 @!p0 $0x88, s6;
	s7 =	simm.s32 @p2 $0x1082  }
0x22: {  	[simem:s7], [sflag:s8] =	dma.local @!p0 [hbm:s6], $0xF7A  }
0x23: {  	s9 =	sor.u32 $0xD0000000, s2;
	s6 =	simm.s32 $0x108;
	_ =	swait.ge @!p0 [sflag:s8], $0x0  }
0x24: {  	s3 =	sadd.s32 $0x88, s3;
	s6 =	simm.s32 @!p1 $0x1082;
	[sflag:s4] =	ssyncset.s32 $0xFFFFF086  }
0x25: {  	[simem:s6], [sflag:s4] =	dma.local [hbm:s3], $0xF7A  }
0x26: {  	[smem:$0x3F9F] =	sst s1;
	(tag) =	ssettag s2;
	_ =	strace s9  }
0x27: {  	s1 =	sld [smem:$0x3FAF]  }
0x28: {  	s2 =	sld [smem:$0x3FB0]  }
0x29: {  	s4 =	sld [smem:$0x3FB2]  }
0x2a: {  	p0 =	seq.s32 s5, $0x0;
	s5 =	sld [smem:$0x3FB3]  }
0x2b: {  	s6 =	sld [smem:$0x3FB4]  }
0x2c: {  	s7 =	sld [smem:$0x3FB5]  }
0x2d: {  	s3 =	simm.s32 $0x108;
	s8 =	sld [smem:$0x3FB6]  }
0x2e: {  	s3 =	simm.s32 @!p0 $0x1082;
	s9 =	sld [smem:$0x3FB7]  }
0x2f: {  	lr =	sadd.s32 s0, s3;
	s0 =	sld [smem:$0x3FAE]  }
0x30: {  	s3 =	sld [smem:$0x3FB1]  }
0x31: {  	[smem:$0x3FBA] =	sst s10  }
0x32: {  	s10 =	sld [smem:$0x3FB8];
	_ =	sdelay $0x3  }
0x33: {  	p0 =	seq.s32 s10, $0x1;
	s10 =	sld [smem:$0x3FBA];
	_ =	sdelay $0x3  }
0x34: {  	[smem:$0x3FBA] =	sst s10  }
0x35: {  	s10 =	sld [smem:$0x3FB9];
	_ =	sdelay $0x3  }
0x36: {  	p1 =	seq.s32 s10, $0x1;
	s10 =	sld [smem:$0x3FBA];
	_ =	sdelay $0x3  }
0x37: {  	[smem:$0x3FBA] =	sst s10  }
0x38: {  	s10 =	sld [smem:$0x3FBB]  }
0x39: {  	_ = 	snop;
	(pc) =	sbr.ind lr, $3  }
0x3a: {  	_ = 	snop  }
0x3b: {  	_ = 	snop  }
0x3c: {  	p2 =	seq.s32 s10, $0x1;
	s10 =	sld [smem:$0x3FBA]  }
0x3d: {  	_ =	shalt  }
0x3e: {  	_ =	shalt  }
0x3f: {  	_ =	shalt  }
0x40: {  	_ =	shalt  }
0x41: {  	_ =	shalt  }
0x42: {  	_ =	shalt  }
0x43: {  	_ =	shalt  }
0x44: {  	_ =	shalt  }
0x45: {  	_ =	shalt  }
0x46: {  	_ =	shalt  }
0x47: {  	_ =	shalt  }
0x48: {  	_ =	shalt  }
0x49: {  	_ =	shalt  }
0x4a: {  	_ =	shalt  }
0x4b: {  	_ =	shalt  }
0x4c: {  	_ =	shalt  }
0x4d: {  	_ =	shalt  }
0x4e: {  	_ =	shalt  }
0x4f: {  	_ =	shalt  }
0x50: {  	_ =	shalt  }
0x51: {  	_ =	shalt  }
0x52: {  	_ =	shalt  }
0x53: {  	_ =	shalt  }
0x54: {  	_ =	shalt  }
0x55: {  	_ =	shalt  }
0x56: {  	_ =	shalt  }
0x57: {  	_ =	shalt  }
0x58: {  	_ =	shalt  }
0x59: {  	_ =	shalt  }
0x5a: {  	_ =	shalt  }
0x5b: {  	_ =	shalt  }
0x5c: {  	_ =	shalt  }
0x5d: {  	_ =	shalt  }
0x5e: {  	_ =	shalt  }
0x5f: {  	_ =	shalt  }
0x60: {  	_ =	shalt  }
0x61: {  	_ =	shalt  }
0x62: {  	_ =	shalt  }
0x63: {  	_ =	shalt  }
0x64: {  	_ =	shalt  }
0x65: {  	_ =	shalt  }
0x66: {  	_ =	shalt  }
0x67: {  	_ =	shalt  }
0x68: {  	_ =	shalt  }
0x69: {  	_ =	shalt  }
0x6a: {  	_ =	shalt  }
0x6b: {  	_ =	shalt  }
0x6c: {  	_ =	shalt  }
0x6d: {  	_ =	shalt  }
0x6e: {  	_ =	shalt  }
0x6f: {  	_ =	shalt  }
0x70: {  	_ =	shalt  }
0x71: {  	_ =	shalt  }
0x72: {  	_ =	shalt  }
0x73: {  	_ =	shalt  }
0x74: {  	_ =	shalt  }
0x75: {  	_ =	shalt  }
0x76: {  	_ =	shalt  }
0x77: {  	_ =	shalt  }
0x78: {  	_ =	shalt  }
0x79: {  	_ =	shalt  }
0x7a: {  	_ =	shalt  }
0x7b: {  	_ =	shalt  }
0x7c: {  	_ =	shalt  }
0x7d: {  	_ =	shalt  }
0x7e: {  	_ =	shalt  }
0x7f: {  	_ =	shalt  }
0x80: {  	_ =	shalt  }
0x81: {  	_ =	shalt  }
0x82: {  	_ =	shalt  }
0x83: {  	_ =	shalt  }
0x84: {  	_ =	shalt  }
0x85: {  	_ =	shalt  }
0x86: {  	_ =	shalt  }
0x87: {  	_ =	shalt  }
.Lfunc_end0:
.L_simem_size_0:
called_computation_lowered:
.L_overlay_start_0:
0x88: {  	s2 =	sld [smem:$0x3FD9]  }
0x89: {  	s3 =	sld [smem:$0x3FFE];
	_ =	sdelay $0x1  }
0x8a: {  	s1 =	srdreg.scid  }
0x8b: {  	s0 =	sand.u32 $0x1, s1  }
0x8c: {  	s17 =	sshll.u32 s0, $0xA;
	s2 =	sadd.s32 s3, s2  }
0x8d: {  	s2 =	sadd.s32 s2, s17  }
0x8e: {  	[smem:$0x3FC6] =	sst s2  }
0x8f: {  	_ = 	snop  }
0x90: {  	s2 =	sld [smem:$0x3FD0];
	(tm) =	ssettm $0x1  }
0x91: {  	s18 =	sld [smem:$0x3FFB];
	_ =	sdelay $0x3  }
0x92: {  	_ =	strace s18  }
0x93: {  	s3 =	sld [smem:$0x3FFC];
	_ =	sdelay $0x3  }
0x94: {  	_ =	strace s3  }
0x95: {  	s3 =	sld [smem:$0x3FFD];
	_ =	sdelay $0x3  }
0x96: {  	_ =	strace s3  }
0x97: {  	_ =	strace $0x8FFFFFFF  }
0x98: {  	s19 =	sld [smem:$0x3FDB];
	_ =	sdelay $0x1  }
0x99: {  	s4 =	simm.s32 $_scs_section_size  }
0x9a: {  	s5 =	simm.s32 $_size__tile_overlayer_lowered;
	s6 =	simm.s32 $_tile_overlayer_lowered  }
0x9b: {  	s22 =	simm.s32 $0x1BFF;
	s21 =	sshll.u32 s6, $0x1;
	s3 =	sadd.s32 s4, s19  }
0x9c: {  	s7 =	simm.s32 $0x0;
	s20 =	sshll.u32 s5, $0x1;
	s5 =	sadd.s32 s21, s3  }
0x9d: {  	[timem:s7], [sflag:s22] =	dma.local [hbm:s5], s20  }
0x9e: {  	_ =	swait.ge [sflag:s22], s20  }
0x9f: {  	s4 =	ssub.s32 $0x0, s20;
	[sflag:s22] =	ssyncset.done $0x0  }
0xa0: {  	[sflag:s22] =	ssyncadd.s32 s4;
	_ =	sdelay $0x1  }
0xa1: {  	s23 =	simm.s32 $0x1B8B  }
0xa2: {  	_ =	swait.ge [sflag:s23], $0x1  }
0xa3: {  	[sflag:s23] =	ssyncset.done $0x0  }
0xa4: {  	s25 =	simm.s32 $0x1B8E;
	s24 =	sld [smem:$0x3FFE];
	[sflag:s23] =	ssyncadd.s32 $0xFFFFFFFF  }
0xa5: {  	s26 =	simm.s32 $execute0_lowered;
	[smem:$0x3FD2] =	sst s25  }
0xa6: {  	s5 =	sshll.u32 s26, $0x1;
	_ =	strace $0x80000046;
	[dreg:$0x1] =	wrdreg $0xFFFFFFFF  }
0xa7: {  	s28 =	simm.s32 $_size_execute0_lowered;
	s3 =	sadd.s32 s3, s5;
	[dreg:$0x0] =	wrdreg $0x0  }
0xa8: {  	s5 =	sshll.u32 s28, $0x1;
	[dreg:$0x2] =	wrdreg s3  }
0xa9: {  	[dreg:$0x3] =	wrdreg s5  }
0xaa: {  	[dreg:$0x4] =	wrdreg $0xC0  }
0xab: {  	_ =	task [dreg:s7], $0x5FFFF  }
0xac: {  	[dreg:$0x1] =	wrdreg $0xFFFFFFFF  }
0xad: {  	[dreg:$0x0] =	wrdreg $0x60  }
0xae: {  	[dreg:$0x2] =	wrdreg s24  }
0xaf: {  	[dreg:$0x3] =	wrdreg s2  }
0xb0: {  	[dreg:$0x4] =	wrdreg $0x0  }
0xb1: {  	[dreg:$0x5] =	wrdreg $0x9E000  }
0xb2: {  	[dreg:$0x6] =	wrdreg $0x9  }
0xb3: {  	_ =	task.clear_ibuf [dreg:s7], $0x7FFFF;
	_ =	strace $0x90000046  }
0xb4: {  	s29 =	simm.s32 $0x9;
	_ =	strace $0x80000048  }
0xb5: {  	_ =	swait.ge [sflag:s29], $0x1  }
0xb6: {  	[sflag:s29] =	ssyncadd.s32 $0xFFFFFFFF  }
0xb7: {  	_ =	strace $0x90000048  }
0xb8: {  	_ =	sfence  }
0xb9: {  	s30 =	sld [smem:$0x0];
	_ =	sdelay $0x2  }
0xba: {  	s31 =	sshll.u32 s1, $0xD;
	s1 =	sshrl.u32 s1, $0x2  }
0xbb: {  	s3 =	sand.u32 $0x4000, s31;
	s1 =	sadd.s32 s1, s30  }
0xbc: {  	s0 =	sor.u32 s3, s0;
	s1 =	sshll.u32 s1, $0x11  }
0xbd: {  	s0 =	sor.u32 s1, s0  }
0xbe: {  	s0 =	sadd.s32 $0x8F2B, s0  }
0xbf: {  	[sflag:s0] =	ssyncadd.remote.s32 $0x1  }
0xc0: {  	_ =	sfence.sel $0xFFFF  }
0xc1: {  	[dreg:$0x0] =	wrdreg $0xFFFFFFFF;
	(pc) =	sbr.abs _section_cstart, $3  }
0xc2: {  	[dreg:$0x1] =	wrdreg $0xFFFFFFFF  }
0xc3: {  	_ =	task.clear_ibuf [dreg:s7], $0x2FFFF;
	_ =	strace $0x9FFFFFFF  }
0xc4: {  	(tm) =	ssettm $0x7FFFFFFF  }
0xc5: {  	_ =	shalt  }
tec
execute0_lowered:
.L_overlay_start_1:
0x0: {  	(tag) =	ssettag $0x1  }
0x1: {  	s0 =	rddreg [dreg:$0x0]  }
0x2: {  	s18 =	rddreg [dreg:$0x1]  }
0x3: {  	s2 =	rddreg [dreg:$0x2]  }
0x4: {  	s3 =	rddreg [dreg:$0x3];
	s5 =	simm.s32 $0x0  }
0x5: {  	s1 =	srdreg.scid;
	s17 =	stileid.u32;
	s29 =	simm.s32 $0x15C00  }
0x6: {  	s28 =	simm.s32 $0x7;
	s31 =	simm.s32 $0x8;
	s4 =	smul.u32 $0x278, s17  }
0x7: {  	[smem:$0x7FF] =	sst s5;
	s1 =	sand.u32 $0x1, s1;
	s11 =	smul.u32 $0x9E00, s17  }
0x8: {  	s6 =	sadd.s32 $0x27800, s0;
	s9 =	sadd.s32 $0x31800, s0;
	s13 =	smul.u32 $0x5000, s17  }
0x9: {  	s12 =	sshll.u32 s17, $0x6;
	_ =	strace $0x80000047;
	s8 =	smul.u32 $0x2780, s1  }
0xa: {  	s7 =	ssub.s32 $0x2, s1;
	s1 =	smul.u32 $0x50000, s1;
	s24 =	sor.u32 $0x1C0B, s12  }
0xb: {  	s10 =	sshrl.u32 s7, $0x1;
	s14 =	sadd.s32 s11, s2;
	[dreg:$0x7] =	wrdreg s24  }
0xc: {  	s25 =	sadd.s32 s11, s3;
	s11 =	sadd.s32 $0x80, s4;
	s26 =	sor.u32 $0x800, s13  }
0xd: {  	s16 =	sadd.s32 $0x180, s4;
	s24 =	sshrl.u32 s13, $0x3;
	[dreg:$0x5] =	wrdreg s14  }
0xe: {  	s7 =	ssub.s32 s7, s10;
	s23 =	sadd.s32 s4, s8;
	[dreg:$0x8] =	wrdreg s25  }
0xf: {  	s14 =	sadd.s32 $0x100, s4;
	s15 =	sadd.s32 s8, s11;
	s4 =	sadd.s32 $0x200, s4  }
0x10: {  	s21 =	sadd.s32 s8, s16;
	s25 =	sshrl.u32 s26, $0x3;
	s11 =	sshll.u32 s11, $0x6  }
0x11: {  	s16 =	sshll.u32 s16, $0x6;
	s10 =	sshll.u32 s23, $0x3;
	s15 =	sshll.u32 s15, $0x3  }
0x12: {  	s20 =	sadd.s32 s8, s14;
	s8 =	sadd.s32 s8, s4;
	s22 =	sshll.u32 s21, $0x3  }
0x13: {  	s23 =	smul.u32 $0xA00, s17;
	s12 =	sadd.s32 s11, s3;
	s21 =	sadd.s32 s16, s2  }
0x14: {  	s0 =	sadd.s32 s0, s10;
	s10 =	sadd.s32 s9, s10;
	[dreg:$0x12] =	wrdreg s12  }
0x15: {  	s19 =	sadd.s32 s9, s15;
	s8 =	sshll.u32 s8, $0x3;
	[dreg:$0x17] =	wrdreg s21  }
0x16: {  	s15 =	sshll.u32 s14, $0x6;
	s12 =	simm.s32 $0x15400;
	[dreg:$0x6] =	wrdreg s0  }
0x17: {  	s14 =	simm.s32 $0x80;
	s21 =	simm.s32 $0x4;
	[dreg:$0x9] =	wrdreg s10  }
0x18: {  	s0 =	sadd.s32 s13, s1;
	[dreg:$0xa] =	wrdreg s19;
	s10 =	sshll.u32 s20, $0x3  }
0x19: {  	s8 =	sadd.s32 s9, s8;
	s1 =	sadd.s32 s1, s26;
	s26 =	sadd.s32 s6, s25  }
0x1a: {  	s17 =	sadd.s32 s23, s6;
	s13 =	sadd.s32 s11, s2;
	[dreg:$0xd] =	wrdreg s8  }
0x1b: {  	s19 =	sadd.s32 s15, s3;
	s20 =	sadd.s32 s16, s3;
	[dreg:$0xf] =	wrdreg s26  }
0x1c: {  	s11 =	simm.s32 $0x14400;
	s16 =	simm.s32 $0x19C00;
	[dreg:$0x13] =	wrdreg s13  }
0x1d: {  	s10 =	sadd.s32 s9, s10;
	s1 =	sshrl.u32 s1, $0x3;
	[dreg:$0x14] =	wrdreg s19  }
0x1e: {  	[dreg:$0x16] =	wrdreg s20;
	s23 =	sadd.s32 $0x1800, s0;
	s26 =	smax.u32 s7, $0x1  }
0x1f: {  	s13 =	simm.s32 $0x1;
	s8 =	simm.s32 $0x17C00;
	s19 =	simm.s32 $0x1BC00  }
0x20: {  	s20 =	simm.s32 $0x3;
	s7 =	simm.s32 $0x0;
	[dreg:$0xb] =	wrdreg s10  }
0x21: {  	s10 =	sadd.s32 s9, s22;
	s9 =	sadd.s32 s6, s24;
	[dreg:$0x1a] =	wrdreg s26  }
0x22: {  	s1 =	sadd.s32 s18, s1;
	s22 =	sshll.u32 s4, $0x6;
	[dreg:$0xc] =	wrdreg s10  }
0x23: {  	s25 =	sshrl.u32 s23, $0x3;
	s23 =	simm.s32 $0x5;
	[dreg:$0xe] =	wrdreg s9  }
0x24: {  	s26 =	simm.s32 $0x15B00;
	s10 =	sshrl.u32 s0, $0x3;
	[dreg:$0x11] =	wrdreg s1  }
0x25: {  	s1 =	sadd.s32 s15, s2;
	s24 =	sadd.s32 s22, s3;
	s30 =	sadd.s32 s25, s18  }
0x26: {  	s0 =	sadd.s32 $0x1000, s0;
	s25 =	simm.s32 $0x6;
	[dreg:$0x15] =	wrdreg s1  }
0x27: {  	s9 =	simm.s32 $0xA;
	s15 =	simm.s32 $0x2;
	[dreg:$0x18] =	wrdreg s24  }
0x28: {  	s6 =	sadd.s32 s18, s10;
	s1 =	sadd.s32 s22, s2;
	[dreg:$0x1b] =	wrdreg s0  }
0x29: {  	s0 =	simm.s32 $0xB;
	s24 =	simm.s32 $0x15A80;
	[dreg:$0x10] =	wrdreg s6  }
0x2a: {  	[dreg:$0x19] =	wrdreg s1;
	s6 =	simm.s32 $0x9;
	s1 =	simm.s32 $0x15B80  }
.LBB2_1:
0x2b: {  	[dreg:$0x1c] =	wrdreg s7  }
0x2c: {  	s4 =	rddreg [dreg:$0x5]  }
0x2d: {  	s18 =	rddreg [dreg:$0x6]  }
0x2e: {  	s10 =	rddreg [dreg:$0x7];
	s4 =	sshrl.u32 s4, $0x3  }
0x2f: {  	[spmem:s4], [sflag:s10] =	dma.local [hbm:s18], $0x13C0  }
0x30: {  	_ =	swait.ge [sflag:s0], $0x13C0  }
0x31: {  	[sflag:s0] =	ssyncset.done $0x0;
	s22 =	rddreg [dreg:$0x8]  }
0x32: {  	[sflag:s0] =	ssyncadd.s32 $0xFFFFEC40;
	s4 =	sshrl.u32 s22, $0x3  }
0x33: {  	[spmem:s4], [sflag:s10] =	dma.local [hbm:s18], $0x13C0  }
0x34: {  	_ =	swait.ge [sflag:s0], $0x13C0  }
0x35: {  	[sflag:s0] =	ssyncset.done $0x0  }
0x36: {  	[sflag:s0] =	ssyncadd.s32 $0xFFFFEC40  }
0x37: {  	[bflag:$0x0] =	sbarrier.arrive $0xFFFF  }
0x38: {  	s18 =	rddreg [dreg:$0x10]  }
0x39: {  	s22 =	simm.s32 $0x13C00;
	s7 =	rddreg [dreg:$0xe]  }
0x3a: {  	[tilespmem:s22], [sflag:$0x1] =	stream.linear.gather [hbm4b:s18+s5], $0x800, $0x38;
	[tilespmem:$0x1DC00] =	vst v63  }
0x3b: {  	s10 =	simm.s32 $0x14C00;
	s18 =	rddreg [dreg:$0x11]  }
0x3c: {  	[tilespmem:s10], [sflag:$0x1] =	stream.linear.gather [hbm4b:s7+s5], $0x800, $0x38;
	[tilespmem:$0x1DC00] =	vst v63  }
0x3d: {  	s22 =	rddreg [dreg:$0xf]  }
0x3e: {  	[tilespmem:s11], [sflag:$0x2] =	stream.linear.gather [hbm4b:s18+s5], $0x800, $0x38;
	[tilespmem:$0x1DC00] =	vst v63  }
0x3f: {  	s4 =	simm.s32 $0x0;
	s7 =	rddreg [dreg:$0x1b]  }
0x40: {  	[tilespmem:s12], [sflag:$0x2] =	stream.linear.gather [hbm4b:s22+s5], $0x800, $0x38;
	[tilespmem:$0x1DC00] =	vst v63  }
.LBB2_2:
0x41: {  	_ =	swait.ge [sflag:s13], $0x800  }
0x42: {  	[sflag:s13] =	ssyncset.done $0x0  }
0x43: {  	[sflag:s13] =	ssyncadd.s32 $0xFFFFF800  }
0x44: {  	_ =	swait.ge [sflag:s13], $0x800  }
0x45: {  	[sflag:s13] =	ssyncset.done $0x0  }
0x46: {  	s10 =	simm.s32 $0x13C00;
	[sflag:s13] =	ssyncadd.s32 $0xFFFFF800  }
0x47: {  	[tilespmem:s29], [sflag:$0x3] =	stream.indirect.gather [spmem:s2], $0x40, s10, s14, $0xb8;
	[tilespmem:$0x1DC00] =	vst v63  }
0x48: {  	s18 =	simm.s32 $0x13C80  }
0x49: {  	[tilespmem:s8], [sflag:$0x4] =	stream.indirect.gather [spmem:s2], $0x40, s18, s14, $0xb8;
	[tilespmem:$0x1DC00] =	vst v63  }
0x4a: {  	s22 =	simm.s32 $0x13D00  }
0x4b: {  	[tilespmem:s16], [sflag:$0x5] =	stream.indirect.gather [spmem:s2], $0x40, s22, s14, $0xb8;
	[tilespmem:$0x1DC00] =	vst v63  }
0x4c: {  	s18 =	simm.s32 $0x13D80  }
0x4d: {  	[tilespmem:s19], [sflag:$0x6] =	stream.indirect.gather [spmem:s2], $0x40, s18, s14, $0xb8;
	[tilespmem:$0x1DC00] =	vst v63  }
0x4e: {  	_ =	swait.ge [sflag:s20], $0x2000  }
0x4f: {  	[sflag:s20] =	ssyncset.done $0x0  }
0x50: {  	s22 =	simm.s32 $0x14C00;
	[sflag:s20] =	ssyncadd.s32 $0xFFFFE000  }
0x51: {  	[spmem:s3] =	stream.indirect.scatter.add.f32 [tilespmem:s29], [sflag:$0x7], $0x40, s22, s14, $0xb8;
	[tilespmem:$0x1DC00] =	vst v63  }
0x52: {  	_ =	swait.ge [sflag:s21], $0x2000  }
0x53: {  	[sflag:s21] =	ssyncset.done $0x0  }
0x54: {  	s18 =	simm.s32 $0x14C80;
	[sflag:s21] =	ssyncadd.s32 $0xFFFFE000  }
0x55: {  	[spmem:s3] =	stream.indirect.scatter.add.f32 [tilespmem:s8], [sflag:$0x8], $0x40, s18, s14, $0xb8;
	[tilespmem:$0x1DC00] =	vst v63  }
0x56: {  	_ =	swait.ge [sflag:s23], $0x2000  }
0x57: {  	[sflag:s23] =	ssyncset.done $0x0  }
0x58: {  	s22 =	simm.s32 $0x14D00;
	[sflag:s23] =	ssyncadd.s32 $0xFFFFE000  }
0x59: {  	[spmem:s3] =	stream.indirect.scatter.add.f32 [tilespmem:s16], [sflag:$0x9], $0x40, s22, s14, $0xb8;
	[tilespmem:$0x1DC00] =	vst v63  }
0x5a: {  	_ =	swait.ge [sflag:s25], $0x2000  }
0x5b: {  	[sflag:s25] =	ssyncset.done $0x0  }
0x5c: {  	s18 =	simm.s32 $0x14D80;
	[sflag:s25] =	ssyncadd.s32 $0xFFFFE000  }
0x5d: {  	[spmem:s3] =	stream.indirect.scatter.add.f32 [tilespmem:s19], [sflag:$0xA], $0x40, s18, s14, $0xb8;
	[tilespmem:$0x1DC00] =	vst v63  }
0x5e: {  	_ =	swait.ge [sflag:s28], $0x2000  }
0x5f: {  	[sflag:s28] =	ssyncset.done $0x0  }
0x60: {  	[sflag:s28] =	ssyncadd.s32 $0xFFFFE000  }
0x61: {  	_ =	swait.ge [sflag:s31], $0x2000  }
0x62: {  	[sflag:s31] =	ssyncset.done $0x0  }
0x63: {  	[sflag:s31] =	ssyncadd.s32 $0xFFFFE000  }
0x64: {  	_ =	swait.ge [sflag:s6], $0x2000  }
0x65: {  	[sflag:s6] =	ssyncset.done $0x0  }
0x66: {  	[sflag:s6] =	ssyncadd.s32 $0xFFFFE000  }
0x67: {  	_ =	swait.ge [sflag:s9], $0x2000  }
0x68: {  	[sflag:s9] =	ssyncset.done $0x0  }
0x69: {  	s22 =	simm.s32 $0x13E00;
	[sflag:s9] =	ssyncadd.s32 $0xFFFFE000  }
0x6a: {  	[tilespmem:s29], [sflag:$0x3] =	stream.indirect.gather [spmem:s2], $0x40, s22, s14, $0xb8;
	[tilespmem:$0x1DC00] =	vst v63  }
0x6b: {  	s18 =	simm.s32 $0x13E80  }
0x6c: {  	[tilespmem:s8], [sflag:$0x4] =	stream.indirect.gather [spmem:s2], $0x40, s18, s14, $0xb8;
	[tilespmem:$0x1DC00] =	vst v63  }
0x6d: {  	s22 =	simm.s32 $0x13F00  }
0x6e: {  	[tilespmem:s16], [sflag:$0x5] =	stream.indirect.gather [spmem:s2], $0x40, s22, s14, $0xb8;
	[tilespmem:$0x1DC00] =	vst v63  }
0x6f: {  	s18 =	simm.s32 $0x13F80  }
0x70: {  	[tilespmem:s19], [sflag:$0x6] =	stream.indirect.gather [spmem:s2], $0x40, s18, s14, $0xb8;
	[tilespmem:$0x1DC00] =	vst v63  }
0x71: {  	_ =	swait.ge [sflag:s20], $0x2000  }
0x72: {  	[sflag:s20] =	ssyncset.done $0x0  }
0x73: {  	s22 =	simm.s32 $0x14E00;
	[sflag:s20] =	ssyncadd.s32 $0xFFFFE000  }
0x74: {  	[spmem:s3] =	stream.indirect.scatter.add.f32 [tilespmem:s29], [sflag:$0x7], $0x40, s22, s14, $0xb8;
	[tilespmem:$0x1DC00] =	vst v63  }
0x75: {  	_ =	swait.ge [sflag:s21], $0x2000  }
0x76: {  	[sflag:s21] =	ssyncset.done $0x0  }
0x77: {  	s18 =	simm.s32 $0x14E80;
	[sflag:s21] =	ssyncadd.s32 $0xFFFFE000  }
0x78: {  	[spmem:s3] =	stream.indirect.scatter.add.f32 [tilespmem:s8], [sflag:$0x8], $0x40, s18, s14, $0xb8;
	[tilespmem:$0x1DC00] =	vst v63  }
0x79: {  	_ =	swait.ge [sflag:s23], $0x2000  }
0x7a: {  	[sflag:s23] =	ssyncset.done $0x0  }
0x7b: {  	s22 =	simm.s32 $0x14F00;
	[sflag:s23] =	ssyncadd.s32 $0xFFFFE000  }
0x7c: {  	[spmem:s3] =	stream.indirect.scatter.add.f32 [tilespmem:s16], [sflag:$0x9], $0x40, s22, s14, $0xb8;
	[tilespmem:$0x1DC00] =	vst v63  }
0x7d: {  	_ =	swait.ge [sflag:s25], $0x2000  }
0x7e: {  	[sflag:s25] =	ssyncset.done $0x0  }
0x7f: {  	s18 =	simm.s32 $0x14F80;
	[sflag:s25] =	ssyncadd.s32 $0xFFFFE000  }
0x80: {  	[spmem:s3] =	stream.indirect.scatter.add.f32 [tilespmem:s19], [sflag:$0xA], $0x40, s18, s14, $0xb8;
	[tilespmem:$0x1DC00] =	vst v63  }
0x81: {  	_ =	swait.ge [sflag:s28], $0x2000  }
0x82: {  	[sflag:s28] =	ssyncset.done $0x0  }
0x83: {  	[sflag:s28] =	ssyncadd.s32 $0xFFFFE000  }
0x84: {  	_ =	swait.ge [sflag:s31], $0x2000  }
0x85: {  	[sflag:s31] =	ssyncset.done $0x0  }
0x86: {  	[sflag:s31] =	ssyncadd.s32 $0xFFFFE000  }
0x87: {  	_ =	swait.ge [sflag:s6], $0x2000  }
0x88: {  	[sflag:s6] =	ssyncset.done $0x0  }
0x89: {  	[sflag:s6] =	ssyncadd.s32 $0xFFFFE000  }
0x8a: {  	_ =	swait.ge [sflag:s9], $0x2000  }
0x8b: {  	[sflag:s9] =	ssyncset.done $0x0  }
0x8c: {  	s22 =	simm.s32 $0x14000;
	[sflag:s9] =	ssyncadd.s32 $0xFFFFE000  }
0x8d: {  	[tilespmem:s29], [sflag:$0x3] =	stream.indirect.gather [spmem:s2], $0x40, s22, s14, $0xb8;
	[tilespmem:$0x1DC00] =	vst v63  }
0x8e: {  	s18 =	simm.s32 $0x14080  }
0x8f: {  	[tilespmem:s8], [sflag:$0x4] =	stream.indirect.gather [spmem:s2], $0x40, s18, s14, $0xb8;
	[tilespmem:$0x1DC00] =	vst v63  }
0x90: {  	s22 =	simm.s32 $0x14100  }
0x91: {  	[tilespmem:s16], [sflag:$0x5] =	stream.indirect.gather [spmem:s2], $0x40, s22, s14, $0xb8;
	[tilespmem:$0x1DC00] =	vst v63  }
0x92: {  	s18 =	simm.s32 $0x14180  }
0x93: {  	[tilespmem:s19], [sflag:$0x6] =	stream.indirect.gather [spmem:s2], $0x40, s18, s14, $0xb8;
	[tilespmem:$0x1DC00] =	vst v63  }
0x94: {  	_ =	swait.ge [sflag:s20], $0x2000  }
0x95: {  	[sflag:s20] =	ssyncset.done $0x0  }
0x96: {  	s22 =	simm.s32 $0x15000;
	[sflag:s20] =	ssyncadd.s32 $0xFFFFE000  }
0x97: {  	[spmem:s3] =	stream.indirect.scatter.add.f32 [tilespmem:s29], [sflag:$0x7], $0x40, s22, s14, $0xb8;
	[tilespmem:$0x1DC00] =	vst v63  }
0x98: {  	_ =	swait.ge [sflag:s21], $0x2000  }
0x99: {  	[sflag:s21] =	ssyncset.done $0x0  }
0x9a: {  	s18 =	simm.s32 $0x15080;
	[sflag:s21] =	ssyncadd.s32 $0xFFFFE000  }
0x9b: {  	[spmem:s3] =	stream.indirect.scatter.add.f32 [tilespmem:s8], [sflag:$0x8], $0x40, s18, s14, $0xb8;
	[tilespmem:$0x1DC00] =	vst v63  }
0x9c: {  	_ =	swait.ge [sflag:s23], $0x2000  }
0x9d: {  	[sflag:s23] =	ssyncset.done $0x0  }
0x9e: {  	s22 =	simm.s32 $0x15100;
	[sflag:s23] =	ssyncadd.s32 $0xFFFFE000  }
0x9f: {  	[spmem:s3] =	stream.indirect.scatter.add.f32 [tilespmem:s16], [sflag:$0x9], $0x40, s22, s14, $0xb8;
	[tilespmem:$0x1DC00] =	vst v63  }
0xa0: {  	_ =	swait.ge [sflag:s25], $0x2000  }
0xa1: {  	[sflag:s25] =	ssyncset.done $0x0  }
0xa2: {  	s18 =	simm.s32 $0x15180;
	[sflag:s25] =	ssyncadd.s32 $0xFFFFE000  }
0xa3: {  	[spmem:s3] =	stream.indirect.scatter.add.f32 [tilespmem:s19], [sflag:$0xA], $0x40, s18, s14, $0xb8;
	[tilespmem:$0x1DC00] =	vst v63  }
0xa4: {  	_ =	swait.ge [sflag:s28], $0x2000  }
0xa5: {  	[sflag:s28] =	ssyncset.done $0x0  }
0xa6: {  	[sflag:s28] =	ssyncadd.s32 $0xFFFFE000  }
0xa7: {  	_ =	swait.ge [sflag:s31], $0x2000  }
0xa8: {  	[sflag:s31] =	ssyncset.done $0x0  }
0xa9: {  	[sflag:s31] =	ssyncadd.s32 $0xFFFFE000  }
0xaa: {  	_ =	swait.ge [sflag:s6], $0x2000  }
0xab: {  	[sflag:s6] =	ssyncset.done $0x0  }
0xac: {  	[sflag:s6] =	ssyncadd.s32 $0xFFFFE000  }
0xad: {  	_ =	swait.ge [sflag:s9], $0x2000  }
0xae: {  	[sflag:s9] =	ssyncset.done $0x0  }
0xaf: {  	s22 =	simm.s32 $0x14200;
	[sflag:s9] =	ssyncadd.s32 $0xFFFFE000  }
0xb0: {  	[tilespmem:s29], [sflag:$0x3] =	stream.indirect.gather [spmem:s2], $0x40, s22, s14, $0xb8;
	[tilespmem:$0x1DC00] =	vst v63  }
0xb1: {  	s18 =	simm.s32 $0x14280  }
0xb2: {  	[tilespmem:s8], [sflag:$0x4] =	stream.indirect.gather [spmem:s2], $0x40, s18, s14, $0xb8;
	[tilespmem:$0x1DC00] =	vst v63  }
0xb3: {  	s22 =	simm.s32 $0x14300  }
0xb4: {  	[tilespmem:s16], [sflag:$0x5] =	stream.indirect.gather [spmem:s2], $0x40, s22, s14, $0xb8;
	[tilespmem:$0x1DC00] =	vst v63  }
0xb5: {  	s18 =	simm.s32 $0x14380  }
0xb6: {  	[tilespmem:s19], [sflag:$0x6] =	stream.indirect.gather [spmem:s2], $0x40, s18, s14, $0xb8;
	[tilespmem:$0x1DC00] =	vst v63  }
0xb7: {  	_ =	swait.ge [sflag:s20], $0x2000  }
0xb8: {  	[sflag:s20] =	ssyncset.done $0x0  }
0xb9: {  	s22 =	simm.s32 $0x15200;
	[sflag:s20] =	ssyncadd.s32 $0xFFFFE000  }
0xba: {  	[spmem:s3] =	stream.indirect.scatter.add.f32 [tilespmem:s29], [sflag:$0x7], $0x40, s22, s14, $0xb8;
	[tilespmem:$0x1DC00] =	vst v63  }
0xbb: {  	_ =	swait.ge [sflag:s21], $0x2000  }
0xbc: {  	[sflag:s21] =	ssyncset.done $0x0  }
0xbd: {  	s18 =	simm.s32 $0x15280;
	[sflag:s21] =	ssyncadd.s32 $0xFFFFE000  }
0xbe: {  	[spmem:s3] =	stream.indirect.scatter.add.f32 [tilespmem:s8], [sflag:$0x8], $0x40, s18, s14, $0xb8;
	[tilespmem:$0x1DC00] =	vst v63  }
0xbf: {  	_ =	swait.ge [sflag:s23], $0x2000  }
0xc0: {  	[sflag:s23] =	ssyncset.done $0x0  }
0xc1: {  	s22 =	simm.s32 $0x15300;
	[sflag:s23] =	ssyncadd.s32 $0xFFFFE000  }
0xc2: {  	[spmem:s3] =	stream.indirect.scatter.add.f32 [tilespmem:s16], [sflag:$0x9], $0x40, s22, s14, $0xb8;
	[tilespmem:$0x1DC00] =	vst v63  }
0xc3: {  	_ =	swait.ge [sflag:s25], $0x2000  }
0xc4: {  	[sflag:s25] =	ssyncset.done $0x0  }
0xc5: {  	s18 =	simm.s32 $0x15380;
	[sflag:s25] =	ssyncadd.s32 $0xFFFFE000  }
0xc6: {  	[spmem:s3] =	stream.indirect.scatter.add.f32 [tilespmem:s19], [sflag:$0xA], $0x40, s18, s14, $0xb8;
	[tilespmem:$0x1DC00] =	vst v63  }
0xc7: {  	_ =	swait.ge [sflag:s28], $0x2000  }
0xc8: {  	[sflag:s28] =	ssyncset.done $0x0  }
0xc9: {  	[sflag:s28] =	ssyncadd.s32 $0xFFFFE000  }
0xca: {  	_ =	swait.ge [sflag:s31], $0x2000  }
0xcb: {  	[sflag:s31] =	ssyncset.done $0x0  }
0xcc: {  	[sflag:s31] =	ssyncadd.s32 $0xFFFFE000  }
0xcd: {  	_ =	swait.ge [sflag:s6], $0x2000  }
0xce: {  	[sflag:s6] =	ssyncset.done $0x0  }
0xcf: {  	[sflag:s6] =	ssyncadd.s32 $0xFFFFE000  }
0xd0: {  	_ =	swait.ge [sflag:s9], $0x2000  }
0xd1: {  	[sflag:s9] =	ssyncset.done $0x0  }
0xd2: {  	p0 =	seq.s32 s4, $0x800;
	[sflag:s9] =	ssyncadd.s32 $0xFFFFE000  }
0xd3: {  	s10 =	sshrl.u32 @!p0 s7, $0x3;
	s18 =	rddreg [dreg:$0x1]  }
0xd4: {  	s22 =	simm.s32 @!p0 $0x13C00;
	s10 =	sadd.s32 @!p0 s18, s10;
	s18 =	simm.s32 @!p0 $0x0  }
0xd5: {  	[tilespmem:s22], [sflag:$0x1] =	stream.linear.gather @!p0 [hbm4b:s10+s18], $0x800, $0x38;
	[tilespmem:$0x1DC00] =	vst v63  }
0xd6: {  	s10 =	sadd.s32 @!p0 s4, s17  }
0xd7: {  	s22 =	simm.s32 @!p0 $0x14C00;
	s10 =	sadd.s32 @!p0 $0x200, s10  }
0xd8: {  	[tilespmem:s22], [sflag:$0x1] =	stream.linear.gather @!p0 [hbm4b:s10+s18], $0x800, $0x38;
	[tilespmem:$0x1DC00] =	vst v63  }
0xd9: {  	_ =	swait.ge [sflag:s15], $0x800  }
0xda: {  	[sflag:s15] =	ssyncset.done $0x0  }
0xdb: {  	[sflag:s15] =	ssyncadd.s32 $0xFFFFF800  }
0xdc: {  	_ =	swait.ge [sflag:s15], $0x800  }
0xdd: {  	[sflag:s15] =	ssyncset.done $0x0  }
0xde: {  	[sflag:s15] =	ssyncadd.s32 $0xFFFFF800  }
0xdf: {  	[tilespmem:s29], [sflag:$0x3] =	stream.indirect.gather [spmem:s2], $0x40, s11, s14, $0xb8;
	[tilespmem:$0x1DC00] =	vst v63  }
0xe0: {  	s22 =	simm.s32 $0x14480  }
0xe1: {  	[tilespmem:s8], [sflag:$0x4] =	stream.indirect.gather [spmem:s2], $0x40, s22, s14, $0xb8;
	[tilespmem:$0x1DC00] =	vst v63  }
0xe2: {  	s18 =	simm.s32 $0x14500  }
0xe3: {  	[tilespmem:s16], [sflag:$0x5] =	stream.indirect.gather [spmem:s2], $0x40, s18, s14, $0xb8;
	[tilespmem:$0x1DC00] =	vst v63  }
0xe4: {  	s22 =	simm.s32 $0x14580  }
0xe5: {  	[tilespmem:s19], [sflag:$0x6] =	stream.indirect.gather [spmem:s2], $0x40, s22, s14, $0xb8;
	[tilespmem:$0x1DC00] =	vst v63  }
0xe6: {  	_ =	swait.ge [sflag:s20], $0x2000  }
0xe7: {  	[sflag:s20] =	ssyncset.done $0x0  }
0xe8: {  	[sflag:s20] =	ssyncadd.s32 $0xFFFFE000  }
0xe9: {  	[spmem:s3] =	stream.indirect.scatter.add.f32 [tilespmem:s29], [sflag:$0x7], $0x40, s12, s14, $0xb8;
	[tilespmem:$0x1DC00] =	vst v63  }
0xea: {  	_ =	swait.ge [sflag:s21], $0x2000  }
0xeb: {  	[sflag:s21] =	ssyncset.done $0x0  }
0xec: {  	s18 =	simm.s32 $0x15480;
	[sflag:s21] =	ssyncadd.s32 $0xFFFFE000  }
0xed: {  	[spmem:s3] =	stream.indirect.scatter.add.f32 [tilespmem:s8], [sflag:$0x8], $0x40, s18, s14, $0xb8;
	[tilespmem:$0x1DC00] =	vst v63  }
0xee: {  	_ =	swait.ge [sflag:s23], $0x2000  }
0xef: {  	[sflag:s23] =	ssyncset.done $0x0  }
0xf0: {  	s22 =	simm.s32 $0x15500;
	[sflag:s23] =	ssyncadd.s32 $0xFFFFE000  }
0xf1: {  	[spmem:s3] =	stream.indirect.scatter.add.f32 [tilespmem:s16], [sflag:$0x9], $0x40, s22, s14, $0xb8;
	[tilespmem:$0x1DC00] =	vst v63  }
0xf2: {  	_ =	swait.ge [sflag:s25], $0x2000  }
0xf3: {  	[sflag:s25] =	ssyncset.done $0x0  }
0xf4: {  	s18 =	simm.s32 $0x15580;
	[sflag:s25] =	ssyncadd.s32 $0xFFFFE000  }
0xf5: {  	[spmem:s3] =	stream.indirect.scatter.add.f32 [tilespmem:s19], [sflag:$0xA], $0x40, s18, s14, $0xb8;
	[tilespmem:$0x1DC00] =	vst v63  }
0xf6: {  	_ =	swait.ge [sflag:s28], $0x2000  }
0xf7: {  	[sflag:s28] =	ssyncset.done $0x0  }
0xf8: {  	[sflag:s28] =	ssyncadd.s32 $0xFFFFE000  }
0xf9: {  	_ =	swait.ge [sflag:s31], $0x2000  }
0xfa: {  	[sflag:s31] =	ssyncset.done $0x0  }
0xfb: {  	[sflag:s31] =	ssyncadd.s32 $0xFFFFE000  }
0xfc: {  	_ =	swait.ge [sflag:s6], $0x2000  }
0xfd: {  	[sflag:s6] =	ssyncset.done $0x0  }
0xfe: {  	[sflag:s6] =	ssyncadd.s32 $0xFFFFE000  }
0xff: {  	_ =	swait.ge [sflag:s9], $0x2000  }
0x100: {  	[sflag:s9] =	ssyncset.done $0x0  }
0x101: {  	s22 =	simm.s32 $0x14600;
	[sflag:s9] =	ssyncadd.s32 $0xFFFFE000  }
0x102: {  	[tilespmem:s29], [sflag:$0x3] =	stream.indirect.gather [spmem:s2], $0x40, s22, s14, $0xb8;
	[tilespmem:$0x1DC00] =	vst v63  }
0x103: {  	s18 =	simm.s32 $0x14680  }
0x104: {  	[tilespmem:s8], [sflag:$0x4] =	stream.indirect.gather [spmem:s2], $0x40, s18, s14, $0xb8;
	[tilespmem:$0x1DC00] =	vst v63  }
0x105: {  	s22 =	simm.s32 $0x14700  }
0x106: {  	[tilespmem:s16], [sflag:$0x5] =	stream.indirect.gather [spmem:s2], $0x40, s22, s14, $0xb8;
	[tilespmem:$0x1DC00] =	vst v63  }
0x107: {  	s18 =	simm.s32 $0x14780  }
0x108: {  	[tilespmem:s19], [sflag:$0x6] =	stream.indirect.gather [spmem:s2], $0x40, s18, s14, $0xb8;
	[tilespmem:$0x1DC00] =	vst v63  }
0x109: {  	_ =	swait.ge [sflag:s20], $0x2000  }
0x10a: {  	[sflag:s20] =	ssyncset.done $0x0  }
0x10b: {  	s22 =	simm.s32 $0x15600;
	[sflag:s20] =	ssyncadd.s32 $0xFFFFE000  }
0x10c: {  	[spmem:s3] =	stream.indirect.scatter.add.f32 [tilespmem:s29], [sflag:$0x7], $0x40, s22, s14, $0xb8;
	[tilespmem:$0x1DC00] =	vst v63  }
0x10d: {  	_ =	swait.ge [sflag:s21], $0x2000  }
0x10e: {  	[sflag:s21] =	ssyncset.done $0x0  }
0x10f: {  	s18 =	simm.s32 $0x15680;
	[sflag:s21] =	ssyncadd.s32 $0xFFFFE000  }
0x110: {  	[spmem:s3] =	stream.indirect.scatter.add.f32 [tilespmem:s8], [sflag:$0x8], $0x40, s18, s14, $0xb8;
	[tilespmem:$0x1DC00] =	vst v63  }
0x111: {  	_ =	swait.ge [sflag:s23], $0x2000  }
0x112: {  	[sflag:s23] =	ssyncset.done $0x0  }
0x113: {  	s22 =	simm.s32 $0x15700;
	[sflag:s23] =	ssyncadd.s32 $0xFFFFE000  }
0x114: {  	[spmem:s3] =	stream.indirect.scatter.add.f32 [tilespmem:s16], [sflag:$0x9], $0x40, s22, s14, $0xb8;
	[tilespmem:$0x1DC00] =	vst v63  }
0x115: {  	_ =	swait.ge [sflag:s25], $0x2000  }
0x116: {  	[sflag:s25] =	ssyncset.done $0x0  }
0x117: {  	s18 =	simm.s32 $0x15780;
	[sflag:s25] =	ssyncadd.s32 $0xFFFFE000  }
0x118: {  	[spmem:s3] =	stream.indirect.scatter.add.f32 [tilespmem:s19], [sflag:$0xA], $0x40, s18, s14, $0xb8;
	[tilespmem:$0x1DC00] =	vst v63  }
0x119: {  	_ =	swait.ge [sflag:s28], $0x2000  }
0x11a: {  	[sflag:s28] =	ssyncset.done $0x0  }
0x11b: {  	[sflag:s28] =	ssyncadd.s32 $0xFFFFE000  }
0x11c: {  	_ =	swait.ge [sflag:s31], $0x2000  }
0x11d: {  	[sflag:s31] =	ssyncset.done $0x0  }
0x11e: {  	[sflag:s31] =	ssyncadd.s32 $0xFFFFE000  }
0x11f: {  	_ =	swait.ge [sflag:s6], $0x2000  }
0x120: {  	[sflag:s6] =	ssyncset.done $0x0  }
0x121: {  	[sflag:s6] =	ssyncadd.s32 $0xFFFFE000  }
0x122: {  	_ =	swait.ge [sflag:s9], $0x2000  }
0x123: {  	[sflag:s9] =	ssyncset.done $0x0  }
0x124: {  	s22 =	simm.s32 $0x14800;
	[sflag:s9] =	ssyncadd.s32 $0xFFFFE000  }
0x125: {  	[tilespmem:s29], [sflag:$0x3] =	stream.indirect.gather [spmem:s2], $0x40, s22, s14, $0xb8;
	[tilespmem:$0x1DC00] =	vst v63  }
0x126: {  	s18 =	simm.s32 $0x14880  }
0x127: {  	[tilespmem:s8], [sflag:$0x4] =	stream.indirect.gather [spmem:s2], $0x40, s18, s14, $0xb8;
	[tilespmem:$0x1DC00] =	vst v63  }
0x128: {  	s22 =	simm.s32 $0x14900  }
0x129: {  	[tilespmem:s16], [sflag:$0x5] =	stream.indirect.gather [spmem:s2], $0x40, s22, s14, $0xb8;
	[tilespmem:$0x1DC00] =	vst v63  }
0x12a: {  	s18 =	simm.s32 $0x14980  }
0x12b: {  	[tilespmem:s19], [sflag:$0x6] =	stream.indirect.gather [spmem:s2], $0x40, s18, s14, $0xb8;
	[tilespmem:$0x1DC00] =	vst v63  }
0x12c: {  	_ =	swait.ge [sflag:s20], $0x2000  }
0x12d: {  	[sflag:s20] =	ssyncset.done $0x0  }
0x12e: {  	s22 =	simm.s32 $0x15800;
	[sflag:s20] =	ssyncadd.s32 $0xFFFFE000  }
0x12f: {  	[spmem:s3] =	stream.indirect.scatter.add.f32 [tilespmem:s29], [sflag:$0x7], $0x40, s22, s14, $0xb8;
	[tilespmem:$0x1DC00] =	vst v63  }
0x130: {  	_ =	swait.ge [sflag:s21], $0x2000  }
0x131: {  	[sflag:s21] =	ssyncset.done $0x0  }
0x132: {  	s18 =	simm.s32 $0x15880;
	[sflag:s21] =	ssyncadd.s32 $0xFFFFE000  }
0x133: {  	[spmem:s3] =	stream.indirect.scatter.add.f32 [tilespmem:s8], [sflag:$0x8], $0x40, s18, s14, $0xb8;
	[tilespmem:$0x1DC00] =	vst v63  }
0x134: {  	_ =	swait.ge [sflag:s23], $0x2000  }
0x135: {  	[sflag:s23] =	ssyncset.done $0x0  }
0x136: {  	s22 =	simm.s32 $0x15900;
	[sflag:s23] =	ssyncadd.s32 $0xFFFFE000  }
0x137: {  	[spmem:s3] =	stream.indirect.scatter.add.f32 [tilespmem:s16], [sflag:$0x9], $0x40, s22, s14, $0xb8;
	[tilespmem:$0x1DC00] =	vst v63  }
0x138: {  	_ =	swait.ge [sflag:s25], $0x2000  }
0x139: {  	[sflag:s25] =	ssyncset.done $0x0  }
0x13a: {  	s18 =	simm.s32 $0x15980;
	[sflag:s25] =	ssyncadd.s32 $0xFFFFE000  }
0x13b: {  	[spmem:s3] =	stream.indirect.scatter.add.f32 [tilespmem:s19], [sflag:$0xA], $0x40, s18, s14, $0xb8;
	[tilespmem:$0x1DC00] =	vst v63  }
0x13c: {  	_ =	swait.ge [sflag:s28], $0x2000  }
0x13d: {  	[sflag:s28] =	ssyncset.done $0x0  }
0x13e: {  	[sflag:s28] =	ssyncadd.s32 $0xFFFFE000  }
0x13f: {  	_ =	swait.ge [sflag:s31], $0x2000  }
0x140: {  	[sflag:s31] =	ssyncset.done $0x0  }
0x141: {  	[sflag:s31] =	ssyncadd.s32 $0xFFFFE000  }
0x142: {  	_ =	swait.ge [sflag:s6], $0x2000  }
0x143: {  	[sflag:s6] =	ssyncset.done $0x0  }
0x144: {  	[sflag:s6] =	ssyncadd.s32 $0xFFFFE000  }
0x145: {  	_ =	swait.ge [sflag:s9], $0x2000  }
0x146: {  	[sflag:s9] =	ssyncset.done $0x0  }
0x147: {  	s22 =	simm.s32 $0x14A00;
	[sflag:s9] =	ssyncadd.s32 $0xFFFFE000  }
0x148: {  	[tilespmem:s29], [sflag:$0x3] =	stream.indirect.gather [spmem:s2], $0x40, s22, s14, $0xb8;
	[tilespmem:$0x1DC00] =	vst v63  }
0x149: {  	s18 =	simm.s32 $0x14A80  }
0x14a: {  	[tilespmem:s8], [sflag:$0x4] =	stream.indirect.gather [spmem:s2], $0x40, s18, s14, $0xb8;
	[tilespmem:$0x1DC00] =	vst v63  }
0x14b: {  	s22 =	simm.s32 $0x14B00  }
0x14c: {  	[tilespmem:s16], [sflag:$0x5] =	stream.indirect.gather [spmem:s2], $0x40, s22, s14, $0xb8;
	[tilespmem:$0x1DC00] =	vst v63  }
0x14d: {  	s18 =	simm.s32 $0x14B80  }
0x14e: {  	[tilespmem:s19], [sflag:$0x6] =	stream.indirect.gather [spmem:s2], $0x40, s18, s14, $0xb8;
	[tilespmem:$0x1DC00] =	vst v63  }
0x14f: {  	_ =	swait.ge [sflag:s20], $0x2000  }
0x150: {  	[sflag:s20] =	ssyncset.done $0x0  }
0x151: {  	s22 =	simm.s32 $0x15A00;
	[sflag:s20] =	ssyncadd.s32 $0xFFFFE000  }
0x152: {  	[spmem:s3] =	stream.indirect.scatter.add.f32 [tilespmem:s29], [sflag:$0x7], $0x40, s22, s14, $0xb8;
	[tilespmem:$0x1DC00] =	vst v63  }
0x153: {  	_ =	swait.ge [sflag:s21], $0x2000  }
0x154: {  	[sflag:s21] =	ssyncset.done $0x0  }
0x155: {  	[sflag:s21] =	ssyncadd.s32 $0xFFFFE000  }
0x156: {  	[spmem:s3] =	stream.indirect.scatter.add.f32 [tilespmem:s8], [sflag:$0x8], $0x40, s24, s14, $0xb8;
	[tilespmem:$0x1DC00] =	vst v63  }
0x157: {  	_ =	swait.ge [sflag:s23], $0x2000  }
0x158: {  	[sflag:s23] =	ssyncset.done $0x0  }
0x159: {  	[sflag:s23] =	ssyncadd.s32 $0xFFFFE000  }
0x15a: {  	[spmem:s3] =	stream.indirect.scatter.add.f32 [tilespmem:s16], [sflag:$0x9], $0x40, s26, s14, $0xb8;
	[tilespmem:$0x1DC00] =	vst v63  }
0x15b: {  	_ =	swait.ge [sflag:s25], $0x2000  }
0x15c: {  	[sflag:s25] =	ssyncset.done $0x0  }
0x15d: {  	[sflag:s25] =	ssyncadd.s32 $0xFFFFE000  }
0x15e: {  	[spmem:s3] =	stream.indirect.scatter.add.f32 [tilespmem:s19], [sflag:$0xA], $0x40, s1, s14, $0xb8;
	[tilespmem:$0x1DC00] =	vst v63  }
0x15f: {  	_ =	swait.ge [sflag:s28], $0x2000  }
0x160: {  	[sflag:s28] =	ssyncset.done $0x0  }
0x161: {  	[sflag:s28] =	ssyncadd.s32 $0xFFFFE000  }
0x162: {  	_ =	swait.ge [sflag:s31], $0x2000  }
0x163: {  	[sflag:s31] =	ssyncset.done $0x0  }
0x164: {  	[sflag:s31] =	ssyncadd.s32 $0xFFFFE000  }
0x165: {  	_ =	swait.ge [sflag:s6], $0x2000  }
.Ltmp0:
0x166: {  	[sflag:s6] =	ssyncset.done $0x0;
	(pc) =	sbr.rel @p0 .LBB2_4-.Ltmp0, $4  }
0x167: {  	[sflag:s6] =	ssyncadd.s32 $0xFFFFE000  }
0x168: {  	_ =	swait.ge [sflag:s9], $0x2000  }
0x169: {  	[sflag:s9] =	ssyncset.done $0x0  }
0x16a: {  	[sflag:s9] =	ssyncadd.s32 $0xFFFFE000  }
.Ltmp1:
0x16b: {  	(pc) =	sbr.rel .LBB2_2-.Ltmp1, $4  }
0x16c: {  	s10 =	sadd.s32 s4, s30;
	s22 =	sadd.s32 s4, s17  }
0x16d: {  	[tilespmem:s11], [sflag:$0x2] =	stream.linear.gather [hbm4b:s10+s5], $0x800, $0x38;
	[tilespmem:$0x1DC00] =	vst v63  }
0x16e: {  	s4 =	sadd.s32 $0x200, s4;
	s7 =	sadd.s32 $0x1000, s7;
	s10 =	sadd.s32 $0x300, s22  }
0x16f: {  	[tilespmem:s12], [sflag:$0x2] =	stream.linear.gather [hbm4b:s10+s5], $0x800, $0x38;
	[tilespmem:$0x1DC00] =	vst v63  }
.LBB2_4:
0x170: {  	[bflag:$0x0] =	sbarrier.arrive $0xFFFF  }
0x171: {  	s4 =	rddreg [dreg:$0x8]  }
0x172: {  	[tilespmem:s29], [sflag:$0xB] =	stream.linear.gather [spmem:s4], $0x2000, $0x38;
	[tilespmem:$0x1DC00] =	vst v63  }
0x173: {  	_ =	swait.ge [sflag:s0], $0x2000  }
0x174: {  	[sflag:s0] =	ssyncset.done $0x0  }
0x175: {  	s22 =	rddreg [dreg:$0x5];
	[sflag:s0] =	ssyncadd.s32 $0xFFFFE000  }
0x176: {  	[tilespmem:s8], [sflag:$0xB] =	stream.linear.gather [spmem:s22], $0x2000, $0x38;
	[tilespmem:$0x1DC00] =	vst v63  }
0x177: {  	_ =	swait.ge [sflag:s0], $0x2000  }
0x178: {  	[sflag:s0] =	ssyncset.done $0x0  }
0x179: {  	s4 =	simm.s32 $0x0;
	[sflag:s0] =	ssyncadd.s32 $0xFFFFE000  }
0x17a: {  	v5 =	vld [tilespmem:s4+$0x17C00]  }
0x17b: {  	v6 =	vld [tilespmem:s4+$0x17C10]  }
0x17c: {  	v1 =	vld [tilespmem:s4+$0x17C20]  }
0x17d: {  	v0 =	vld [tilespmem:s4+$0x17C30]  }
0x17e: {  	v2 =	vld [tilespmem:s4+$0x15C00]  }
0x17f: {  	v4 =	vld [tilespmem:s4+$0x15C10]  }
0x180: {  	s7 =	simm.s32 $0x100;
	v3 =	vld [tilespmem:s4+$0x15C20]  }
.LBB2_5:
0x181: {  	s10 =	sshra.s32 s7, $0x2;
	p0 =	sne.s32 s7, $0x7F00;
	v7 =	vld [tilespmem:s4+$0x15C30];
	v8 =	vmov v1  }
0x182: {  	v9 =	vld [tilespmem:s10+$0x17C00];
	v10 =	vmov v0  }
0x183: {  	v11 =	vld [tilespmem:s10+$0x17C10];
	v2 =	vsub.f32 v2, v5  }
.Ltmp2:
0x184: {  	v1 =	vld [tilespmem:s10+$0x17C20];
	v4 =	vsub.f32 v4, v6;
	(pc) =	sbr.rel @p0 .LBB2_5-.Ltmp2, $4  }
0x185: {  	v0 =	vld [tilespmem:s10+$0x17C30];
	[tilespmem:s4+$0x15C00] =	vst v2;
	v3 =	vsub.f32 v3, v8  }
0x186: {  	v2 =	vld [tilespmem:s10+$0x15C00];
	[tilespmem:s4+$0x15C10] =	vst v4;
	v7 =	vsub.f32 v7, v10  }
0x187: {  	v4 =	vld [tilespmem:s10+$0x15C10];
	[tilespmem:s4+$0x15C20] =	vst v3;
	v5 =	vmov v9  }
0x188: {  	s7 =	sadd.s32 $0x100, s7;
	v3 =	vld [tilespmem:s10+$0x15C20];
	[tilespmem:s4+$0x15C30] =	vst v7;
	v6 =	vmov v11;
	s4 =	smov.u32 s10  }
0x189: {  	v7 =	vld [tilespmem:s4+$0x15C30];
	_ =	sdelay $0x1  }
0x18a: {  	v2 =	vsub.f32 v2, v5  }
0x18b: {  	v4 =	vsub.f32 v4, v6  }
0x18c: {  	[tilespmem:s4+$0x15C00] =	vst v2;
	v1 =	vsub.f32 v3, v1  }
0x18d: {  	[tilespmem:s4+$0x15C10] =	vst v4;
	v0 =	vsub.f32 v7, v0  }
0x18e: {  	[tilespmem:s4+$0x15C20] =	vst v1  }
0x18f: {  	s10 =	rddreg [dreg:$0x5];
	[tilespmem:s4+$0x15C30] =	vst v0  }
0x190: {  	[spmem:s10] =	stream.linear.scatter [tilespmem:s29], [sflag:$0xB], $0x2000, $0x38;
	[tilespmem:$0x1DC00] =	vst v63  }
0x191: {  	_ =	swait.ge [sflag:s0], $0x2000  }
0x192: {  	[sflag:s0] =	ssyncset.done $0x0  }
0x193: {  	s18 =	rddreg [dreg:$0x12];
	[sflag:s0] =	ssyncadd.s32 $0xFFFFE000  }
0x194: {  	[tilespmem:s29], [sflag:$0xB] =	stream.linear.gather [spmem:s18], $0x2000, $0x38;
	[tilespmem:$0x1DC00] =	vst v63  }
0x195: {  	_ =	swait.ge [sflag:s0], $0x2000  }
0x196: {  	[sflag:s0] =	ssyncset.done $0x0  }
0x197: {  	s22 =	rddreg [dreg:$0x13];
	[sflag:s0] =	ssyncadd.s32 $0xFFFFE000  }
0x198: {  	[tilespmem:s8], [sflag:$0xB] =	stream.linear.gather [spmem:s22], $0x2000, $0x38;
	[tilespmem:$0x1DC00] =	vst v63  }
0x199: {  	_ =	swait.ge [sflag:s0], $0x2000  }
0x19a: {  	[sflag:s0] =	ssyncset.done $0x0  }
0x19b: {  	s4 =	simm.s32 $0x0;
	[sflag:s0] =	ssyncadd.s32 $0xFFFFE000  }
0x19c: {  	v5 =	vld [tilespmem:s4+$0x17C00]  }
0x19d: {  	v6 =	vld [tilespmem:s4+$0x17C10]  }
0x19e: {  	v1 =	vld [tilespmem:s4+$0x17C20]  }
0x19f: {  	v0 =	vld [tilespmem:s4+$0x17C30]  }
0x1a0: {  	v2 =	vld [tilespmem:s4+$0x15C00]  }
0x1a1: {  	v4 =	vld [tilespmem:s4+$0x15C10]  }
0x1a2: {  	s7 =	simm.s32 $0x100;
	v3 =	vld [tilespmem:s4+$0x15C20]  }
.LBB2_7:
0x1a3: {  	s10 =	sshra.s32 s7, $0x2;
	p0 =	sne.s32 s7, $0x7F00;
	v7 =	vld [tilespmem:s4+$0x15C30];
	v8 =	vmov v1  }
0x1a4: {  	v9 =	vld [tilespmem:s10+$0x17C00];
	v10 =	vmov v0  }
0x1a5: {  	v11 =	vld [tilespmem:s10+$0x17C10];
	v2 =	vsub.f32 v2, v5  }
.Ltmp3:
0x1a6: {  	v1 =	vld [tilespmem:s10+$0x17C20];
	v4 =	vsub.f32 v4, v6;
	(pc) =	sbr.rel @p0 .LBB2_7-.Ltmp3, $4  }
0x1a7: {  	v0 =	vld [tilespmem:s10+$0x17C30];
	[tilespmem:s4+$0x15C00] =	vst v2;
	v3 =	vsub.f32 v3, v8  }
0x1a8: {  	v2 =	vld [tilespmem:s10+$0x15C00];
	[tilespmem:s4+$0x15C10] =	vst v4;
	v7 =	vsub.f32 v7, v10  }
0x1a9: {  	v4 =	vld [tilespmem:s10+$0x15C10];
	[tilespmem:s4+$0x15C20] =	vst v3;
	v5 =	vmov v9  }
0x1aa: {  	s7 =	sadd.s32 $0x100, s7;
	v3 =	vld [tilespmem:s10+$0x15C20];
	[tilespmem:s4+$0x15C30] =	vst v7;
	v6 =	vmov v11;
	s4 =	smov.u32 s10  }
0x1ab: {  	v7 =	vld [tilespmem:s4+$0x15C30];
	_ =	sdelay $0x1  }
0x1ac: {  	v2 =	vsub.f32 v2, v5  }
0x1ad: {  	v4 =	vsub.f32 v4, v6  }
0x1ae: {  	[tilespmem:s4+$0x15C00] =	vst v2;
	v1 =	vsub.f32 v3, v1  }
0x1af: {  	[tilespmem:s4+$0x15C10] =	vst v4;
	v0 =	vsub.f32 v7, v0  }
0x1b0: {  	[tilespmem:s4+$0x15C20] =	vst v1  }
0x1b1: {  	s10 =	rddreg [dreg:$0x13];
	[tilespmem:s4+$0x15C30] =	vst v0  }
0x1b2: {  	[spmem:s10] =	stream.linear.scatter [tilespmem:s29], [sflag:$0xB], $0x2000, $0x38;
	[tilespmem:$0x1DC00] =	vst v63  }
0x1b3: {  	_ =	swait.ge [sflag:s0], $0x2000  }
0x1b4: {  	[sflag:s0] =	ssyncset.done $0x0  }
0x1b5: {  	s18 =	rddreg [dreg:$0x14];
	[sflag:s0] =	ssyncadd.s32 $0xFFFFE000  }
0x1b6: {  	[tilespmem:s29], [sflag:$0xB] =	stream.linear.gather [spmem:s18], $0x2000, $0x38;
	[tilespmem:$0x1DC00] =	vst v63  }
0x1b7: {  	_ =	swait.ge [sflag:s0], $0x2000  }
0x1b8: {  	[sflag:s0] =	ssyncset.done $0x0  }
0x1b9: {  	s22 =	rddreg [dreg:$0x15];
	[sflag:s0] =	ssyncadd.s32 $0xFFFFE000  }
0x1ba: {  	[tilespmem:s8], [sflag:$0xB] =	stream.linear.gather [spmem:s22], $0x2000, $0x38;
	[tilespmem:$0x1DC00] =	vst v63  }
0x1bb: {  	_ =	swait.ge [sflag:s0], $0x2000  }
0x1bc: {  	[sflag:s0] =	ssyncset.done $0x0  }
0x1bd: {  	s4 =	simm.s32 $0x0;
	[sflag:s0] =	ssyncadd.s32 $0xFFFFE000  }
0x1be: {  	v5 =	vld [tilespmem:s4+$0x17C00]  }
0x1bf: {  	v6 =	vld [tilespmem:s4+$0x17C10]  }
0x1c0: {  	v1 =	vld [tilespmem:s4+$0x17C20]  }
0x1c1: {  	v0 =	vld [tilespmem:s4+$0x17C30]  }
0x1c2: {  	v2 =	vld [tilespmem:s4+$0x15C00]  }
0x1c3: {  	v4 =	vld [tilespmem:s4+$0x15C10]  }
0x1c4: {  	s7 =	simm.s32 $0x100;
	v3 =	vld [tilespmem:s4+$0x15C20]  }
.LBB2_9:
0x1c5: {  	s10 =	sshra.s32 s7, $0x2;
	p0 =	sne.s32 s7, $0x7F00;
	v7 =	vld [tilespmem:s4+$0x15C30];
	v8 =	vmov v1  }
0x1c6: {  	v9 =	vld [tilespmem:s10+$0x17C00];
	v10 =	vmov v0  }
0x1c7: {  	v11 =	vld [tilespmem:s10+$0x17C10];
	v2 =	vsub.f32 v2, v5  }
.Ltmp4:
0x1c8: {  	v1 =	vld [tilespmem:s10+$0x17C20];
	v4 =	vsub.f32 v4, v6;
	(pc) =	sbr.rel @p0 .LBB2_9-.Ltmp4, $4  }
0x1c9: {  	v0 =	vld [tilespmem:s10+$0x17C30];
	[tilespmem:s4+$0x15C00] =	vst v2;
	v3 =	vsub.f32 v3, v8  }
0x1ca: {  	v2 =	vld [tilespmem:s10+$0x15C00];
	[tilespmem:s4+$0x15C10] =	vst v4;
	v7 =	vsub.f32 v7, v10  }
0x1cb: {  	v4 =	vld [tilespmem:s10+$0x15C10];
	[tilespmem:s4+$0x15C20] =	vst v3;
	v5 =	vmov v9  }
0x1cc: {  	s7 =	sadd.s32 $0x100, s7;
	v3 =	vld [tilespmem:s10+$0x15C20];
	[tilespmem:s4+$0x15C30] =	vst v7;
	v6 =	vmov v11;
	s4 =	smov.u32 s10  }
0x1cd: {  	v7 =	vld [tilespmem:s4+$0x15C30];
	_ =	sdelay $0x1  }
0x1ce: {  	v2 =	vsub.f32 v2, v5  }
0x1cf: {  	v4 =	vsub.f32 v4, v6  }
0x1d0: {  	[tilespmem:s4+$0x15C00] =	vst v2;
	v1 =	vsub.f32 v3, v1  }
0x1d1: {  	[tilespmem:s4+$0x15C10] =	vst v4;
	v0 =	vsub.f32 v7, v0  }
0x1d2: {  	[tilespmem:s4+$0x15C20] =	vst v1  }
0x1d3: {  	s10 =	rddreg [dreg:$0x15];
	[tilespmem:s4+$0x15C30] =	vst v0  }
0x1d4: {  	[spmem:s10] =	stream.linear.scatter [tilespmem:s29], [sflag:$0xB], $0x2000, $0x38;
	[tilespmem:$0x1DC00] =	vst v63  }
0x1d5: {  	_ =	swait.ge [sflag:s0], $0x2000  }
0x1d6: {  	[sflag:s0] =	ssyncset.done $0x0  }
0x1d7: {  	s18 =	rddreg [dreg:$0x16];
	[sflag:s0] =	ssyncadd.s32 $0xFFFFE000  }
0x1d8: {  	[tilespmem:s29], [sflag:$0xB] =	stream.linear.gather [spmem:s18], $0x2000, $0x38;
	[tilespmem:$0x1DC00] =	vst v63  }
0x1d9: {  	_ =	swait.ge [sflag:s0], $0x2000  }
0x1da: {  	[sflag:s0] =	ssyncset.done $0x0  }
0x1db: {  	s22 =	rddreg [dreg:$0x17];
	[sflag:s0] =	ssyncadd.s32 $0xFFFFE000  }
0x1dc: {  	[tilespmem:s8], [sflag:$0xB] =	stream.linear.gather [spmem:s22], $0x2000, $0x38;
	[tilespmem:$0x1DC00] =	vst v63  }
0x1dd: {  	_ =	swait.ge [sflag:s0], $0x2000  }
0x1de: {  	[sflag:s0] =	ssyncset.done $0x0  }
0x1df: {  	s4 =	simm.s32 $0x0;
	[sflag:s0] =	ssyncadd.s32 $0xFFFFE000  }
0x1e0: {  	v5 =	vld [tilespmem:s4+$0x17C00]  }
0x1e1: {  	v6 =	vld [tilespmem:s4+$0x17C10]  }
0x1e2: {  	v1 =	vld [tilespmem:s4+$0x17C20]  }
0x1e3: {  	v0 =	vld [tilespmem:s4+$0x17C30]  }
0x1e4: {  	v2 =	vld [tilespmem:s4+$0x15C00]  }
0x1e5: {  	v4 =	vld [tilespmem:s4+$0x15C10]  }
0x1e6: {  	s7 =	simm.s32 $0x100;
	v3 =	vld [tilespmem:s4+$0x15C20]  }
.LBB2_11:
0x1e7: {  	s10 =	sshra.s32 s7, $0x2;
	p0 =	sne.s32 s7, $0x7F00;
	v7 =	vld [tilespmem:s4+$0x15C30];
	v8 =	vmov v1  }
0x1e8: {  	v9 =	vld [tilespmem:s10+$0x17C00];
	v10 =	vmov v0  }
0x1e9: {  	v11 =	vld [tilespmem:s10+$0x17C10];
	v2 =	vsub.f32 v2, v5  }
.Ltmp5:
0x1ea: {  	v1 =	vld [tilespmem:s10+$0x17C20];
	v4 =	vsub.f32 v4, v6;
	(pc) =	sbr.rel @p0 .LBB2_11-.Ltmp5, $4  }
0x1eb: {  	v0 =	vld [tilespmem:s10+$0x17C30];
	[tilespmem:s4+$0x15C00] =	vst v2;
	v3 =	vsub.f32 v3, v8  }
0x1ec: {  	v2 =	vld [tilespmem:s10+$0x15C00];
	[tilespmem:s4+$0x15C10] =	vst v4;
	v7 =	vsub.f32 v7, v10  }
0x1ed: {  	v4 =	vld [tilespmem:s10+$0x15C10];
	[tilespmem:s4+$0x15C20] =	vst v3;
	v5 =	vmov v9  }
0x1ee: {  	s7 =	sadd.s32 $0x100, s7;
	v3 =	vld [tilespmem:s10+$0x15C20];
	[tilespmem:s4+$0x15C30] =	vst v7;
	v6 =	vmov v11;
	s4 =	smov.u32 s10  }
0x1ef: {  	v7 =	vld [tilespmem:s4+$0x15C30];
	_ =	sdelay $0x1  }
0x1f0: {  	v2 =	vsub.f32 v2, v5  }
0x1f1: {  	v4 =	vsub.f32 v4, v6  }
0x1f2: {  	[tilespmem:s4+$0x15C00] =	vst v2;
	v1 =	vsub.f32 v3, v1  }
0x1f3: {  	[tilespmem:s4+$0x15C10] =	vst v4;
	v0 =	vsub.f32 v7, v0  }
0x1f4: {  	[tilespmem:s4+$0x15C20] =	vst v1  }
0x1f5: {  	s10 =	rddreg [dreg:$0x17];
	[tilespmem:s4+$0x15C30] =	vst v0  }
0x1f6: {  	[spmem:s10] =	stream.linear.scatter [tilespmem:s29], [sflag:$0xB], $0x2000, $0x38;
	[tilespmem:$0x1DC00] =	vst v63  }
0x1f7: {  	_ =	swait.ge [sflag:s0], $0x2000  }
0x1f8: {  	[sflag:s0] =	ssyncset.done $0x0  }
0x1f9: {  	s18 =	rddreg [dreg:$0x18];
	[sflag:s0] =	ssyncadd.s32 $0xFFFFE000  }
0x1fa: {  	[tilespmem:s29], [sflag:$0xB] =	stream.linear.gather [spmem:s18], $0x1E00, $0x38;
	[tilespmem:$0x1DC00] =	vst v63  }
0x1fb: {  	_ =	swait.ge [sflag:s0], $0x1E00  }
0x1fc: {  	[sflag:s0] =	ssyncset.done $0x0  }
0x1fd: {  	s22 =	rddreg [dreg:$0x19];
	[sflag:s0] =	ssyncadd.s32 $0xFFFFE200  }
0x1fe: {  	[tilespmem:s8], [sflag:$0xB] =	stream.linear.gather [spmem:s22], $0x1E00, $0x38;
	[tilespmem:$0x1DC00] =	vst v63  }
0x1ff: {  	_ =	swait.ge [sflag:s0], $0x1E00  }
0x200: {  	[sflag:s0] =	ssyncset.done $0x0  }
0x201: {  	s4 =	simm.s32 $0x0;
	[sflag:s0] =	ssyncadd.s32 $0xFFFFE200  }
0x202: {  	v5 =	vld [tilespmem:s4+$0x17C00]  }
0x203: {  	v6 =	vld [tilespmem:s4+$0x17C10]  }
0x204: {  	v1 =	vld [tilespmem:s4+$0x17C20]  }
0x205: {  	v0 =	vld [tilespmem:s4+$0x17C30]  }
0x206: {  	v2 =	vld [tilespmem:s4+$0x15C00]  }
0x207: {  	v4 =	vld [tilespmem:s4+$0x15C10]  }
0x208: {  	s7 =	simm.s32 $0x100;
	v3 =	vld [tilespmem:s4+$0x15C20]  }
.LBB2_13:
0x209: {  	s10 =	sshra.s32 s7, $0x2;
	p0 =	sne.s32 s7, $0x7700;
	v7 =	vld [tilespmem:s4+$0x15C30];
	v8 =	vmov v1  }
0x20a: {  	v9 =	vld [tilespmem:s10+$0x17C00];
	v10 =	vmov v0  }
0x20b: {  	v11 =	vld [tilespmem:s10+$0x17C10];
	v2 =	vsub.f32 v2, v5  }
.Ltmp6:
0x20c: {  	v1 =	vld [tilespmem:s10+$0x17C20];
	v4 =	vsub.f32 v4, v6;
	(pc) =	sbr.rel @p0 .LBB2_13-.Ltmp6, $4  }
0x20d: {  	v0 =	vld [tilespmem:s10+$0x17C30];
	[tilespmem:s4+$0x15C00] =	vst v2;
	v3 =	vsub.f32 v3, v8  }
0x20e: {  	v2 =	vld [tilespmem:s10+$0x15C00];
	[tilespmem:s4+$0x15C10] =	vst v4;
	v7 =	vsub.f32 v7, v10  }
0x20f: {  	v4 =	vld [tilespmem:s10+$0x15C10];
	[tilespmem:s4+$0x15C20] =	vst v3;
	v5 =	vmov v9  }
0x210: {  	s7 =	sadd.s32 $0x100, s7;
	v3 =	vld [tilespmem:s10+$0x15C20];
	[tilespmem:s4+$0x15C30] =	vst v7;
	v6 =	vmov v11;
	s4 =	smov.u32 s10  }
0x211: {  	v7 =	vld [tilespmem:s4+$0x15C30];
	_ =	sdelay $0x1  }
0x212: {  	v2 =	vsub.f32 v2, v5  }
0x213: {  	v4 =	vsub.f32 v4, v6  }
0x214: {  	[tilespmem:s4+$0x15C00] =	vst v2;
	v1 =	vsub.f32 v3, v1  }
0x215: {  	[tilespmem:s4+$0x15C10] =	vst v4;
	v0 =	vsub.f32 v7, v0  }
0x216: {  	[tilespmem:s4+$0x15C20] =	vst v1  }
0x217: {  	s18 =	rddreg [dreg:$0x19];
	[tilespmem:s4+$0x15C30] =	vst v0  }
0x218: {  	[spmem:s18] =	stream.linear.scatter [tilespmem:s29], [sflag:$0xB], $0x1E00, $0x38;
	[tilespmem:$0x1DC00] =	vst v63  }
0x219: {  	_ =	swait.ge [sflag:s0], $0x1E00  }
0x21a: {  	[sflag:s0] =	ssyncset.done $0x0  }
0x21b: {  	[sflag:s0] =	ssyncadd.s32 $0xFFFFE200  }
0x21c: {  	[bflag:$0x0] =	sbarrier.arrive $0xFFFF  }
0x21d: {  	s22 =	rddreg [dreg:$0x10]  }
0x21e: {  	s7 =	simm.s32 $0x0;
	s10 =	simm.s32 $0x13C00;
	s18 =	rddreg [dreg:$0xe]  }
0x21f: {  	[tilespmem:s10], [sflag:$0x1] =	stream.linear.gather [hbm4b:s22+s7], $0x800, $0x38;
	[tilespmem:$0x1DC00] =	vst v63  }
0x220: {  	s4 =	rddreg [dreg:$0x1b];
	s22 =	simm.s32 $0x14C00  }
0x221: {  	[tilespmem:s22], [sflag:$0x1] =	stream.linear.gather [hbm4b:s18+s7], $0x800, $0x38;
	[tilespmem:$0x1DC00] =	vst v63  }
0x222: {  	s18 =	rddreg [dreg:$0x11]  }
0x223: {  	[tilespmem:s11], [sflag:$0x2] =	stream.linear.gather [hbm4b:s18+s7], $0x800, $0x38;
	[tilespmem:$0x1DC00] =	vst v63  }
0x224: {  	s22 =	rddreg [dreg:$0xf]  }
0x225: {  	[tilespmem:s12], [sflag:$0x2] =	stream.linear.gather [hbm4b:s22+s7], $0x800, $0x38;
	[tilespmem:$0x1DC00] =	vst v63  }
.LBB2_15:
0x226: {  	_ =	swait.ge [sflag:s13], $0x800  }
0x227: {  	[sflag:s13] =	ssyncset.done $0x0  }
0x228: {  	[sflag:s13] =	ssyncadd.s32 $0xFFFFF800  }
0x229: {  	_ =	swait.ge [sflag:s13], $0x800  }
0x22a: {  	[sflag:s13] =	ssyncset.done $0x0  }
0x22b: {  	s10 =	simm.s32 $0x13C00;
	[sflag:s13] =	ssyncadd.s32 $0xFFFFF800  }
0x22c: {  	[tilespmem:s29], [sflag:$0x3] =	stream.indirect.gather [spmem:s2], $0x40, s10, s14, $0xb8;
	[tilespmem:$0x1DC00] =	vst v63  }
0x22d: {  	s18 =	simm.s32 $0x13C80  }
0x22e: {  	[tilespmem:s8], [sflag:$0x4] =	stream.indirect.gather [spmem:s2], $0x40, s18, s14, $0xb8;
	[tilespmem:$0x1DC00] =	vst v63  }
0x22f: {  	s22 =	simm.s32 $0x13D00  }
0x230: {  	[tilespmem:s16], [sflag:$0x5] =	stream.indirect.gather [spmem:s2], $0x40, s22, s14, $0xb8;
	[tilespmem:$0x1DC00] =	vst v63  }
0x231: {  	s18 =	simm.s32 $0x13D80  }
0x232: {  	[tilespmem:s19], [sflag:$0x6] =	stream.indirect.gather [spmem:s2], $0x40, s18, s14, $0xb8;
	[tilespmem:$0x1DC00] =	vst v63  }
0x233: {  	_ =	swait.ge [sflag:s20], $0x2000  }
0x234: {  	[sflag:s20] =	ssyncset.done $0x0  }
0x235: {  	s22 =	simm.s32 $0x14C00;
	[sflag:s20] =	ssyncadd.s32 $0xFFFFE000  }
0x236: {  	[spmem:s3] =	stream.indirect.scatter.add.f32 [tilespmem:s29], [sflag:$0x7], $0x40, s22, s14, $0xb8;
	[tilespmem:$0x1DC00] =	vst v63  }
0x237: {  	_ =	swait.ge [sflag:s21], $0x2000  }
0x238: {  	[sflag:s21] =	ssyncset.done $0x0  }
0x239: {  	s18 =	simm.s32 $0x14C80;
	[sflag:s21] =	ssyncadd.s32 $0xFFFFE000  }
0x23a: {  	[spmem:s3] =	stream.indirect.scatter.add.f32 [tilespmem:s8], [sflag:$0x8], $0x40, s18, s14, $0xb8;
	[tilespmem:$0x1DC00] =	vst v63  }
0x23b: {  	_ =	swait.ge [sflag:s23], $0x2000  }
0x23c: {  	[sflag:s23] =	ssyncset.done $0x0  }
0x23d: {  	s22 =	simm.s32 $0x14D00;
	[sflag:s23] =	ssyncadd.s32 $0xFFFFE000  }
0x23e: {  	[spmem:s3] =	stream.indirect.scatter.add.f32 [tilespmem:s16], [sflag:$0x9], $0x40, s22, s14, $0xb8;
	[tilespmem:$0x1DC00] =	vst v63  }
0x23f: {  	_ =	swait.ge [sflag:s25], $0x2000  }
0x240: {  	[sflag:s25] =	ssyncset.done $0x0  }
0x241: {  	s18 =	simm.s32 $0x14D80;
	[sflag:s25] =	ssyncadd.s32 $0xFFFFE000  }
0x242: {  	[spmem:s3] =	stream.indirect.scatter.add.f32 [tilespmem:s19], [sflag:$0xA], $0x40, s18, s14, $0xb8;
	[tilespmem:$0x1DC00] =	vst v63  }
0x243: {  	_ =	swait.ge [sflag:s28], $0x2000  }
0x244: {  	[sflag:s28] =	ssyncset.done $0x0  }
0x245: {  	[sflag:s28] =	ssyncadd.s32 $0xFFFFE000  }
0x246: {  	_ =	swait.ge [sflag:s31], $0x2000  }
0x247: {  	[sflag:s31] =	ssyncset.done $0x0  }
0x248: {  	[sflag:s31] =	ssyncadd.s32 $0xFFFFE000  }
0x249: {  	_ =	swait.ge [sflag:s6], $0x2000  }
0x24a: {  	[sflag:s6] =	ssyncset.done $0x0  }
0x24b: {  	[sflag:s6] =	ssyncadd.s32 $0xFFFFE000  }
0x24c: {  	_ =	swait.ge [sflag:s9], $0x2000  }
0x24d: {  	[sflag:s9] =	ssyncset.done $0x0  }
0x24e: {  	s22 =	simm.s32 $0x13E00;
	[sflag:s9] =	ssyncadd.s32 $0xFFFFE000  }
0x24f: {  	[tilespmem:s29], [sflag:$0x3] =	stream.indirect.gather [spmem:s2], $0x40, s22, s14, $0xb8;
	[tilespmem:$0x1DC00] =	vst v63  }
0x250: {  	s18 =	simm.s32 $0x13E80  }
0x251: {  	[tilespmem:s8], [sflag:$0x4] =	stream.indirect.gather [spmem:s2], $0x40, s18, s14, $0xb8;
	[tilespmem:$0x1DC00] =	vst v63  }
0x252: {  	s22 =	simm.s32 $0x13F00  }
0x253: {  	[tilespmem:s16], [sflag:$0x5] =	stream.indirect.gather [spmem:s2], $0x40, s22, s14, $0xb8;
	[tilespmem:$0x1DC00] =	vst v63  }
0x254: {  	s18 =	simm.s32 $0x13F80  }
0x255: {  	[tilespmem:s19], [sflag:$0x6] =	stream.indirect.gather [spmem:s2], $0x40, s18, s14, $0xb8;
	[tilespmem:$0x1DC00] =	vst v63  }
0x256: {  	_ =	swait.ge [sflag:s20], $0x2000  }
0x257: {  	[sflag:s20] =	ssyncset.done $0x0  }
0x258: {  	s22 =	simm.s32 $0x14E00;
	[sflag:s20] =	ssyncadd.s32 $0xFFFFE000  }
0x259: {  	[spmem:s3] =	stream.indirect.scatter.add.f32 [tilespmem:s29], [sflag:$0x7], $0x40, s22, s14, $0xb8;
	[tilespmem:$0x1DC00] =	vst v63  }
0x25a: {  	_ =	swait.ge [sflag:s21], $0x2000  }
0x25b: {  	[sflag:s21] =	ssyncset.done $0x0  }
0x25c: {  	s18 =	simm.s32 $0x14E80;
	[sflag:s21] =	ssyncadd.s32 $0xFFFFE000  }
0x25d: {  	[spmem:s3] =	stream.indirect.scatter.add.f32 [tilespmem:s8], [sflag:$0x8], $0x40, s18, s14, $0xb8;
	[tilespmem:$0x1DC00] =	vst v63  }
0x25e: {  	_ =	swait.ge [sflag:s23], $0x2000  }
0x25f: {  	[sflag:s23] =	ssyncset.done $0x0  }
0x260: {  	s22 =	simm.s32 $0x14F00;
	[sflag:s23] =	ssyncadd.s32 $0xFFFFE000  }
0x261: {  	[spmem:s3] =	stream.indirect.scatter.add.f32 [tilespmem:s16], [sflag:$0x9], $0x40, s22, s14, $0xb8;
	[tilespmem:$0x1DC00] =	vst v63  }
0x262: {  	_ =	swait.ge [sflag:s25], $0x2000  }
0x263: {  	[sflag:s25] =	ssyncset.done $0x0  }
0x264: {  	s18 =	simm.s32 $0x14F80;
	[sflag:s25] =	ssyncadd.s32 $0xFFFFE000  }
0x265: {  	[spmem:s3] =	stream.indirect.scatter.add.f32 [tilespmem:s19], [sflag:$0xA], $0x40, s18, s14, $0xb8;
	[tilespmem:$0x1DC00] =	vst v63  }
0x266: {  	_ =	swait.ge [sflag:s28], $0x2000  }
0x267: {  	[sflag:s28] =	ssyncset.done $0x0  }
0x268: {  	[sflag:s28] =	ssyncadd.s32 $0xFFFFE000  }
0x269: {  	_ =	swait.ge [sflag:s31], $0x2000  }
0x26a: {  	[sflag:s31] =	ssyncset.done $0x0  }
0x26b: {  	[sflag:s31] =	ssyncadd.s32 $0xFFFFE000  }
0x26c: {  	_ =	swait.ge [sflag:s6], $0x2000  }
0x26d: {  	[sflag:s6] =	ssyncset.done $0x0  }
0x26e: {  	[sflag:s6] =	ssyncadd.s32 $0xFFFFE000  }
0x26f: {  	_ =	swait.ge [sflag:s9], $0x2000  }
0x270: {  	[sflag:s9] =	ssyncset.done $0x0  }
0x271: {  	s22 =	simm.s32 $0x14000;
	[sflag:s9] =	ssyncadd.s32 $0xFFFFE000  }
0x272: {  	[tilespmem:s29], [sflag:$0x3] =	stream.indirect.gather [spmem:s2], $0x40, s22, s14, $0xb8;
	[tilespmem:$0x1DC00] =	vst v63  }
0x273: {  	s18 =	simm.s32 $0x14080  }
0x274: {  	[tilespmem:s8], [sflag:$0x4] =	stream.indirect.gather [spmem:s2], $0x40, s18, s14, $0xb8;
	[tilespmem:$0x1DC00] =	vst v63  }
0x275: {  	s22 =	simm.s32 $0x14100  }
0x276: {  	[tilespmem:s16], [sflag:$0x5] =	stream.indirect.gather [spmem:s2], $0x40, s22, s14, $0xb8;
	[tilespmem:$0x1DC00] =	vst v63  }
0x277: {  	s18 =	simm.s32 $0x14180  }
0x278: {  	[tilespmem:s19], [sflag:$0x6] =	stream.indirect.gather [spmem:s2], $0x40, s18, s14, $0xb8;
	[tilespmem:$0x1DC00] =	vst v63  }
0x279: {  	_ =	swait.ge [sflag:s20], $0x2000  }
0x27a: {  	[sflag:s20] =	ssyncset.done $0x0  }
0x27b: {  	s22 =	simm.s32 $0x15000;
	[sflag:s20] =	ssyncadd.s32 $0xFFFFE000  }
0x27c: {  	[spmem:s3] =	stream.indirect.scatter.add.f32 [tilespmem:s29], [sflag:$0x7], $0x40, s22, s14, $0xb8;
	[tilespmem:$0x1DC00] =	vst v63  }
0x27d: {  	_ =	swait.ge [sflag:s21], $0x2000  }
0x27e: {  	[sflag:s21] =	ssyncset.done $0x0  }
0x27f: {  	s18 =	simm.s32 $0x15080;
	[sflag:s21] =	ssyncadd.s32 $0xFFFFE000  }
0x280: {  	[spmem:s3] =	stream.indirect.scatter.add.f32 [tilespmem:s8], [sflag:$0x8], $0x40, s18, s14, $0xb8;
	[tilespmem:$0x1DC00] =	vst v63  }
0x281: {  	_ =	swait.ge [sflag:s23], $0x2000  }
0x282: {  	[sflag:s23] =	ssyncset.done $0x0  }
0x283: {  	s22 =	simm.s32 $0x15100;
	[sflag:s23] =	ssyncadd.s32 $0xFFFFE000  }
0x284: {  	[spmem:s3] =	stream.indirect.scatter.add.f32 [tilespmem:s16], [sflag:$0x9], $0x40, s22, s14, $0xb8;
	[tilespmem:$0x1DC00] =	vst v63  }
0x285: {  	_ =	swait.ge [sflag:s25], $0x2000  }
0x286: {  	[sflag:s25] =	ssyncset.done $0x0  }
0x287: {  	s18 =	simm.s32 $0x15180;
	[sflag:s25] =	ssyncadd.s32 $0xFFFFE000  }
0x288: {  	[spmem:s3] =	stream.indirect.scatter.add.f32 [tilespmem:s19], [sflag:$0xA], $0x40, s18, s14, $0xb8;
	[tilespmem:$0x1DC00] =	vst v63  }
0x289: {  	_ =	swait.ge [sflag:s28], $0x2000  }
0x28a: {  	[sflag:s28] =	ssyncset.done $0x0  }
0x28b: {  	[sflag:s28] =	ssyncadd.s32 $0xFFFFE000  }
0x28c: {  	_ =	swait.ge [sflag:s31], $0x2000  }
0x28d: {  	[sflag:s31] =	ssyncset.done $0x0  }
0x28e: {  	[sflag:s31] =	ssyncadd.s32 $0xFFFFE000  }
0x28f: {  	_ =	swait.ge [sflag:s6], $0x2000  }
0x290: {  	[sflag:s6] =	ssyncset.done $0x0  }
0x291: {  	[sflag:s6] =	ssyncadd.s32 $0xFFFFE000  }
0x292: {  	_ =	swait.ge [sflag:s9], $0x2000  }
0x293: {  	[sflag:s9] =	ssyncset.done $0x0  }
0x294: {  	s22 =	simm.s32 $0x14200;
	[sflag:s9] =	ssyncadd.s32 $0xFFFFE000  }
0x295: {  	[tilespmem:s29], [sflag:$0x3] =	stream.indirect.gather [spmem:s2], $0x40, s22, s14, $0xb8;
	[tilespmem:$0x1DC00] =	vst v63  }
0x296: {  	s18 =	simm.s32 $0x14280  }
0x297: {  	[tilespmem:s8], [sflag:$0x4] =	stream.indirect.gather [spmem:s2], $0x40, s18, s14, $0xb8;
	[tilespmem:$0x1DC00] =	vst v63  }
0x298: {  	s22 =	simm.s32 $0x14300  }
0x299: {  	[tilespmem:s16], [sflag:$0x5] =	stream.indirect.gather [spmem:s2], $0x40, s22, s14, $0xb8;
	[tilespmem:$0x1DC00] =	vst v63  }
0x29a: {  	s18 =	simm.s32 $0x14380  }
0x29b: {  	[tilespmem:s19], [sflag:$0x6] =	stream.indirect.gather [spmem:s2], $0x40, s18, s14, $0xb8;
	[tilespmem:$0x1DC00] =	vst v63  }
0x29c: {  	_ =	swait.ge [sflag:s20], $0x2000  }
0x29d: {  	[sflag:s20] =	ssyncset.done $0x0  }
0x29e: {  	s22 =	simm.s32 $0x15200;
	[sflag:s20] =	ssyncadd.s32 $0xFFFFE000  }
0x29f: {  	[spmem:s3] =	stream.indirect.scatter.add.f32 [tilespmem:s29], [sflag:$0x7], $0x40, s22, s14, $0xb8;
	[tilespmem:$0x1DC00] =	vst v63  }
0x2a0: {  	_ =	swait.ge [sflag:s21], $0x2000  }
0x2a1: {  	[sflag:s21] =	ssyncset.done $0x0  }
0x2a2: {  	s18 =	simm.s32 $0x15280;
	[sflag:s21] =	ssyncadd.s32 $0xFFFFE000  }
0x2a3: {  	[spmem:s3] =	stream.indirect.scatter.add.f32 [tilespmem:s8], [sflag:$0x8], $0x40, s18, s14, $0xb8;
	[tilespmem:$0x1DC00] =	vst v63  }
0x2a4: {  	_ =	swait.ge [sflag:s23], $0x2000  }
0x2a5: {  	[sflag:s23] =	ssyncset.done $0x0  }
0x2a6: {  	s22 =	simm.s32 $0x15300;
	[sflag:s23] =	ssyncadd.s32 $0xFFFFE000  }
0x2a7: {  	[spmem:s3] =	stream.indirect.scatter.add.f32 [tilespmem:s16], [sflag:$0x9], $0x40, s22, s14, $0xb8;
	[tilespmem:$0x1DC00] =	vst v63  }
0x2a8: {  	_ =	swait.ge [sflag:s25], $0x2000  }
0x2a9: {  	[sflag:s25] =	ssyncset.done $0x0  }
0x2aa: {  	s18 =	simm.s32 $0x15380;
	[sflag:s25] =	ssyncadd.s32 $0xFFFFE000  }
0x2ab: {  	[spmem:s3] =	stream.indirect.scatter.add.f32 [tilespmem:s19], [sflag:$0xA], $0x40, s18, s14, $0xb8;
	[tilespmem:$0x1DC00] =	vst v63  }
0x2ac: {  	_ =	swait.ge [sflag:s28], $0x2000  }
0x2ad: {  	[sflag:s28] =	ssyncset.done $0x0  }
0x2ae: {  	[sflag:s28] =	ssyncadd.s32 $0xFFFFE000  }
0x2af: {  	_ =	swait.ge [sflag:s31], $0x2000  }
0x2b0: {  	[sflag:s31] =	ssyncset.done $0x0  }
0x2b1: {  	[sflag:s31] =	ssyncadd.s32 $0xFFFFE000  }
0x2b2: {  	_ =	swait.ge [sflag:s6], $0x2000  }
0x2b3: {  	[sflag:s6] =	ssyncset.done $0x0  }
0x2b4: {  	[sflag:s6] =	ssyncadd.s32 $0xFFFFE000  }
0x2b5: {  	_ =	swait.ge [sflag:s9], $0x2000  }
0x2b6: {  	[sflag:s9] =	ssyncset.done $0x0  }
0x2b7: {  	p0 =	seq.s32 s7, $0x800;
	[sflag:s9] =	ssyncadd.s32 $0xFFFFE000  }
0x2b8: {  	s10 =	sshrl.u32 @!p0 s4, $0x3;
	s18 =	rddreg [dreg:$0x1]  }
0x2b9: {  	s22 =	simm.s32 @!p0 $0x13C00;
	s10 =	sadd.s32 @!p0 s18, s10;
	s18 =	simm.s32 @!p0 $0x0  }
0x2ba: {  	[tilespmem:s22], [sflag:$0x1] =	stream.linear.gather @!p0 [hbm4b:s10+s18], $0x800, $0x38;
	[tilespmem:$0x1DC00] =	vst v63  }
0x2bb: {  	s10 =	sadd.s32 @!p0 s7, s17  }
0x2bc: {  	s22 =	simm.s32 @!p0 $0x14C00;
	s10 =	sadd.s32 @!p0 $0x200, s10  }
0x2bd: {  	[tilespmem:s22], [sflag:$0x1] =	stream.linear.gather @!p0 [hbm4b:s10+s18], $0x800, $0x38;
	[tilespmem:$0x1DC00] =	vst v63  }
0x2be: {  	_ =	swait.ge [sflag:s15], $0x800  }
0x2bf: {  	[sflag:s15] =	ssyncset.done $0x0  }
0x2c0: {  	[sflag:s15] =	ssyncadd.s32 $0xFFFFF800  }
0x2c1: {  	_ =	swait.ge [sflag:s15], $0x800  }
0x2c2: {  	[sflag:s15] =	ssyncset.done $0x0  }
0x2c3: {  	[sflag:s15] =	ssyncadd.s32 $0xFFFFF800  }
0x2c4: {  	[tilespmem:s29], [sflag:$0x3] =	stream.indirect.gather [spmem:s2], $0x40, s11, s14, $0xb8;
	[tilespmem:$0x1DC00] =	vst v63  }
0x2c5: {  	s22 =	simm.s32 $0x14480  }
0x2c6: {  	[tilespmem:s8], [sflag:$0x4] =	stream.indirect.gather [spmem:s2], $0x40, s22, s14, $0xb8;
	[tilespmem:$0x1DC00] =	vst v63  }
0x2c7: {  	s18 =	simm.s32 $0x14500  }
0x2c8: {  	[tilespmem:s16], [sflag:$0x5] =	stream.indirect.gather [spmem:s2], $0x40, s18, s14, $0xb8;
	[tilespmem:$0x1DC00] =	vst v63  }
0x2c9: {  	s22 =	simm.s32 $0x14580  }
0x2ca: {  	[tilespmem:s19], [sflag:$0x6] =	stream.indirect.gather [spmem:s2], $0x40, s22, s14, $0xb8;
	[tilespmem:$0x1DC00] =	vst v63  }
0x2cb: {  	_ =	swait.ge [sflag:s20], $0x2000  }
0x2cc: {  	[sflag:s20] =	ssyncset.done $0x0  }
0x2cd: {  	[sflag:s20] =	ssyncadd.s32 $0xFFFFE000  }
0x2ce: {  	[spmem:s3] =	stream.indirect.scatter.add.f32 [tilespmem:s29], [sflag:$0x7], $0x40, s12, s14, $0xb8;
	[tilespmem:$0x1DC00] =	vst v63  }
0x2cf: {  	_ =	swait.ge [sflag:s21], $0x2000  }
0x2d0: {  	[sflag:s21] =	ssyncset.done $0x0  }
0x2d1: {  	s18 =	simm.s32 $0x15480;
	[sflag:s21] =	ssyncadd.s32 $0xFFFFE000  }
0x2d2: {  	[spmem:s3] =	stream.indirect.scatter.add.f32 [tilespmem:s8], [sflag:$0x8], $0x40, s18, s14, $0xb8;
	[tilespmem:$0x1DC00] =	vst v63  }
0x2d3: {  	_ =	swait.ge [sflag:s23], $0x2000  }
0x2d4: {  	[sflag:s23] =	ssyncset.done $0x0  }
0x2d5: {  	s22 =	simm.s32 $0x15500;
	[sflag:s23] =	ssyncadd.s32 $0xFFFFE000  }
0x2d6: {  	[spmem:s3] =	stream.indirect.scatter.add.f32 [tilespmem:s16], [sflag:$0x9], $0x40, s22, s14, $0xb8;
	[tilespmem:$0x1DC00] =	vst v63  }
0x2d7: {  	_ =	swait.ge [sflag:s25], $0x2000  }
0x2d8: {  	[sflag:s25] =	ssyncset.done $0x0  }
0x2d9: {  	s18 =	simm.s32 $0x15580;
	[sflag:s25] =	ssyncadd.s32 $0xFFFFE000  }
0x2da: {  	[spmem:s3] =	stream.indirect.scatter.add.f32 [tilespmem:s19], [sflag:$0xA], $0x40, s18, s14, $0xb8;
	[tilespmem:$0x1DC00] =	vst v63  }
0x2db: {  	_ =	swait.ge [sflag:s28], $0x2000  }
0x2dc: {  	[sflag:s28] =	ssyncset.done $0x0  }
0x2dd: {  	[sflag:s28] =	ssyncadd.s32 $0xFFFFE000  }
0x2de: {  	_ =	swait.ge [sflag:s31], $0x2000  }
0x2df: {  	[sflag:s31] =	ssyncset.done $0x0  }
0x2e0: {  	[sflag:s31] =	ssyncadd.s32 $0xFFFFE000  }
0x2e1: {  	_ =	swait.ge [sflag:s6], $0x2000  }
0x2e2: {  	[sflag:s6] =	ssyncset.done $0x0  }
0x2e3: {  	[sflag:s6] =	ssyncadd.s32 $0xFFFFE000  }
0x2e4: {  	_ =	swait.ge [sflag:s9], $0x2000  }
0x2e5: {  	[sflag:s9] =	ssyncset.done $0x0  }
0x2e6: {  	s22 =	simm.s32 $0x14600;
	[sflag:s9] =	ssyncadd.s32 $0xFFFFE000  }
0x2e7: {  	[tilespmem:s29], [sflag:$0x3] =	stream.indirect.gather [spmem:s2], $0x40, s22, s14, $0xb8;
	[tilespmem:$0x1DC00] =	vst v63  }
0x2e8: {  	s18 =	simm.s32 $0x14680  }
0x2e9: {  	[tilespmem:s8], [sflag:$0x4] =	stream.indirect.gather [spmem:s2], $0x40, s18, s14, $0xb8;
	[tilespmem:$0x1DC00] =	vst v63  }
0x2ea: {  	s22 =	simm.s32 $0x14700  }
0x2eb: {  	[tilespmem:s16], [sflag:$0x5] =	stream.indirect.gather [spmem:s2], $0x40, s22, s14, $0xb8;
	[tilespmem:$0x1DC00] =	vst v63  }
0x2ec: {  	s18 =	simm.s32 $0x14780  }
0x2ed: {  	[tilespmem:s19], [sflag:$0x6] =	stream.indirect.gather [spmem:s2], $0x40, s18, s14, $0xb8;
	[tilespmem:$0x1DC00] =	vst v63  }
0x2ee: {  	_ =	swait.ge [sflag:s20], $0x2000  }
0x2ef: {  	[sflag:s20] =	ssyncset.done $0x0  }
0x2f0: {  	s22 =	simm.s32 $0x15600;
	[sflag:s20] =	ssyncadd.s32 $0xFFFFE000  }
0x2f1: {  	[spmem:s3] =	stream.indirect.scatter.add.f32 [tilespmem:s29], [sflag:$0x7], $0x40, s22, s14, $0xb8;
	[tilespmem:$0x1DC00] =	vst v63  }
0x2f2: {  	_ =	swait.ge [sflag:s21], $0x2000  }
0x2f3: {  	[sflag:s21] =	ssyncset.done $0x0  }
0x2f4: {  	s18 =	simm.s32 $0x15680;
	[sflag:s21] =	ssyncadd.s32 $0xFFFFE000  }
0x2f5: {  	[spmem:s3] =	stream.indirect.scatter.add.f32 [tilespmem:s8], [sflag:$0x8], $0x40, s18, s14, $0xb8;
	[tilespmem:$0x1DC00] =	vst v63  }
0x2f6: {  	_ =	swait.ge [sflag:s23], $0x2000  }
0x2f7: {  	[sflag:s23] =	ssyncset.done $0x0  }
0x2f8: {  	s22 =	simm.s32 $0x15700;
	[sflag:s23] =	ssyncadd.s32 $0xFFFFE000  }
0x2f9: {  	[spmem:s3] =	stream.indirect.scatter.add.f32 [tilespmem:s16], [sflag:$0x9], $0x40, s22, s14, $0xb8;
	[tilespmem:$0x1DC00] =	vst v63  }
0x2fa: {  	_ =	swait.ge [sflag:s25], $0x2000  }
0x2fb: {  	[sflag:s25] =	ssyncset.done $0x0  }
0x2fc: {  	s18 =	simm.s32 $0x15780;
	[sflag:s25] =	ssyncadd.s32 $0xFFFFE000  }
0x2fd: {  	[spmem:s3] =	stream.indirect.scatter.add.f32 [tilespmem:s19], [sflag:$0xA], $0x40, s18, s14, $0xb8;
	[tilespmem:$0x1DC00] =	vst v63  }
0x2fe: {  	_ =	swait.ge [sflag:s28], $0x2000  }
0x2ff: {  	[sflag:s28] =	ssyncset.done $0x0  }
0x300: {  	[sflag:s28] =	ssyncadd.s32 $0xFFFFE000  }
0x301: {  	_ =	swait.ge [sflag:s31], $0x2000  }
0x302: {  	[sflag:s31] =	ssyncset.done $0x0  }
0x303: {  	[sflag:s31] =	ssyncadd.s32 $0xFFFFE000  }
0x304: {  	_ =	swait.ge [sflag:s6], $0x2000  }
0x305: {  	[sflag:s6] =	ssyncset.done $0x0  }
0x306: {  	[sflag:s6] =	ssyncadd.s32 $0xFFFFE000  }
0x307: {  	_ =	swait.ge [sflag:s9], $0x2000  }
0x308: {  	[sflag:s9] =	ssyncset.done $0x0  }
0x309: {  	s22 =	simm.s32 $0x14800;
	[sflag:s9] =	ssyncadd.s32 $0xFFFFE000  }
0x30a: {  	[tilespmem:s29], [sflag:$0x3] =	stream.indirect.gather [spmem:s2], $0x40, s22, s14, $0xb8;
	[tilespmem:$0x1DC00] =	vst v63  }
0x30b: {  	s18 =	simm.s32 $0x14880  }
0x30c: {  	[tilespmem:s8], [sflag:$0x4] =	stream.indirect.gather [spmem:s2], $0x40, s18, s14, $0xb8;
	[tilespmem:$0x1DC00] =	vst v63  }
0x30d: {  	s22 =	simm.s32 $0x14900  }
0x30e: {  	[tilespmem:s16], [sflag:$0x5] =	stream.indirect.gather [spmem:s2], $0x40, s22, s14, $0xb8;
	[tilespmem:$0x1DC00] =	vst v63  }
0x30f: {  	s18 =	simm.s32 $0x14980  }
0x310: {  	[tilespmem:s19], [sflag:$0x6] =	stream.indirect.gather [spmem:s2], $0x40, s18, s14, $0xb8;
	[tilespmem:$0x1DC00] =	vst v63  }
0x311: {  	_ =	swait.ge [sflag:s20], $0x2000  }
0x312: {  	[sflag:s20] =	ssyncset.done $0x0  }
0x313: {  	s22 =	simm.s32 $0x15800;
	[sflag:s20] =	ssyncadd.s32 $0xFFFFE000  }
0x314: {  	[spmem:s3] =	stream.indirect.scatter.add.f32 [tilespmem:s29], [sflag:$0x7], $0x40, s22, s14, $0xb8;
	[tilespmem:$0x1DC00] =	vst v63  }
0x315: {  	_ =	swait.ge [sflag:s21], $0x2000  }
0x316: {  	[sflag:s21] =	ssyncset.done $0x0  }
0x317: {  	s18 =	simm.s32 $0x15880;
	[sflag:s21] =	ssyncadd.s32 $0xFFFFE000  }
0x318: {  	[spmem:s3] =	stream.indirect.scatter.add.f32 [tilespmem:s8], [sflag:$0x8], $0x40, s18, s14, $0xb8;
	[tilespmem:$0x1DC00] =	vst v63  }
0x319: {  	_ =	swait.ge [sflag:s23], $0x2000  }
0x31a: {  	[sflag:s23] =	ssyncset.done $0x0  }
0x31b: {  	s22 =	simm.s32 $0x15900;
	[sflag:s23] =	ssyncadd.s32 $0xFFFFE000  }
0x31c: {  	[spmem:s3] =	stream.indirect.scatter.add.f32 [tilespmem:s16], [sflag:$0x9], $0x40, s22, s14, $0xb8;
	[tilespmem:$0x1DC00] =	vst v63  }
0x31d: {  	_ =	swait.ge [sflag:s25], $0x2000  }
0x31e: {  	[sflag:s25] =	ssyncset.done $0x0  }
0x31f: {  	s18 =	simm.s32 $0x15980;
	[sflag:s25] =	ssyncadd.s32 $0xFFFFE000  }
0x320: {  	[spmem:s3] =	stream.indirect.scatter.add.f32 [tilespmem:s19], [sflag:$0xA], $0x40, s18, s14, $0xb8;
	[tilespmem:$0x1DC00] =	vst v63  }
0x321: {  	_ =	swait.ge [sflag:s28], $0x2000  }
0x322: {  	[sflag:s28] =	ssyncset.done $0x0  }
0x323: {  	[sflag:s28] =	ssyncadd.s32 $0xFFFFE000  }
0x324: {  	_ =	swait.ge [sflag:s31], $0x2000  }
0x325: {  	[sflag:s31] =	ssyncset.done $0x0  }
0x326: {  	[sflag:s31] =	ssyncadd.s32 $0xFFFFE000  }
0x327: {  	_ =	swait.ge [sflag:s6], $0x2000  }
0x328: {  	[sflag:s6] =	ssyncset.done $0x0  }
0x329: {  	[sflag:s6] =	ssyncadd.s32 $0xFFFFE000  }
0x32a: {  	_ =	swait.ge [sflag:s9], $0x2000  }
0x32b: {  	[sflag:s9] =	ssyncset.done $0x0  }
0x32c: {  	s22 =	simm.s32 $0x14A00;
	[sflag:s9] =	ssyncadd.s32 $0xFFFFE000  }
0x32d: {  	[tilespmem:s29], [sflag:$0x3] =	stream.indirect.gather [spmem:s2], $0x40, s22, s14, $0xb8;
	[tilespmem:$0x1DC00] =	vst v63  }
0x32e: {  	s18 =	simm.s32 $0x14A80  }
0x32f: {  	[tilespmem:s8], [sflag:$0x4] =	stream.indirect.gather [spmem:s2], $0x40, s18, s14, $0xb8;
	[tilespmem:$0x1DC00] =	vst v63  }
0x330: {  	s22 =	simm.s32 $0x14B00  }
0x331: {  	[tilespmem:s16], [sflag:$0x5] =	stream.indirect.gather [spmem:s2], $0x40, s22, s14, $0xb8;
	[tilespmem:$0x1DC00] =	vst v63  }
0x332: {  	s18 =	simm.s32 $0x14B80  }
0x333: {  	[tilespmem:s19], [sflag:$0x6] =	stream.indirect.gather [spmem:s2], $0x40, s18, s14, $0xb8;
	[tilespmem:$0x1DC00] =	vst v63  }
0x334: {  	_ =	swait.ge [sflag:s20], $0x2000  }
0x335: {  	[sflag:s20] =	ssyncset.done $0x0  }
0x336: {  	s22 =	simm.s32 $0x15A00;
	[sflag:s20] =	ssyncadd.s32 $0xFFFFE000  }
0x337: {  	[spmem:s3] =	stream.indirect.scatter.add.f32 [tilespmem:s29], [sflag:$0x7], $0x40, s22, s14, $0xb8;
	[tilespmem:$0x1DC00] =	vst v63  }
0x338: {  	_ =	swait.ge [sflag:s21], $0x2000  }
0x339: {  	[sflag:s21] =	ssyncset.done $0x0  }
0x33a: {  	[sflag:s21] =	ssyncadd.s32 $0xFFFFE000  }
0x33b: {  	[spmem:s3] =	stream.indirect.scatter.add.f32 [tilespmem:s8], [sflag:$0x8], $0x40, s24, s14, $0xb8;
	[tilespmem:$0x1DC00] =	vst v63  }
0x33c: {  	_ =	swait.ge [sflag:s23], $0x2000  }
0x33d: {  	[sflag:s23] =	ssyncset.done $0x0  }
0x33e: {  	[sflag:s23] =	ssyncadd.s32 $0xFFFFE000  }
0x33f: {  	[spmem:s3] =	stream.indirect.scatter.add.f32 [tilespmem:s16], [sflag:$0x9], $0x40, s26, s14, $0xb8;
	[tilespmem:$0x1DC00] =	vst v63  }
0x340: {  	_ =	swait.ge [sflag:s25], $0x2000  }
0x341: {  	[sflag:s25] =	ssyncset.done $0x0  }
0x342: {  	[sflag:s25] =	ssyncadd.s32 $0xFFFFE000  }
0x343: {  	[spmem:s3] =	stream.indirect.scatter.add.f32 [tilespmem:s19], [sflag:$0xA], $0x40, s1, s14, $0xb8;
	[tilespmem:$0x1DC00] =	vst v63  }
0x344: {  	_ =	swait.ge [sflag:s28], $0x2000  }
0x345: {  	[sflag:s28] =	ssyncset.done $0x0  }
0x346: {  	[sflag:s28] =	ssyncadd.s32 $0xFFFFE000  }
0x347: {  	_ =	swait.ge [sflag:s31], $0x2000  }
0x348: {  	[sflag:s31] =	ssyncset.done $0x0  }
0x349: {  	[sflag:s31] =	ssyncadd.s32 $0xFFFFE000  }
0x34a: {  	_ =	swait.ge [sflag:s6], $0x2000  }
.Ltmp7:
0x34b: {  	[sflag:s6] =	ssyncset.done $0x0;
	(pc) =	sbr.rel @p0 .LBB2_17-.Ltmp7, $4  }
0x34c: {  	[sflag:s6] =	ssyncadd.s32 $0xFFFFE000  }
0x34d: {  	_ =	swait.ge [sflag:s9], $0x2000  }
0x34e: {  	[sflag:s9] =	ssyncset.done $0x0  }
0x34f: {  	[sflag:s9] =	ssyncadd.s32 $0xFFFFE000  }
.Ltmp8:
0x350: {  	(pc) =	sbr.rel .LBB2_15-.Ltmp8, $4  }
0x351: {  	s10 =	sadd.s32 s7, s30;
	s22 =	sadd.s32 s7, s17  }
0x352: {  	[tilespmem:s11], [sflag:$0x2] =	stream.linear.gather [hbm4b:s10+s5], $0x800, $0x38;
	[tilespmem:$0x1DC00] =	vst v63  }
0x353: {  	s7 =	sadd.s32 $0x200, s7;
	s4 =	sadd.s32 $0x1000, s4;
	s10 =	sadd.s32 $0x300, s22  }
0x354: {  	[tilespmem:s12], [sflag:$0x2] =	stream.linear.gather [hbm4b:s10+s5], $0x800, $0x38;
	[tilespmem:$0x1DC00] =	vst v63  }
.LBB2_17:
0x355: {  	[bflag:$0x0] =	sbarrier.arrive $0xFFFF  }
0x356: {  	s4 =	rddreg [dreg:$0x8]  }
0x357: {  	[tilespmem:s29], [sflag:$0xB] =	stream.linear.gather [spmem:s4], $0x2000, $0x38;
	[tilespmem:$0x1DC00] =	vst v63  }
0x358: {  	_ =	swait.ge [sflag:s0], $0x2000  }
0x359: {  	[sflag:s0] =	ssyncset.done $0x0  }
0x35a: {  	s4 =	simm.s32 $0x0;
	[sflag:s0] =	ssyncadd.s32 $0xFFFFE000  }
0x35b: {  	v0 =	vld [tilespmem:s4+$0x15C00]  }
0x35c: {  	v2 =	vld [tilespmem:s4+$0x15C10]  }
0x35d: {  	s7 =	simm.s32 $0x100;
	v1 =	vld [tilespmem:s4+$0x15C20]  }
.LBB2_18:
0x35e: {  	p0 =	sne.s32 s7, $0x7F00;
	v3 =	vld [tilespmem:s4+$0x15C30];
	_ =	sdelay $0x1  }
0x35f: {  	v0 =	vmul.f32 $3.333333430e-01, v0  }
.Ltmp9:
0x360: {  	v2 =	vmul.f32 $3.333333430e-01, v2;
	(pc) =	sbr.rel @p0 .LBB2_18-.Ltmp9, $4  }
0x361: {  	s10 =	sshra.s32 s7, $0x2;
	[tilespmem:s4+$0x15C00] =	vst v0;
	v1 =	vmul.f32 $3.333333430e-01, v1  }
0x362: {  	v0 =	vld [tilespmem:s10+$0x15C00];
	[tilespmem:s4+$0x15C10] =	vst v2;
	v3 =	vmul.f32 $3.333333430e-01, v3  }
0x363: {  	v2 =	vld [tilespmem:s10+$0x15C10];
	[tilespmem:s4+$0x15C20] =	vst v1  }
0x364: {  	s7 =	sadd.s32 $0x100, s7;
	v1 =	vld [tilespmem:s10+$0x15C20];
	[tilespmem:s4+$0x15C30] =	vst v3;
	s4 =	smov.u32 s10  }
0x365: {  	v3 =	vld [tilespmem:s4+$0x15C30];
	_ =	sdelay $0x1  }
0x366: {  	v0 =	vmul.f32 $3.333333430e-01, v0  }
0x367: {  	v2 =	vmul.f32 $3.333333430e-01, v2  }
0x368: {  	[tilespmem:s4+$0x15C00] =	vst v0;
	v0 =	vmul.f32 $3.333333430e-01, v1  }
0x369: {  	[tilespmem:s4+$0x15C10] =	vst v2;
	v1 =	vmul.f32 $3.333333430e-01, v3  }
0x36a: {  	[tilespmem:s4+$0x15C20] =	vst v0  }
0x36b: {  	s18 =	simm.s32 $0x0;
	s7 =	rddreg [dreg:$0x9];
	[tilespmem:s4+$0x15C30] =	vst v1  }
0x36c: {  	[hbm4b:s7+s18] =	stream.linear.scatter [tilespmem:s29], [sflag:$0xB], $0x2000, $0x38;
	[tilespmem:$0x1DC00] =	vst v63  }
0x36d: {  	_ =	swait.ge [sflag:s0], $0x2000  }
0x36e: {  	[sflag:s0] =	ssyncset.done $0x0  }
0x36f: {  	s22 =	rddreg [dreg:$0x12];
	[sflag:s0] =	ssyncadd.s32 $0xFFFFE000  }
0x370: {  	[tilespmem:s29], [sflag:$0xB] =	stream.linear.gather [spmem:s22], $0x2000, $0x38;
	[tilespmem:$0x1DC00] =	vst v63  }
0x371: {  	_ =	swait.ge [sflag:s0], $0x2000  }
0x372: {  	[sflag:s0] =	ssyncset.done $0x0  }
0x373: {  	s4 =	simm.s32 $0x0;
	[sflag:s0] =	ssyncadd.s32 $0xFFFFE000  }
0x374: {  	v0 =	vld [tilespmem:s4+$0x15C00]  }
0x375: {  	v2 =	vld [tilespmem:s4+$0x15C10]  }
0x376: {  	s7 =	simm.s32 $0x100;
	v1 =	vld [tilespmem:s4+$0x15C20]  }
.LBB2_20:
0x377: {  	p0 =	sne.s32 s7, $0x7F00;
	v3 =	vld [tilespmem:s4+$0x15C30];
	_ =	sdelay $0x1  }
0x378: {  	v0 =	vmul.f32 $3.333333430e-01, v0  }
.Ltmp10:
0x379: {  	v2 =	vmul.f32 $3.333333430e-01, v2;
	(pc) =	sbr.rel @p0 .LBB2_20-.Ltmp10, $4  }
0x37a: {  	s10 =	sshra.s32 s7, $0x2;
	[tilespmem:s4+$0x15C00] =	vst v0;
	v1 =	vmul.f32 $3.333333430e-01, v1  }
0x37b: {  	v0 =	vld [tilespmem:s10+$0x15C00];
	[tilespmem:s4+$0x15C10] =	vst v2;
	v3 =	vmul.f32 $3.333333430e-01, v3  }
0x37c: {  	v2 =	vld [tilespmem:s10+$0x15C10];
	[tilespmem:s4+$0x15C20] =	vst v1  }
0x37d: {  	s7 =	sadd.s32 $0x100, s7;
	v1 =	vld [tilespmem:s10+$0x15C20];
	[tilespmem:s4+$0x15C30] =	vst v3;
	s4 =	smov.u32 s10  }
0x37e: {  	v3 =	vld [tilespmem:s4+$0x15C30];
	_ =	sdelay $0x1  }
0x37f: {  	v0 =	vmul.f32 $3.333333430e-01, v0  }
0x380: {  	v2 =	vmul.f32 $3.333333430e-01, v2  }
0x381: {  	[tilespmem:s4+$0x15C00] =	vst v0;
	v0 =	vmul.f32 $3.333333430e-01, v1  }
0x382: {  	[tilespmem:s4+$0x15C10] =	vst v2;
	v1 =	vmul.f32 $3.333333430e-01, v3  }
0x383: {  	[tilespmem:s4+$0x15C20] =	vst v0  }
0x384: {  	s18 =	simm.s32 $0x0;
	s7 =	rddreg [dreg:$0xa];
	[tilespmem:s4+$0x15C30] =	vst v1  }
0x385: {  	[hbm4b:s7+s18] =	stream.linear.scatter [tilespmem:s29], [sflag:$0xB], $0x2000, $0x38;
	[tilespmem:$0x1DC00] =	vst v63  }
0x386: {  	_ =	swait.ge [sflag:s0], $0x2000  }
0x387: {  	[sflag:s0] =	ssyncset.done $0x0  }
0x388: {  	s22 =	rddreg [dreg:$0x14];
	[sflag:s0] =	ssyncadd.s32 $0xFFFFE000  }
0x389: {  	[tilespmem:s29], [sflag:$0xB] =	stream.linear.gather [spmem:s22], $0x2000, $0x38;
	[tilespmem:$0x1DC00] =	vst v63  }
0x38a: {  	_ =	swait.ge [sflag:s0], $0x2000  }
0x38b: {  	[sflag:s0] =	ssyncset.done $0x0  }
0x38c: {  	s4 =	simm.s32 $0x0;
	[sflag:s0] =	ssyncadd.s32 $0xFFFFE000  }
0x38d: {  	v0 =	vld [tilespmem:s4+$0x15C00]  }
0x38e: {  	v2 =	vld [tilespmem:s4+$0x15C10]  }
0x38f: {  	s7 =	simm.s32 $0x100;
	v1 =	vld [tilespmem:s4+$0x15C20]  }
.LBB2_22:
0x390: {  	p0 =	sne.s32 s7, $0x7F00;
	v3 =	vld [tilespmem:s4+$0x15C30];
	_ =	sdelay $0x1  }
0x391: {  	v0 =	vmul.f32 $3.333333430e-01, v0  }
.Ltmp11:
0x392: {  	v2 =	vmul.f32 $3.333333430e-01, v2;
	(pc) =	sbr.rel @p0 .LBB2_22-.Ltmp11, $4  }
0x393: {  	s10 =	sshra.s32 s7, $0x2;
	[tilespmem:s4+$0x15C00] =	vst v0;
	v1 =	vmul.f32 $3.333333430e-01, v1  }
0x394: {  	v0 =	vld [tilespmem:s10+$0x15C00];
	[tilespmem:s4+$0x15C10] =	vst v2;
	v3 =	vmul.f32 $3.333333430e-01, v3  }
0x395: {  	v2 =	vld [tilespmem:s10+$0x15C10];
	[tilespmem:s4+$0x15C20] =	vst v1  }
0x396: {  	s7 =	sadd.s32 $0x100, s7;
	v1 =	vld [tilespmem:s10+$0x15C20];
	[tilespmem:s4+$0x15C30] =	vst v3;
	s4 =	smov.u32 s10  }
0x397: {  	v3 =	vld [tilespmem:s4+$0x15C30];
	_ =	sdelay $0x1  }
0x398: {  	v0 =	vmul.f32 $3.333333430e-01, v0  }
0x399: {  	v2 =	vmul.f32 $3.333333430e-01, v2  }
0x39a: {  	[tilespmem:s4+$0x15C00] =	vst v0;
	v0 =	vmul.f32 $3.333333430e-01, v1  }
0x39b: {  	[tilespmem:s4+$0x15C10] =	vst v2;
	v1 =	vmul.f32 $3.333333430e-01, v3  }
0x39c: {  	[tilespmem:s4+$0x15C20] =	vst v0  }
0x39d: {  	s18 =	simm.s32 $0x0;
	s7 =	rddreg [dreg:$0xb];
	[tilespmem:s4+$0x15C30] =	vst v1  }
0x39e: {  	[hbm4b:s7+s18] =	stream.linear.scatter [tilespmem:s29], [sflag:$0xB], $0x2000, $0x38;
	[tilespmem:$0x1DC00] =	vst v63  }
0x39f: {  	_ =	swait.ge [sflag:s0], $0x2000  }
0x3a0: {  	[sflag:s0] =	ssyncset.done $0x0  }
0x3a1: {  	s22 =	rddreg [dreg:$0x16];
	[sflag:s0] =	ssyncadd.s32 $0xFFFFE000  }
0x3a2: {  	[tilespmem:s29], [sflag:$0xB] =	stream.linear.gather [spmem:s22], $0x2000, $0x38;
	[tilespmem:$0x1DC00] =	vst v63  }
0x3a3: {  	_ =	swait.ge [sflag:s0], $0x2000  }
0x3a4: {  	[sflag:s0] =	ssyncset.done $0x0  }
0x3a5: {  	s4 =	simm.s32 $0x0;
	[sflag:s0] =	ssyncadd.s32 $0xFFFFE000  }
0x3a6: {  	v0 =	vld [tilespmem:s4+$0x15C00]  }
0x3a7: {  	v2 =	vld [tilespmem:s4+$0x15C10]  }
0x3a8: {  	s7 =	simm.s32 $0x100;
	v1 =	vld [tilespmem:s4+$0x15C20]  }
.LBB2_24:
0x3a9: {  	p0 =	sne.s32 s7, $0x7F00;
	v3 =	vld [tilespmem:s4+$0x15C30];
	_ =	sdelay $0x1  }
0x3aa: {  	v0 =	vmul.f32 $3.333333430e-01, v0  }
.Ltmp12:
0x3ab: {  	v2 =	vmul.f32 $3.333333430e-01, v2;
	(pc) =	sbr.rel @p0 .LBB2_24-.Ltmp12, $4  }
0x3ac: {  	s10 =	sshra.s32 s7, $0x2;
	[tilespmem:s4+$0x15C00] =	vst v0;
	v1 =	vmul.f32 $3.333333430e-01, v1  }
0x3ad: {  	v0 =	vld [tilespmem:s10+$0x15C00];
	[tilespmem:s4+$0x15C10] =	vst v2;
	v3 =	vmul.f32 $3.333333430e-01, v3  }
0x3ae: {  	v2 =	vld [tilespmem:s10+$0x15C10];
	[tilespmem:s4+$0x15C20] =	vst v1  }
0x3af: {  	s7 =	sadd.s32 $0x100, s7;
	v1 =	vld [tilespmem:s10+$0x15C20];
	[tilespmem:s4+$0x15C30] =	vst v3;
	s4 =	smov.u32 s10  }
0x3b0: {  	v3 =	vld [tilespmem:s4+$0x15C30];
	_ =	sdelay $0x1  }
0x3b1: {  	v0 =	vmul.f32 $3.333333430e-01, v0  }
0x3b2: {  	v2 =	vmul.f32 $3.333333430e-01, v2  }
0x3b3: {  	[tilespmem:s4+$0x15C00] =	vst v0;
	v0 =	vmul.f32 $3.333333430e-01, v1  }
0x3b4: {  	[tilespmem:s4+$0x15C10] =	vst v2;
	v1 =	vmul.f32 $3.333333430e-01, v3  }
0x3b5: {  	[tilespmem:s4+$0x15C20] =	vst v0  }
0x3b6: {  	s18 =	simm.s32 $0x0;
	s7 =	rddreg [dreg:$0xc];
	[tilespmem:s4+$0x15C30] =	vst v1  }
0x3b7: {  	[hbm4b:s7+s18] =	stream.linear.scatter [tilespmem:s29], [sflag:$0xB], $0x2000, $0x38;
	[tilespmem:$0x1DC00] =	vst v63  }
0x3b8: {  	_ =	swait.ge [sflag:s0], $0x2000  }
0x3b9: {  	[sflag:s0] =	ssyncset.done $0x0  }
0x3ba: {  	s22 =	rddreg [dreg:$0x18];
	[sflag:s0] =	ssyncadd.s32 $0xFFFFE000  }
0x3bb: {  	[tilespmem:s29], [sflag:$0xB] =	stream.linear.gather [spmem:s22], $0x1E00, $0x38;
	[tilespmem:$0x1DC00] =	vst v63  }
0x3bc: {  	_ =	swait.ge [sflag:s0], $0x1E00  }
0x3bd: {  	[sflag:s0] =	ssyncset.done $0x0  }
0x3be: {  	s4 =	simm.s32 $0x0;
	[sflag:s0] =	ssyncadd.s32 $0xFFFFE200  }
0x3bf: {  	v0 =	vld [tilespmem:s4+$0x15C00]  }
0x3c0: {  	v2 =	vld [tilespmem:s4+$0x15C10]  }
0x3c1: {  	s7 =	simm.s32 $0x100;
	v1 =	vld [tilespmem:s4+$0x15C20]  }
.LBB2_26:
0x3c2: {  	p0 =	sne.s32 s7, $0x7700;
	v3 =	vld [tilespmem:s4+$0x15C30];
	_ =	sdelay $0x1  }
0x3c3: {  	v0 =	vmul.f32 $3.333333430e-01, v0  }
.Ltmp13:
0x3c4: {  	v2 =	vmul.f32 $3.333333430e-01, v2;
	(pc) =	sbr.rel @p0 .LBB2_26-.Ltmp13, $4  }
0x3c5: {  	s10 =	sshra.s32 s7, $0x2;
	[tilespmem:s4+$0x15C00] =	vst v0;
	v1 =	vmul.f32 $3.333333430e-01, v1  }
0x3c6: {  	v0 =	vld [tilespmem:s10+$0x15C00];
	[tilespmem:s4+$0x15C10] =	vst v2;
	v3 =	vmul.f32 $3.333333430e-01, v3  }
0x3c7: {  	v2 =	vld [tilespmem:s10+$0x15C10];
	[tilespmem:s4+$0x15C20] =	vst v1  }
0x3c8: {  	s7 =	sadd.s32 $0x100, s7;
	v1 =	vld [tilespmem:s10+$0x15C20];
	[tilespmem:s4+$0x15C30] =	vst v3;
	s4 =	smov.u32 s10  }
0x3c9: {  	v3 =	vld [tilespmem:s4+$0x15C30];
	_ =	sdelay $0x1  }
0x3ca: {  	v0 =	vmul.f32 $3.333333430e-01, v0  }
0x3cb: {  	v2 =	vmul.f32 $3.333333430e-01, v2  }
0x3cc: {  	[tilespmem:s4+$0x15C00] =	vst v0;
	v62 =	vmul.f32 $3.333333430e-01, v1  }
0x3cd: {  	[tilespmem:s4+$0x15C10] =	vst v2;
	v63 =	vmul.f32 $3.333333430e-01, v3  }
0x3ce: {  	[tilespmem:s4+$0x15C20] =	vst v62  }
0x3cf: {  	s18 =	rddreg [dreg:$0xd];
	[tilespmem:s4+$0x15C30] =	vst v63  }
0x3d0: {  	[hbm4b:s18+s5] =	stream.linear.scatter [tilespmem:s29], [sflag:$0xB], $0x1E00, $0x38;
	[tilespmem:$0x1DC00] =	vst v63  }
0x3d1: {  	_ =	swait.ge [sflag:s0], $0x1E00  }
0x3d2: {  	s7 =	rddreg [dreg:$0x1c]  }
0x3d3: {  	s22 =	rddreg [dreg:$0x1a];
	s7 =	sadd.s32 $0x1, s7  }
0x3d4: {  	p0 =	sne.s32 s7, s22  }
.Ltmp14:
0x3d5: {  	_ = 	snop;
	(pc) =	sbr.rel @p0 .LBB2_1-.Ltmp14, $3  }
0x3d6: {  	_ =	sdelay $0x1  }
0x3d7: {  	[sflag:s0] =	ssyncset.done $0x0  }
0x3d8: {  	[sflag:s0] =	ssyncadd.s32 $0xFFFFE200  }
0x3d9: {  	_ =	sfence.sel $0x180000  }
0x3da: {  	[bflag:$0x0] =	sbarrier.arrive $0xFFFF  }
0x3db: {  	_ =	strace $0x90000047  }
0x3dc: {  	s0 =	stileid.u32;
	[bflag:$0x2] =	sbarrier.arrive $0xFFFF  }
0x3dd: {  	p0 =	sne.s32 s0, $0x0;
	s0 =	rddreg [dreg:$0x4]  }
0x3de: {  	s0 =	sadd.s32 @!p0 $0x100000, s0  }
0x3df: {  	[sflag:s0] =	ssyncadd.tile.s32 @!p0 $0x1;
	_ =	shalt  }
.Lfunc_end2:
_tile_overlayer_lowered:
.L_overlay_start_2:
0x3e0: {  	(tag) =	ssettag $0x2  }
0x3e1: {  	s0 =	rddreg [dreg:$0x0];
	s2 =	stileid.u32  }
0x3e2: {  	s1 =	rddreg [dreg:$0x1];
	p0 =	sne.s32 s2, $0x0  }
0x3e3: {  	s3 =	rddreg [dreg:$0x2];
	[bflag:$0x3] =	sbarrier.arrive $0xFFFF;
	s2 =	simm.s32 @!p0 $0x1C0B  }
0x3e4: {  	[timem:s3], [sflag:s2] =	dma.local @!p0 [hbm:s0], s1  }
0x3e5: {  	s0 =	simm.s32 @!p0 $0xB  }
0x3e6: {  	_ =	swait.ge @!p0 [sflag:s0], s1  }
0x3e7: {  	s1 =	ssub.s32 @!p0 $0x0, s1;
	[sflag:s0] =	ssyncset.done @!p0 $0x0  }
0x3e8: {  	[sflag:s0] =	ssyncadd.s32 @!p0 s1  }
0x3e9: {  	[bflag:$0x3] =	sbarrier.arrive $0xFFFF  }
0x3ea: {  	_ =	shalt  }

</sc_bundles>
